<compile_context>
chip_gen: v7x
topology: tpu7x:2x2x1
jax: 0.10.2.dev20260603
libtpu: 0.0.44.dev20260713+nightly
codegen_flags: <defaults>
</compile_context>

<pallas_src>
import functools

import jax
import jax.numpy as jnp
from jax import lax
from jax.experimental import pallas as pl
from jax.experimental.pallas import tpu as pltpu
from jax.experimental.pallas import tpu_sc as plsc

_MAXD = 128
_H = 16
_T = 2048
_WLEN = 4112
_NW = 32
_ROWS_PER_W = (_H * _T) // _NW
_GROUP = 8
_NJT = _T // 128
_TTL = 304
_BAND0 = 1896
_NFILL = (_BAND0 + 8) // 16


def _sc_bias(tt):
    mesh = plsc.VectorSubcoreMesh(core_axis_name="c", subcore_axis_name="s")

    @functools.partial(
        pl.kernel,
        out_type=jax.ShapeDtypeStruct((_H * (_T // 8) * _NJT, 8, 128), jnp.float32),
        mesh=mesh,
        scratch_types=[
            pltpu.VMEM((_GROUP, _WLEN), jnp.float32),
            pltpu.SemaphoreType.DMA,
        ],
        compiler_params=pltpu.CompilerParams(use_tc_tiling_on_sc=False),
    )
    def k(tt_hbm, out_hbm, w_v, sem):
        cid = lax.axis_index("c")
        sid = lax.axis_index("s")
        wid = sid * 2 + cid
        head = wid // 2
        half = wid % 2

        copies = [
            pltpu.async_copy(
                tt_hbm.at[s, head], w_v.at[s, pl.ds(_BAND0, _TTL)], sem
            )
            for s in range(_GROUP)
        ]
        for c in copies:
            c.wait()
        c_lo = [w_v[s, pl.ds(_BAND0, 16)] for s in range(_GROUP)]
        c_hi = [w_v[s, pl.ds(_BAND0 + _TTL - 16, 16)] for s in range(_GROUP)]

        def fill(g, carry):
            off = pl.multiple_of(g * 16, 16)
            for s in range(_GROUP):
                w_v[s, pl.ds(off, 16)] = c_lo[s]
                w_v[s, pl.ds(_BAND0 + 296 + off, 16)] = c_hi[s]
            return carry

        lax.fori_loop(0, _NFILL, fill, 0)

        def emit(g, carry):
            q = pl.multiple_of(_T - half * _ROWS_PER_W - _GROUP - g * _GROUP, 8)
            ig = (head * (_T // 8) + half * (_ROWS_PER_W // 8) + g) * _NJT
            copies = []
            for jt in range(_NJT):
                src = w_v.at[:, pl.ds(q + jt * 128, 128)]
                copies.append(pltpu.async_copy(src, out_hbm.at[ig + jt], sem))
            for c in copies:
                c.wait()
            return carry

        lax.fori_loop(0, _ROWS_PER_W // _GROUP, emit, 0)

    return k(tt)


def kernel(T, table):
    table_t = table.T
    parts = []
    for s in range(_GROUP):
        c = _GROUP - s
        lo = jnp.broadcast_to(table_t[:, :1], (_H, 24 - c))
        hi = jnp.broadcast_to(table_t[:, -1:], (_H, _TTL - 257 - (24 - c)))
        parts.append(jnp.concatenate([lo, table_t, hi], axis=1)[None])
    tt = jnp.concatenate(parts, axis=0)
    tiles = _sc_bias(tt)
    out = (
        tiles.reshape(_H, _T // 8, _NJT, 8, 128)
        .transpose(0, 1, 3, 2, 4)
        .reshape(1, _H, _T, _T)
    )
    return out

# --- scband reference (transcript-rebuilt; emitter-appended) ---
"""Pipeline reference for scband-relative-position-bias-85899345920480 (READ-ONLY COPY).

The authoritative reference and input builder live on the scoring server;
editing this copy changes nothing except your own understanding.
"""

import jax, jax.numpy as jnp
import numpy as np

MAX_DISTANCE = 128
NUM_HEADS = 16

def setup_inputs(seed: int = 0) -> dict:
    key = jax.random.key(seed)
    table = jax.random.normal(key, (2 * MAX_DISTANCE + 1, NUM_HEADS), dtype=jnp.float32) * 0.02
    return {"T": 2048, "table": table}

def reference(T, table):
    # Faithful translation of RelativePositionBias.forward
    pos = jnp.arange(2048) + (T - T)
    rel = pos[None, :] - pos[:, None]                      # [T, T]
    rel = jnp.clip(rel, -MAX_DISTANCE, MAX_DISTANCE)
    rel = rel + MAX_DISTANCE                               # indices in [0, 2*max_distance]
    bias = jnp.take(table, rel, axis=0)                    # [T, T, H] embedding gather
    bias = jnp.transpose(bias, (2, 0, 1))[None]            # [1, H, T, T]
    return bias

if __name__ == "__main__":
    import jax
    _d = setup_inputs()
    print(jax.jit(kernel)(*tuple(_d.values())))

</pallas_src>

<mosaic_0001>
#map = affine_map<(d0, d1) -> (0, 0, 0)>
module attributes {stable_mosaic.version = 14 : i64} {
  func.func @k(%arg0: i32, %arg1: i32, %arg2: memref<8x16x304xf32, #tpu.memory_space<hbm>>, %arg3: memref<65536x8x128xf32, #tpu.memory_space<hbm>>, %arg4: memref<8x4112xf32, #tpu.memory_space<vmem>>, %arg5: memref<!tpu.dma_semaphore, #tpu.memory_space<semaphore_mem>>) attributes {dimension_semantics = [#tpu.dimension_semantics<core_parallel>, #tpu.dimension_semantics<subcore_parallel>], iteration_bounds = array<i64: 2, 16>, scalar_prefetch = 0 : i64, scratch_operands = 2 : i64, tpu.core_type = #tpu.core_type<sc_vector_subcore>, window_params = [{transform_indices = #map}, {transform_indices = #map}]} {
    %mul3A = arith.constant 2 : i32
    %mul3A_0 = arith.muli %arg1, %mul3A : i32
    %add3A = arith.addi %mul3A_0, %arg0 : i32
    %jit3A = arith.constant 2 : i32
    %div3A = arith.divsi %add3A, %jit3A : i32
    %sign3A = arith.constant 0 : i32
    %sign3A_1 = arith.cmpi sgt, %add3A, %sign3A : i32
    %sign3A_2 = arith.extui %sign3A_1 : i1 to i32
    %sign3A_3 = arith.constant 0 : i32
    %sign3A_4 = arith.cmpi slt, %add3A, %sign3A_3 : i32
    %sign3A_5 = arith.extui %sign3A_4 : i1 to i32
    %sign3A_6 = arith.subi %sign3A_2, %sign3A_5 : i32
    %sign3A_7 = arith.constant 0 : i32
    %sign3A_8 = arith.cmpi sgt, %jit3A, %sign3A_7 : i32
    %sign3A_9 = arith.extui %sign3A_8 : i1 to i32
    %sign3A_10 = arith.constant 0 : i32
    %sign3A_11 = arith.cmpi slt, %jit3A, %sign3A_10 : i32
    %sign3A_12 = arith.extui %sign3A_11 : i1 to i32
    %sign3A_13 = arith.subi %sign3A_9, %sign3A_12 : i32
    %ne3A = arith.cmpi ne, %sign3A_6, %sign3A_13 : i32
    %rem3A = arith.remsi %add3A, %jit3A : i32
    %ne3A_14 = arith.constant 0 : i32
    %ne3A_15 = arith.cmpi ne, %rem3A, %ne3A_14 : i32
    %and3A = arith.andi %ne3A, %ne3A_15 : i1
    %sub3A = arith.constant 1 : i32
    %sub3A_16 = arith.subi %div3A, %sub3A : i32
    %select_n3A = arith.select %and3A, %sub3A_16, %div3A : i32
    %jit3A_17 = arith.constant 2 : i32
    %eq3A = arith.constant 0 : i32
    %eq3A_18 = arith.cmpi eq, %jit3A_17, %eq3A : i32
    %jit3A_19 = arith.constant 1 : i32
    %select_n3A_20 = arith.select %eq3A_18, %jit3A_19, %jit3A_17 : i32
    %rem3A_21 = arith.remsi %add3A, %select_n3A_20 : i32
    %ne3A_22 = arith.constant 0 : i32
    %ne3A_23 = arith.cmpi ne, %rem3A_21, %ne3A_22 : i32
    %lt3A = arith.constant 0 : i32
    %lt3A_24 = arith.cmpi slt, %rem3A_21, %lt3A : i32
    %lt3A_25 = arith.constant 0 : i32
    %lt3A_26 = arith.cmpi slt, %select_n3A_20, %lt3A_25 : i32
    %ne3A_27 = arith.xori %lt3A_24, %lt3A_26 : i1
    %and3A_28 = arith.andi %ne3A_27, %ne3A_23 : i1
    %add3A_29 = arith.addi %rem3A_21, %select_n3A_20 : i32
    %select_n3A_30 = arith.select %and3A_28, %add3A_29, %rem3A_21 : i32
    %dma_start3A = arith.constant 0 : i32
    %dma_start3A_31 = arith.constant 0 : i32
    %dma_start3A_32 = arith.constant 1896 : i32
    %dma_start3A_33 = tpu.memref_slice %arg4[%dma_start3A_31, %dma_start3A_32] : memref<8x4112xf32, #tpu.memory_space<vmem>> -> memref<1x304xf32, #tpu.memory_space<vmem>>
    %dma_start3A_34 = tpu.memref_squeeze %dma_start3A_33 : memref<1x304xf32, #tpu.memory_space<vmem>> -> memref<304xf32, #tpu.memory_space<vmem>>
    %dma_start3A_35 = arith.constant 0 : i32
    %dma_start3A_36 = tpu.memref_slice %arg2[%dma_start3A, %select_n3A, %dma_start3A_35] : memref<8x16x304xf32, #tpu.memory_space<hbm>> -> memref<1x1x304xf32, #tpu.memory_space<hbm>>
    %dma_start3A_37 = tpu.memref_squeeze %dma_start3A_36 : memref<1x1x304xf32, #tpu.memory_space<hbm>> -> memref<304xf32, #tpu.memory_space<hbm>>
    %dma_start3A_38 = arith.constant 1896 : i32
    %dma_start3A_39 = tpu.memref_slice %arg4[%dma_start3A_31, %dma_start3A_38] : memref<8x4112xf32, #tpu.memory_space<vmem>> -> memref<1x304xf32, #tpu.memory_space<vmem>>
    %dma_start3A_40 = tpu.memref_squeeze %dma_start3A_39 : memref<1x304xf32, #tpu.memory_space<vmem>> -> memref<304xf32, #tpu.memory_space<vmem>>
    %dma_start3A_41 = arith.constant 0 : i32
    %dma_start3A_42 = tpu.memref_slice %arg2[%dma_start3A, %select_n3A, %dma_start3A_41] : memref<8x16x304xf32, #tpu.memory_space<hbm>> -> memref<1x1x304xf32, #tpu.memory_space<hbm>>
    %dma_start3A_43 = tpu.memref_squeeze %dma_start3A_42 : memref<1x1x304xf32, #tpu.memory_space<hbm>> -> memref<304xf32, #tpu.memory_space<hbm>>
    tpu.enqueue_dma source(%dma_start3A_43 : memref<304xf32, #tpu.memory_space<hbm>>) target(%dma_start3A_40 : memref<304xf32, #tpu.memory_space<vmem>>) target_semaphore(%arg5 : memref<!tpu.dma_semaphore, #tpu.memory_space<semaphore_mem>>)
    %dma_start3A_44 = arith.constant 1 : i32
    %dma_start3A_45 = arith.constant 1 : i32
    %dma_start3A_46 = arith.constant 1896 : i32
    %dma_start3A_47 = tpu.memref_slice %arg4[%dma_start3A_45, %dma_start3A_46] : memref<8x4112xf32, #tpu.memory_space<vmem>> -> memref<1x304xf32, #tpu.memory_space<vmem>>
    %dma_start3A_48 = tpu.memref_squeeze %dma_start3A_47 : memref<1x304xf32, #tpu.memory_space<vmem>> -> memref<304xf32, #tpu.memory_space<vmem>>
    %dma_start3A_49 = arith.constant 0 : i32
    %dma_start3A_50 = tpu.memref_slice %arg2[%dma_start3A_44, %select_n3A, %dma_start3A_49] : memref<8x16x304xf32, #tpu.memory_space<hbm>> -> memref<1x1x304xf32, #tpu.memory_space<hbm>>
    %dma_start3A_51 = tpu.memref_squeeze %dma_start3A_50 : memref<1x1x304xf32, #tpu.memory_space<hbm>> -> memref<304xf32, #tpu.memory_space<hbm>>
    %dma_start3A_52 = arith.constant 1896 : i32
    %dma_start3A_53 = tpu.memref_slice %arg4[%dma_start3A_45, %dma_start3A_52] : memref<8x4112xf32, #tpu.memory_space<vmem>> -> memref<1x304xf32, #tpu.memory_space<vmem>>
    %dma_start3A_54 = tpu.memref_squeeze %dma_start3A_53 : memref<1x304xf32, #tpu.memory_space<vmem>> -> memref<304xf32, #tpu.memory_space<vmem>>
    %dma_start3A_55 = arith.constant 0 : i32
    %dma_start3A_56 = tpu.memref_slice %arg2[%dma_start3A_44, %select_n3A, %dma_start3A_55] : memref<8x16x304xf32, #tpu.memory_space<hbm>> -> memref<1x1x304xf32, #tpu.memory_space<hbm>>
    %dma_start3A_57 = tpu.memref_squeeze %dma_start3A_56 : memref<1x1x304xf32, #tpu.memory_space<hbm>> -> memref<304xf32, #tpu.memory_space<hbm>>
    tpu.enqueue_dma source(%dma_start3A_57 : memref<304xf32, #tpu.memory_space<hbm>>) target(%dma_start3A_54 : memref<304xf32, #tpu.memory_space<vmem>>) target_semaphore(%arg5 : memref<!tpu.dma_semaphore, #tpu.memory_space<semaphore_mem>>)
    %dma_start3A_58 = arith.constant 2 : i32
    %dma_start3A_59 = arith.constant 2 : i32
    %dma_start3A_60 = arith.constant 1896 : i32
    %dma_start3A_61 = tpu.memref_slice %arg4[%dma_start3A_59, %dma_start3A_60] : memref<8x4112xf32, #tpu.memory_space<vmem>> -> memref<1x304xf32, #tpu.memory_space<vmem>>
    %dma_start3A_62 = tpu.memref_squeeze %dma_start3A_61 : memref<1x304xf32, #tpu.memory_space<vmem>> -> memref<304xf32, #tpu.memory_space<vmem>>
    %dma_start3A_63 = arith.constant 0 : i32
    %dma_start3A_64 = tpu.memref_slice %arg2[%dma_start3A_58, %select_n3A, %dma_start3A_63] : memref<8x16x304xf32, #tpu.memory_space<hbm>> -> memref<1x1x304xf32, #tpu.memory_space<hbm>>
    %dma_start3A_65 = tpu.memref_squeeze %dma_start3A_64 : memref<1x1x304xf32, #tpu.memory_space<hbm>> -> memref<304xf32, #tpu.memory_space<hbm>>
    %dma_start3A_66 = arith.constant 1896 : i32
    %dma_start3A_67 = tpu.memref_slice %arg4[%dma_start3A_59, %dma_start3A_66] : memref<8x4112xf32, #tpu.memory_space<vmem>> -> memref<1x304xf32, #tpu.memory_space<vmem>>
    %dma_start3A_68 = tpu.memref_squeeze %dma_start3A_67 : memref<1x304xf32, #tpu.memory_space<vmem>> -> memref<304xf32, #tpu.memory_space<vmem>>
    %dma_start3A_69 = arith.constant 0 : i32
    %dma_start3A_70 = tpu.memref_slice %arg2[%dma_start3A_58, %select_n3A, %dma_start3A_69] : memref<8x16x304xf32, #tpu.memory_space<hbm>> -> memref<1x1x304xf32, #tpu.memory_space<hbm>>
    %dma_start3A_71 = tpu.memref_squeeze %dma_start3A_70 : memref<1x1x304xf32, #tpu.memory_space<hbm>> -> memref<304xf32, #tpu.memory_space<hbm>>
    tpu.enqueue_dma source(%dma_start3A_71 : memref<304xf32, #tpu.memory_space<hbm>>) target(%dma_start3A_68 : memref<304xf32, #tpu.memory_space<vmem>>) target_semaphore(%arg5 : memref<!tpu.dma_semaphore, #tpu.memory_space<semaphore_mem>>)
    %dma_start3A_72 = arith.constant 3 : i32
    %dma_start3A_73 = arith.constant 3 : i32
    %dma_start3A_74 = arith.constant 1896 : i32
    %dma_start3A_75 = tpu.memref_slice %arg4[%dma_start3A_73, %dma_start3A_74] : memref<8x4112xf32, #tpu.memory_space<vmem>> -> memref<1x304xf32, #tpu.memory_space<vmem>>
    %dma_start3A_76 = tpu.memref_squeeze %dma_start3A_75 : memref<1x304xf32, #tpu.memory_space<vmem>> -> memref<304xf32, #tpu.memory_space<vmem>>
    %dma_start3A_77 = arith.constant 0 : i32
    %dma_start3A_78 = tpu.memref_slice %arg2[%dma_start3A_72, %select_n3A, %dma_start3A_77] : memref<8x16x304xf32, #tpu.memory_space<hbm>> -> memref<1x1x304xf32, #tpu.memory_space<hbm>>
    %dma_start3A_79 = tpu.memref_squeeze %dma_start3A_78 : memref<1x1x304xf32, #tpu.memory_space<hbm>> -> memref<304xf32, #tpu.memory_space<hbm>>
    %dma_start3A_80 = arith.constant 1896 : i32
    %dma_start3A_81 = tpu.memref_slice %arg4[%dma_start3A_73, %dma_start3A_80] : memref<8x4112xf32, #tpu.memory_space<vmem>> -> memref<1x304xf32, #tpu.memory_space<vmem>>
    %dma_start3A_82 = tpu.memref_squeeze %dma_start3A_81 : memref<1x304xf32, #tpu.memory_space<vmem>> -> memref<304xf32, #tpu.memory_space<vmem>>
    %dma_start3A_83 = arith.constant 0 : i32
    %dma_start3A_84 = tpu.memref_slice %arg2[%dma_start3A_72, %select_n3A, %dma_start3A_83] : memref<8x16x304xf32, #tpu.memory_space<hbm>> -> memref<1x1x304xf32, #tpu.memory_space<hbm>>
    %dma_start3A_85 = tpu.memref_squeeze %dma_start3A_84 : memref<1x1x304xf32, #tpu.memory_space<hbm>> -> memref<304xf32, #tpu.memory_space<hbm>>
    tpu.enqueue_dma source(%dma_start3A_85 : memref<304xf32, #tpu.memory_space<hbm>>) target(%dma_start3A_82 : memref<304xf32, #tpu.memory_space<vmem>>) target_semaphore(%arg5 : memref<!tpu.dma_semaphore, #tpu.memory_space<semaphore_mem>>)
    %dma_start3A_86 = arith.constant 4 : i32
    %dma_start3A_87 = arith.constant 4 : i32
    %dma_start3A_88 = arith.constant 1896 : i32
    %dma_start3A_89 = tpu.memref_slice %arg4[%dma_start3A_87, %dma_start3A_88] : memref<8x4112xf32, #tpu.memory_space<vmem>> -> memref<1x304xf32, #tpu.memory_space<vmem>>
    %dma_start3A_90 = tpu.memref_squeeze %dma_start3A_89 : memref<1x304xf32, #tpu.memory_space<vmem>> -> memref<304xf32, #tpu.memory_space<vmem>>
    %dma_start3A_91 = arith.constant 0 : i32
    %dma_start3A_92 = tpu.memref_slice %arg2[%dma_start3A_86, %select_n3A, %dma_start3A_91] : memref<8x16x304xf32, #tpu.memory_space<hbm>> -> memref<1x1x304xf32, #tpu.memory_space<hbm>>
    %dma_start3A_93 = tpu.memref_squeeze %dma_start3A_92 : memref<1x1x304xf32, #tpu.memory_space<hbm>> -> memref<304xf32, #tpu.memory_space<hbm>>
    %dma_start3A_94 = arith.constant 1896 : i32
    %dma_start3A_95 = tpu.memref_slice %arg4[%dma_start3A_87, %dma_start3A_94] : memref<8x4112xf32, #tpu.memory_space<vmem>> -> memref<1x304xf32, #tpu.memory_space<vmem>>
    %dma_start3A_96 = tpu.memref_squeeze %dma_start3A_95 : memref<1x304xf32, #tpu.memory_space<vmem>> -> memref<304xf32, #tpu.memory_space<vmem>>
    %dma_start3A_97 = arith.constant 0 : i32
    %dma_start3A_98 = tpu.memref_slice %arg2[%dma_start3A_86, %select_n3A, %dma_start3A_97] : memref<8x16x304xf32, #tpu.memory_space<hbm>> -> memref<1x1x304xf32, #tpu.memory_space<hbm>>
    %dma_start3A_99 = tpu.memref_squeeze %dma_start3A_98 : memref<1x1x304xf32, #tpu.memory_space<hbm>> -> memref<304xf32, #tpu.memory_space<hbm>>
    tpu.enqueue_dma source(%dma_start3A_99 : memref<304xf32, #tpu.memory_space<hbm>>) target(%dma_start3A_96 : memref<304xf32, #tpu.memory_space<vmem>>) target_semaphore(%arg5 : memref<!tpu.dma_semaphore, #tpu.memory_space<semaphore_mem>>)
    %dma_start3A_100 = arith.constant 5 : i32
    %dma_start3A_101 = arith.constant 5 : i32
    %dma_start3A_102 = arith.constant 1896 : i32
    %dma_start3A_103 = tpu.memref_slice %arg4[%dma_start3A_101, %dma_start3A_102] : memref<8x4112xf32, #tpu.memory_space<vmem>> -> memref<1x304xf32, #tpu.memory_space<vmem>>
    %dma_start3A_104 = tpu.memref_squeeze %dma_start3A_103 : memref<1x304xf32, #tpu.memory_space<vmem>> -> memref<304xf32, #tpu.memory_space<vmem>>
    %dma_start3A_105 = arith.constant 0 : i32
    %dma_start3A_106 = tpu.memref_slice %arg2[%dma_start3A_100, %select_n3A, %dma_start3A_105] : memref<8x16x304xf32, #tpu.memory_space<hbm>> -> memref<1x1x304xf32, #tpu.memory_space<hbm>>
    %dma_start3A_107 = tpu.memref_squeeze %dma_start3A_106 : memref<1x1x304xf32, #tpu.memory_space<hbm>> -> memref<304xf32, #tpu.memory_space<hbm>>
    %dma_start3A_108 = arith.constant 1896 : i32
    %dma_start3A_109 = tpu.memref_slice %arg4[%dma_start3A_101, %dma_start3A_108] : memref<8x4112xf32, #tpu.memory_space<vmem>> -> memref<1x304xf32, #tpu.memory_space<vmem>>
    %dma_start3A_110 = tpu.memref_squeeze %dma_start3A_109 : memref<1x304xf32, #tpu.memory_space<vmem>> -> memref<304xf32, #tpu.memory_space<vmem>>
    %dma_start3A_111 = arith.constant 0 : i32
    %dma_start3A_112 = tpu.memref_slice %arg2[%dma_start3A_100, %select_n3A, %dma_start3A_111] : memref<8x16x304xf32, #tpu.memory_space<hbm>> -> memref<1x1x304xf32, #tpu.memory_space<hbm>>
    %dma_start3A_113 = tpu.memref_squeeze %dma_start3A_112 : memref<1x1x304xf32, #tpu.memory_space<hbm>> -> memref<304xf32, #tpu.memory_space<hbm>>
    tpu.enqueue_dma source(%dma_start3A_113 : memref<304xf32, #tpu.memory_space<hbm>>) target(%dma_start3A_110 : memref<304xf32, #tpu.memory_space<vmem>>) target_semaphore(%arg5 : memref<!tpu.dma_semaphore, #tpu.memory_space<semaphore_mem>>)
    %dma_start3A_114 = arith.constant 6 : i32
    %dma_start3A_115 = arith.constant 6 : i32
    %dma_start3A_116 = arith.constant 1896 : i32
    %dma_start3A_117 = tpu.memref_slice %arg4[%dma_start3A_115, %dma_start3A_116] : memref<8x4112xf32, #tpu.memory_space<vmem>> -> memref<1x304xf32, #tpu.memory_space<vmem>>
    %dma_start3A_118 = tpu.memref_squeeze %dma_start3A_117 : memref<1x304xf32, #tpu.memory_space<vmem>> -> memref<304xf32, #tpu.memory_space<vmem>>
    %dma_start3A_119 = arith.constant 0 : i32
    %dma_start3A_120 = tpu.memref_slice %arg2[%dma_start3A_114, %select_n3A, %dma_start3A_119] : memref<8x16x304xf32, #tpu.memory_space<hbm>> -> memref<1x1x304xf32, #tpu.memory_space<hbm>>
    %dma_start3A_121 = tpu.memref_squeeze %dma_start3A_120 : memref<1x1x304xf32, #tpu.memory_space<hbm>> -> memref<304xf32, #tpu.memory_space<hbm>>
    %dma_start3A_122 = arith.constant 1896 : i32
    %dma_start3A_123 = tpu.memref_slice %arg4[%dma_start3A_115, %dma_start3A_122] : memref<8x4112xf32, #tpu.memory_space<vmem>> -> memref<1x304xf32, #tpu.memory_space<vmem>>
    %dma_start3A_124 = tpu.memref_squeeze %dma_start3A_123 : memref<1x304xf32, #tpu.memory_space<vmem>> -> memref<304xf32, #tpu.memory_space<vmem>>
    %dma_start3A_125 = arith.constant 0 : i32
    %dma_start3A_126 = tpu.memref_slice %arg2[%dma_start3A_114, %select_n3A, %dma_start3A_125] : memref<8x16x304xf32, #tpu.memory_space<hbm>> -> memref<1x1x304xf32, #tpu.memory_space<hbm>>
    %dma_start3A_127 = tpu.memref_squeeze %dma_start3A_126 : memref<1x1x304xf32, #tpu.memory_space<hbm>> -> memref<304xf32, #tpu.memory_space<hbm>>
    tpu.enqueue_dma source(%dma_start3A_127 : memref<304xf32, #tpu.memory_space<hbm>>) target(%dma_start3A_124 : memref<304xf32, #tpu.memory_space<vmem>>) target_semaphore(%arg5 : memref<!tpu.dma_semaphore, #tpu.memory_space<semaphore_mem>>)
    %dma_start3A_128 = arith.constant 7 : i32
    %dma_start3A_129 = arith.constant 7 : i32
    %dma_start3A_130 = arith.constant 1896 : i32
    %dma_start3A_131 = tpu.memref_slice %arg4[%dma_start3A_129, %dma_start3A_130] : memref<8x4112xf32, #tpu.memory_space<vmem>> -> memref<1x304xf32, #tpu.memory_space<vmem>>
    %dma_start3A_132 = tpu.memref_squeeze %dma_start3A_131 : memref<1x304xf32, #tpu.memory_space<vmem>> -> memref<304xf32, #tpu.memory_space<vmem>>
    %dma_start3A_133 = arith.constant 0 : i32
    %dma_start3A_134 = tpu.memref_slice %arg2[%dma_start3A_128, %select_n3A, %dma_start3A_133] : memref<8x16x304xf32, #tpu.memory_space<hbm>> -> memref<1x1x304xf32, #tpu.memory_space<hbm>>
    %dma_start3A_135 = tpu.memref_squeeze %dma_start3A_134 : memref<1x1x304xf32, #tpu.memory_space<hbm>> -> memref<304xf32, #tpu.memory_space<hbm>>
    %dma_start3A_136 = arith.constant 1896 : i32
    %dma_start3A_137 = tpu.memref_slice %arg4[%dma_start3A_129, %dma_start3A_136] : memref<8x4112xf32, #tpu.memory_space<vmem>> -> memref<1x304xf32, #tpu.memory_space<vmem>>
    %dma_start3A_138 = tpu.memref_squeeze %dma_start3A_137 : memref<1x304xf32, #tpu.memory_space<vmem>> -> memref<304xf32, #tpu.memory_space<vmem>>
    %dma_start3A_139 = arith.constant 0 : i32
    %dma_start3A_140 = tpu.memref_slice %arg2[%dma_start3A_128, %select_n3A, %dma_start3A_139] : memref<8x16x304xf32, #tpu.memory_space<hbm>> -> memref<1x1x304xf32, #tpu.memory_space<hbm>>
    %dma_start3A_141 = tpu.memref_squeeze %dma_start3A_140 : memref<1x1x304xf32, #tpu.memory_space<hbm>> -> memref<304xf32, #tpu.memory_space<hbm>>
    tpu.enqueue_dma source(%dma_start3A_141 : memref<304xf32, #tpu.memory_space<hbm>>) target(%dma_start3A_138 : memref<304xf32, #tpu.memory_space<vmem>>) target_semaphore(%arg5 : memref<!tpu.dma_semaphore, #tpu.memory_space<semaphore_mem>>)
    %dma_wait3A = arith.constant 0 : i32
    %dma_wait3A_142 = arith.constant 0 : i32
    %dma_wait3A_143 = arith.constant 1896 : i32
    %dma_wait3A_144 = tpu.memref_slice %arg4[%dma_wait3A_142, %dma_wait3A_143] : memref<8x4112xf32, #tpu.memory_space<vmem>> -> memref<1x304xf32, #tpu.memory_space<vmem>>
    %dma_wait3A_145 = tpu.memref_squeeze %dma_wait3A_144 : memref<1x304xf32, #tpu.memory_space<vmem>> -> memref<304xf32, #tpu.memory_space<vmem>>
    %dma_wait3A_146 = arith.constant 0 : i32
    %dma_wait3A_147 = tpu.memref_slice %arg2[%dma_wait3A, %select_n3A, %dma_wait3A_146] : memref<8x16x304xf32, #tpu.memory_space<hbm>> -> memref<1x1x304xf32, #tpu.memory_space<hbm>>
    %dma_wait3A_148 = tpu.memref_squeeze %dma_wait3A_147 : memref<1x1x304xf32, #tpu.memory_space<hbm>> -> memref<304xf32, #tpu.memory_space<hbm>>
    %dma_wait3A_149 = arith.constant 1896 : i32
    %dma_wait3A_150 = tpu.memref_slice %arg4[%dma_wait3A_142, %dma_wait3A_149] : memref<8x4112xf32, #tpu.memory_space<vmem>> -> memref<1x304xf32, #tpu.memory_space<vmem>>
    %dma_wait3A_151 = tpu.memref_squeeze %dma_wait3A_150 : memref<1x304xf32, #tpu.memory_space<vmem>> -> memref<304xf32, #tpu.memory_space<vmem>>
    %dma_wait3A_152 = arith.constant 0 : i32
    %dma_wait3A_153 = tpu.memref_slice %arg2[%dma_wait3A, %select_n3A, %dma_wait3A_152] : memref<8x16x304xf32, #tpu.memory_space<hbm>> -> memref<1x1x304xf32, #tpu.memory_space<hbm>>
    %dma_wait3A_154 = tpu.memref_squeeze %dma_wait3A_153 : memref<1x1x304xf32, #tpu.memory_space<hbm>> -> memref<304xf32, #tpu.memory_space<hbm>>
    tpu.wait_dma2 semaphore(%arg5 : memref<!tpu.dma_semaphore, #tpu.memory_space<semaphore_mem>>) src(%dma_wait3A_154 : memref<304xf32, #tpu.memory_space<hbm>>) dst(%dma_wait3A_151 : memref<304xf32, #tpu.memory_space<vmem>>)
    %dma_wait3A_155 = arith.constant 1 : i32
    %dma_wait3A_156 = arith.constant 1 : i32
    %dma_wait3A_157 = arith.constant 1896 : i32
    %dma_wait3A_158 = tpu.memref_slice %arg4[%dma_wait3A_156, %dma_wait3A_157] : memref<8x4112xf32, #tpu.memory_space<vmem>> -> memref<1x304xf32, #tpu.memory_space<vmem>>
    %dma_wait3A_159 = tpu.memref_squeeze %dma_wait3A_158 : memref<1x304xf32, #tpu.memory_space<vmem>> -> memref<304xf32, #tpu.memory_space<vmem>>
    %dma_wait3A_160 = arith.constant 0 : i32
    %dma_wait3A_161 = tpu.memref_slice %arg2[%dma_wait3A_155, %select_n3A, %dma_wait3A_160] : memref<8x16x304xf32, #tpu.memory_space<hbm>> -> memref<1x1x304xf32, #tpu.memory_space<hbm>>
    %dma_wait3A_162 = tpu.memref_squeeze %dma_wait3A_161 : memref<1x1x304xf32, #tpu.memory_space<hbm>> -> memref<304xf32, #tpu.memory_space<hbm>>
    %dma_wait3A_163 = arith.constant 1896 : i32
    %dma_wait3A_164 = tpu.memref_slice %arg4[%dma_wait3A_156, %dma_wait3A_163] : memref<8x4112xf32, #tpu.memory_space<vmem>> -> memref<1x304xf32, #tpu.memory_space<vmem>>
    %dma_wait3A_165 = tpu.memref_squeeze %dma_wait3A_164 : memref<1x304xf32, #tpu.memory_space<vmem>> -> memref<304xf32, #tpu.memory_space<vmem>>
    %dma_wait3A_166 = arith.constant 0 : i32
    %dma_wait3A_167 = tpu.memref_slice %arg2[%dma_wait3A_155, %select_n3A, %dma_wait3A_166] : memref<8x16x304xf32, #tpu.memory_space<hbm>> -> memref<1x1x304xf32, #tpu.memory_space<hbm>>
    %dma_wait3A_168 = tpu.memref_squeeze %dma_wait3A_167 : memref<1x1x304xf32, #tpu.memory_space<hbm>> -> memref<304xf32, #tpu.memory_space<hbm>>
    tpu.wait_dma2 semaphore(%arg5 : memref<!tpu.dma_semaphore, #tpu.memory_space<semaphore_mem>>) src(%dma_wait3A_168 : memref<304xf32, #tpu.memory_space<hbm>>) dst(%dma_wait3A_165 : memref<304xf32, #tpu.memory_space<vmem>>)
    %dma_wait3A_169 = arith.constant 2 : i32
    %dma_wait3A_170 = arith.constant 2 : i32
    %dma_wait3A_171 = arith.constant 1896 : i32
    %dma_wait3A_172 = tpu.memref_slice %arg4[%dma_wait3A_170, %dma_wait3A_171] : memref<8x4112xf32, #tpu.memory_space<vmem>> -> memref<1x304xf32, #tpu.memory_space<vmem>>
    %dma_wait3A_173 = tpu.memref_squeeze %dma_wait3A_172 : memref<1x304xf32, #tpu.memory_space<vmem>> -> memref<304xf32, #tpu.memory_space<vmem>>
    %dma_wait3A_174 = arith.constant 0 : i32
    %dma_wait3A_175 = tpu.memref_slice %arg2[%dma_wait3A_169, %select_n3A, %dma_wait3A_174] : memref<8x16x304xf32, #tpu.memory_space<hbm>> -> memref<1x1x304xf32, #tpu.memory_space<hbm>>
    %dma_wait3A_176 = tpu.memref_squeeze %dma_wait3A_175 : memref<1x1x304xf32, #tpu.memory_space<hbm>> -> memref<304xf32, #tpu.memory_space<hbm>>
    %dma_wait3A_177 = arith.constant 1896 : i32
    %dma_wait3A_178 = tpu.memref_slice %arg4[%dma_wait3A_170, %dma_wait3A_177] : memref<8x4112xf32, #tpu.memory_space<vmem>> -> memref<1x304xf32, #tpu.memory_space<vmem>>
    %dma_wait3A_179 = tpu.memref_squeeze %dma_wait3A_178 : memref<1x304xf32, #tpu.memory_space<vmem>> -> memref<304xf32, #tpu.memory_space<vmem>>
    %dma_wait3A_180 = arith.constant 0 : i32
    %dma_wait3A_181 = tpu.memref_slice %arg2[%dma_wait3A_169, %select_n3A, %dma_wait3A_180] : memref<8x16x304xf32, #tpu.memory_space<hbm>> -> memref<1x1x304xf32, #tpu.memory_space<hbm>>
    %dma_wait3A_182 = tpu.memref_squeeze %dma_wait3A_181 : memref<1x1x304xf32, #tpu.memory_space<hbm>> -> memref<304xf32, #tpu.memory_space<hbm>>
    tpu.wait_dma2 semaphore(%arg5 : memref<!tpu.dma_semaphore, #tpu.memory_space<semaphore_mem>>) src(%dma_wait3A_182 : memref<304xf32, #tpu.memory_space<hbm>>) dst(%dma_wait3A_179 : memref<304xf32, #tpu.memory_space<vmem>>)
    %dma_wait3A_183 = arith.constant 3 : i32
    %dma_wait3A_184 = arith.constant 3 : i32
    %dma_wait3A_185 = arith.constant 1896 : i32
    %dma_wait3A_186 = tpu.memref_slice %arg4[%dma_wait3A_184, %dma_wait3A_185] : memref<8x4112xf32, #tpu.memory_space<vmem>> -> memref<1x304xf32, #tpu.memory_space<vmem>>
    %dma_wait3A_187 = tpu.memref_squeeze %dma_wait3A_186 : memref<1x304xf32, #tpu.memory_space<vmem>> -> memref<304xf32, #tpu.memory_space<vmem>>
    %dma_wait3A_188 = arith.constant 0 : i32
    %dma_wait3A_189 = tpu.memref_slice %arg2[%dma_wait3A_183, %select_n3A, %dma_wait3A_188] : memref<8x16x304xf32, #tpu.memory_space<hbm>> -> memref<1x1x304xf32, #tpu.memory_space<hbm>>
    %dma_wait3A_190 = tpu.memref_squeeze %dma_wait3A_189 : memref<1x1x304xf32, #tpu.memory_space<hbm>> -> memref<304xf32, #tpu.memory_space<hbm>>
    %dma_wait3A_191 = arith.constant 1896 : i32
    %dma_wait3A_192 = tpu.memref_slice %arg4[%dma_wait3A_184, %dma_wait3A_191] : memref<8x4112xf32, #tpu.memory_space<vmem>> -> memref<1x304xf32, #tpu.memory_space<vmem>>
    %dma_wait3A_193 = tpu.memref_squeeze %dma_wait3A_192 : memref<1x304xf32, #tpu.memory_space<vmem>> -> memref<304xf32, #tpu.memory_space<vmem>>
    %dma_wait3A_194 = arith.constant 0 : i32
    %dma_wait3A_195 = tpu.memref_slice %arg2[%dma_wait3A_183, %select_n3A, %dma_wait3A_194] : memref<8x16x304xf32, #tpu.memory_space<hbm>> -> memref<1x1x304xf32, #tpu.memory_space<hbm>>
    %dma_wait3A_196 = tpu.memref_squeeze %dma_wait3A_195 : memref<1x1x304xf32, #tpu.memory_space<hbm>> -> memref<304xf32, #tpu.memory_space<hbm>>
    tpu.wait_dma2 semaphore(%arg5 : memref<!tpu.dma_semaphore, #tpu.memory_space<semaphore_mem>>) src(%dma_wait3A_196 : memref<304xf32, #tpu.memory_space<hbm>>) dst(%dma_wait3A_193 : memref<304xf32, #tpu.memory_space<vmem>>)
    %dma_wait3A_197 = arith.constant 4 : i32
    %dma_wait3A_198 = arith.constant 4 : i32
    %dma_wait3A_199 = arith.constant 1896 : i32
    %dma_wait3A_200 = tpu.memref_slice %arg4[%dma_wait3A_198, %dma_wait3A_199] : memref<8x4112xf32, #tpu.memory_space<vmem>> -> memref<1x304xf32, #tpu.memory_space<vmem>>
    %dma_wait3A_201 = tpu.memref_squeeze %dma_wait3A_200 : memref<1x304xf32, #tpu.memory_space<vmem>> -> memref<304xf32, #tpu.memory_space<vmem>>
    %dma_wait3A_202 = arith.constant 0 : i32
    %dma_wait3A_203 = tpu.memref_slice %arg2[%dma_wait3A_197, %select_n3A, %dma_wait3A_202] : memref<8x16x304xf32, #tpu.memory_space<hbm>> -> memref<1x1x304xf32, #tpu.memory_space<hbm>>
    %dma_wait3A_204 = tpu.memref_squeeze %dma_wait3A_203 : memref<1x1x304xf32, #tpu.memory_space<hbm>> -> memref<304xf32, #tpu.memory_space<hbm>>
    %dma_wait3A_205 = arith.constant 1896 : i32
    %dma_wait3A_206 = tpu.memref_slice %arg4[%dma_wait3A_198, %dma_wait3A_205] : memref<8x4112xf32, #tpu.memory_space<vmem>> -> memref<1x304xf32, #tpu.memory_space<vmem>>
    %dma_wait3A_207 = tpu.memref_squeeze %dma_wait3A_206 : memref<1x304xf32, #tpu.memory_space<vmem>> -> memref<304xf32, #tpu.memory_space<vmem>>
    %dma_wait3A_208 = arith.constant 0 : i32
    %dma_wait3A_209 = tpu.memref_slice %arg2[%dma_wait3A_197, %select_n3A, %dma_wait3A_208] : memref<8x16x304xf32, #tpu.memory_space<hbm>> -> memref<1x1x304xf32, #tpu.memory_space<hbm>>
    %dma_wait3A_210 = tpu.memref_squeeze %dma_wait3A_209 : memref<1x1x304xf32, #tpu.memory_space<hbm>> -> memref<304xf32, #tpu.memory_space<hbm>>
    tpu.wait_dma2 semaphore(%arg5 : memref<!tpu.dma_semaphore, #tpu.memory_space<semaphore_mem>>) src(%dma_wait3A_210 : memref<304xf32, #tpu.memory_space<hbm>>) dst(%dma_wait3A_207 : memref<304xf32, #tpu.memory_space<vmem>>)
    %dma_wait3A_211 = arith.constant 5 : i32
    %dma_wait3A_212 = arith.constant 5 : i32
    %dma_wait3A_213 = arith.constant 1896 : i32
    %dma_wait3A_214 = tpu.memref_slice %arg4[%dma_wait3A_212, %dma_wait3A_213] : memref<8x4112xf32, #tpu.memory_space<vmem>> -> memref<1x304xf32, #tpu.memory_space<vmem>>
    %dma_wait3A_215 = tpu.memref_squeeze %dma_wait3A_214 : memref<1x304xf32, #tpu.memory_space<vmem>> -> memref<304xf32, #tpu.memory_space<vmem>>
    %dma_wait3A_216 = arith.constant 0 : i32
    %dma_wait3A_217 = tpu.memref_slice %arg2[%dma_wait3A_211, %select_n3A, %dma_wait3A_216] : memref<8x16x304xf32, #tpu.memory_space<hbm>> -> memref<1x1x304xf32, #tpu.memory_space<hbm>>
    %dma_wait3A_218 = tpu.memref_squeeze %dma_wait3A_217 : memref<1x1x304xf32, #tpu.memory_space<hbm>> -> memref<304xf32, #tpu.memory_space<hbm>>
    %dma_wait3A_219 = arith.constant 1896 : i32
    %dma_wait3A_220 = tpu.memref_slice %arg4[%dma_wait3A_212, %dma_wait3A_219] : memref<8x4112xf32, #tpu.memory_space<vmem>> -> memref<1x304xf32, #tpu.memory_space<vmem>>
    %dma_wait3A_221 = tpu.memref_squeeze %dma_wait3A_220 : memref<1x304xf32, #tpu.memory_space<vmem>> -> memref<304xf32, #tpu.memory_space<vmem>>
    %dma_wait3A_222 = arith.constant 0 : i32
    %dma_wait3A_223 = tpu.memref_slice %arg2[%dma_wait3A_211, %select_n3A, %dma_wait3A_222] : memref<8x16x304xf32, #tpu.memory_space<hbm>> -> memref<1x1x304xf32, #tpu.memory_space<hbm>>
    %dma_wait3A_224 = tpu.memref_squeeze %dma_wait3A_223 : memref<1x1x304xf32, #tpu.memory_space<hbm>> -> memref<304xf32, #tpu.memory_space<hbm>>
    tpu.wait_dma2 semaphore(%arg5 : memref<!tpu.dma_semaphore, #tpu.memory_space<semaphore_mem>>) src(%dma_wait3A_224 : memref<304xf32, #tpu.memory_space<hbm>>) dst(%dma_wait3A_221 : memref<304xf32, #tpu.memory_space<vmem>>)
    %dma_wait3A_225 = arith.constant 6 : i32
    %dma_wait3A_226 = arith.constant 6 : i32
    %dma_wait3A_227 = arith.constant 1896 : i32
    %dma_wait3A_228 = tpu.memref_slice %arg4[%dma_wait3A_226, %dma_wait3A_227] : memref<8x4112xf32, #tpu.memory_space<vmem>> -> memref<1x304xf32, #tpu.memory_space<vmem>>
    %dma_wait3A_229 = tpu.memref_squeeze %dma_wait3A_228 : memref<1x304xf32, #tpu.memory_space<vmem>> -> memref<304xf32, #tpu.memory_space<vmem>>
    %dma_wait3A_230 = arith.constant 0 : i32
    %dma_wait3A_231 = tpu.memref_slice %arg2[%dma_wait3A_225, %select_n3A, %dma_wait3A_230] : memref<8x16x304xf32, #tpu.memory_space<hbm>> -> memref<1x1x304xf32, #tpu.memory_space<hbm>>
    %dma_wait3A_232 = tpu.memref_squeeze %dma_wait3A_231 : memref<1x1x304xf32, #tpu.memory_space<hbm>> -> memref<304xf32, #tpu.memory_space<hbm>>
    %dma_wait3A_233 = arith.constant 1896 : i32
    %dma_wait3A_234 = tpu.memref_slice %arg4[%dma_wait3A_226, %dma_wait3A_233] : memref<8x4112xf32, #tpu.memory_space<vmem>> -> memref<1x304xf32, #tpu.memory_space<vmem>>
    %dma_wait3A_235 = tpu.memref_squeeze %dma_wait3A_234 : memref<1x304xf32, #tpu.memory_space<vmem>> -> memref<304xf32, #tpu.memory_space<vmem>>
    %dma_wait3A_236 = arith.constant 0 : i32
    %dma_wait3A_237 = tpu.memref_slice %arg2[%dma_wait3A_225, %select_n3A, %dma_wait3A_236] : memref<8x16x304xf32, #tpu.memory_space<hbm>> -> memref<1x1x304xf32, #tpu.memory_space<hbm>>
    %dma_wait3A_238 = tpu.memref_squeeze %dma_wait3A_237 : memref<1x1x304xf32, #tpu.memory_space<hbm>> -> memref<304xf32, #tpu.memory_space<hbm>>
    tpu.wait_dma2 semaphore(%arg5 : memref<!tpu.dma_semaphore, #tpu.memory_space<semaphore_mem>>) src(%dma_wait3A_238 : memref<304xf32, #tpu.memory_space<hbm>>) dst(%dma_wait3A_235 : memref<304xf32, #tpu.memory_space<vmem>>)
    %dma_wait3A_239 = arith.constant 7 : i32
    %dma_wait3A_240 = arith.constant 7 : i32
    %dma_wait3A_241 = arith.constant 1896 : i32
    %dma_wait3A_242 = tpu.memref_slice %arg4[%dma_wait3A_240, %dma_wait3A_241] : memref<8x4112xf32, #tpu.memory_space<vmem>> -> memref<1x304xf32, #tpu.memory_space<vmem>>
    %dma_wait3A_243 = tpu.memref_squeeze %dma_wait3A_242 : memref<1x304xf32, #tpu.memory_space<vmem>> -> memref<304xf32, #tpu.memory_space<vmem>>
    %dma_wait3A_244 = arith.constant 0 : i32
    %dma_wait3A_245 = tpu.memref_slice %arg2[%dma_wait3A_239, %select_n3A, %dma_wait3A_244] : memref<8x16x304xf32, #tpu.memory_space<hbm>> -> memref<1x1x304xf32, #tpu.memory_space<hbm>>
    %dma_wait3A_246 = tpu.memref_squeeze %dma_wait3A_245 : memref<1x1x304xf32, #tpu.memory_space<hbm>> -> memref<304xf32, #tpu.memory_space<hbm>>
    %dma_wait3A_247 = arith.constant 1896 : i32
    %dma_wait3A_248 = tpu.memref_slice %arg4[%dma_wait3A_240, %dma_wait3A_247] : memref<8x4112xf32, #tpu.memory_space<vmem>> -> memref<1x304xf32, #tpu.memory_space<vmem>>
    %dma_wait3A_249 = tpu.memref_squeeze %dma_wait3A_248 : memref<1x304xf32, #tpu.memory_space<vmem>> -> memref<304xf32, #tpu.memory_space<vmem>>
    %dma_wait3A_250 = arith.constant 0 : i32
    %dma_wait3A_251 = tpu.memref_slice %arg2[%dma_wait3A_239, %select_n3A, %dma_wait3A_250] : memref<8x16x304xf32, #tpu.memory_space<hbm>> -> memref<1x1x304xf32, #tpu.memory_space<hbm>>
    %dma_wait3A_252 = tpu.memref_squeeze %dma_wait3A_251 : memref<1x1x304xf32, #tpu.memory_space<hbm>> -> memref<304xf32, #tpu.memory_space<hbm>>
    tpu.wait_dma2 semaphore(%arg5 : memref<!tpu.dma_semaphore, #tpu.memory_space<semaphore_mem>>) src(%dma_wait3A_252 : memref<304xf32, #tpu.memory_space<hbm>>) dst(%dma_wait3A_249 : memref<304xf32, #tpu.memory_space<vmem>>)
    %get3A = arith.constant 0 : i32
    %get3A_253 = arith.index_cast %get3A : i32 to index
    %get3A_254 = arith.constant 1896 : index
    %get3A_255 = tpu.vector_load %arg4[%get3A_253, %get3A_254] {strides = array<i32>} : memref<8x4112xf32, #tpu.memory_space<vmem>>, vector<1x16xf32>,
    %get3A_256 = vector.shape_cast %get3A_255 : vector<1x16xf32> to vector<16xf32>
    %get3A_257 = arith.constant 1 : i32
    %get3A_258 = arith.index_cast %get3A_257 : i32 to index
    %get3A_259 = arith.constant 1896 : index
    %get3A_260 = tpu.vector_load %arg4[%get3A_258, %get3A_259] {strides = array<i32>} : memref<8x4112xf32, #tpu.memory_space<vmem>>, vector<1x16xf32>,
    %get3A_261 = vector.shape_cast %get3A_260 : vector<1x16xf32> to vector<16xf32>
    %get3A_262 = arith.constant 2 : i32
    %get3A_263 = arith.index_cast %get3A_262 : i32 to index
    %get3A_264 = arith.constant 1896 : index
    %get3A_265 = tpu.vector_load %arg4[%get3A_263, %get3A_264] {strides = array<i32>} : memref<8x4112xf32, #tpu.memory_space<vmem>>, vector<1x16xf32>,
    %get3A_266 = vector.shape_cast %get3A_265 : vector<1x16xf32> to vector<16xf32>
    %get3A_267 = arith.constant 3 : i32
    %get3A_268 = arith.index_cast %get3A_267 : i32 to index
    %get3A_269 = arith.constant 1896 : index
    %get3A_270 = tpu.vector_load %arg4[%get3A_268, %get3A_269] {strides = array<i32>} : memref<8x4112xf32, #tpu.memory_space<vmem>>, vector<1x16xf32>,
    %get3A_271 = vector.shape_cast %get3A_270 : vector<1x16xf32> to vector<16xf32>
    %get3A_272 = arith.constant 4 : i32
    %get3A_273 = arith.index_cast %get3A_272 : i32 to index
    %get3A_274 = arith.constant 1896 : index
    %get3A_275 = tpu.vector_load %arg4[%get3A_273, %get3A_274] {strides = array<i32>} : memref<8x4112xf32, #tpu.memory_space<vmem>>, vector<1x16xf32>,
    %get3A_276 = vector.shape_cast %get3A_275 : vector<1x16xf32> to vector<16xf32>
    %get3A_277 = arith.constant 5 : i32
    %get3A_278 = arith.index_cast %get3A_277 : i32 to index
    %get3A_279 = arith.constant 1896 : index
    %get3A_280 = tpu.vector_load %arg4[%get3A_278, %get3A_279] {strides = array<i32>} : memref<8x4112xf32, #tpu.memory_space<vmem>>, vector<1x16xf32>,
    %get3A_281 = vector.shape_cast %get3A_280 : vector<1x16xf32> to vector<16xf32>
    %get3A_282 = arith.constant 6 : i32
    %get3A_283 = arith.index_cast %get3A_282 : i32 to index
    %get3A_284 = arith.constant 1896 : index
    %get3A_285 = tpu.vector_load %arg4[%get3A_283, %get3A_284] {strides = array<i32>} : memref<8x4112xf32, #tpu.memory_space<vmem>>, vector<1x16xf32>,
    %get3A_286 = vector.shape_cast %get3A_285 : vector<1x16xf32> to vector<16xf32>
    %get3A_287 = arith.constant 7 : i32
    %get3A_288 = arith.index_cast %get3A_287 : i32 to index
    %get3A_289 = arith.constant 1896 : index
    %get3A_290 = tpu.vector_load %arg4[%get3A_288, %get3A_289] {strides = array<i32>} : memref<8x4112xf32, #tpu.memory_space<vmem>>, vector<1x16xf32>,
    %get3A_291 = vector.shape_cast %get3A_290 : vector<1x16xf32> to vector<16xf32>
    %get3A_292 = arith.constant 0 : i32
    %get3A_293 = arith.index_cast %get3A_292 : i32 to index
    %get3A_294 = arith.constant 2184 : index
    %get3A_295 = tpu.vector_load %arg4[%get3A_293, %get3A_294] {strides = array<i32>} : memref<8x4112xf32, #tpu.memory_space<vmem>>, vector<1x16xf32>,
    %get3A_296 = vector.shape_cast %get3A_295 : vector<1x16xf32> to vector<16xf32>
    %get3A_297 = arith.constant 1 : i32
    %get3A_298 = arith.index_cast %get3A_297 : i32 to index
    %get3A_299 = arith.constant 2184 : index
    %get3A_300 = tpu.vector_load %arg4[%get3A_298, %get3A_299] {strides = array<i32>} : memref<8x4112xf32, #tpu.memory_space<vmem>>, vector<1x16xf32>,
    %get3A_301 = vector.shape_cast %get3A_300 : vector<1x16xf32> to vector<16xf32>
    %get3A_302 = arith.constant 2 : i32
    %get3A_303 = arith.index_cast %get3A_302 : i32 to index
    %get3A_304 = arith.constant 2184 : index
    %get3A_305 = tpu.vector_load %arg4[%get3A_303, %get3A_304] {strides = array<i32>} : memref<8x4112xf32, #tpu.memory_space<vmem>>, vector<1x16xf32>,
    %get3A_306 = vector.shape_cast %get3A_305 : vector<1x16xf32> to vector<16xf32>
    %get3A_307 = arith.constant 3 : i32
    %get3A_308 = arith.index_cast %get3A_307 : i32 to index
    %get3A_309 = arith.constant 2184 : index
    %get3A_310 = tpu.vector_load %arg4[%get3A_308, %get3A_309] {strides = array<i32>} : memref<8x4112xf32, #tpu.memory_space<vmem>>, vector<1x16xf32>,
    %get3A_311 = vector.shape_cast %get3A_310 : vector<1x16xf32> to vector<16xf32>
    %get3A_312 = arith.constant 4 : i32
    %get3A_313 = arith.index_cast %get3A_312 : i32 to index
    %get3A_314 = arith.constant 2184 : index
    %get3A_315 = tpu.vector_load %arg4[%get3A_313, %get3A_314] {strides = array<i32>} : memref<8x4112xf32, #tpu.memory_space<vmem>>, vector<1x16xf32>,
    %get3A_316 = vector.shape_cast %get3A_315 : vector<1x16xf32> to vector<16xf32>
    %get3A_317 = arith.constant 5 : i32
    %get3A_318 = arith.index_cast %get3A_317 : i32 to index
    %get3A_319 = arith.constant 2184 : index
    %get3A_320 = tpu.vector_load %arg4[%get3A_318, %get3A_319] {strides = array<i32>} : memref<8x4112xf32, #tpu.memory_space<vmem>>, vector<1x16xf32>,
    %get3A_321 = vector.shape_cast %get3A_320 : vector<1x16xf32> to vector<16xf32>
    %get3A_322 = arith.constant 6 : i32
    %get3A_323 = arith.index_cast %get3A_322 : i32 to index
    %get3A_324 = arith.constant 2184 : index
    %get3A_325 = tpu.vector_load %arg4[%get3A_323, %get3A_324] {strides = array<i32>} : memref<8x4112xf32, #tpu.memory_space<vmem>>, vector<1x16xf32>,
    %get3A_326 = vector.shape_cast %get3A_325 : vector<1x16xf32> to vector<16xf32>
    %get3A_327 = arith.constant 7 : i32
    %get3A_328 = arith.index_cast %get3A_327 : i32 to index
    %get3A_329 = arith.constant 2184 : index
    %get3A_330 = tpu.vector_load %arg4[%get3A_328, %get3A_329] {strides = array<i32>} : memref<8x4112xf32, #tpu.memory_space<vmem>>, vector<1x16xf32>,
    %get3A_331 = vector.shape_cast %get3A_330 : vector<1x16xf32> to vector<16xf32>
    %scan3A = arith.constant 0 : i32
    %scan3A_332 = arith.constant 0 : i32
    %scan3A_333 = arith.constant 119 : i32
    %scan3A_334 = arith.addi %scan3A_332, %scan3A_333 : i32
    %scan3A_335 = arith.constant 1 : i32
    scf.for %scan3A_343 = %scan3A_332 to %scan3A_334 step %scan3A_335  : i32 {
      %mul3A_344 = arith.constant 16 : i32
      %mul3A_345 = arith.muli %scan3A_343, %mul3A_344 : i32
      %multiple_of3A = tpu.assume_multiple %mul3A_345, 16 : i32
      %swap3A = arith.constant 0 : i32
      %swap3A_346 = arith.index_cast %swap3A : i32 to index
      %swap3A_347 = arith.index_cast %multiple_of3A : i32 to index
      %swap3A_348 = tpu.vector_load %arg4[%swap3A_346, %swap3A_347] {strides = array<i32>} : memref<8x4112xf32, #tpu.memory_space<vmem>>, vector<1x16xf32>,
      %swap3A_349 = vector.shape_cast %swap3A_348 : vector<1x16xf32> to vector<16xf32>
      %swap3A_350 = vector.shape_cast %get3A_256 : vector<16xf32> to vector<1x16xf32>
      tpu.vector_store %arg4[%swap3A_346, %swap3A_347], %swap3A_350 {strides = array<i32>} : memref<8x4112xf32, #tpu.memory_space<vmem>>, vector<1x16xf32>,
      %add3A_351 = arith.constant 2192 : i32
      %add3A_352 = arith.addi %add3A_351, %multiple_of3A : i32
      %swap3A_353 = arith.constant 0 : i32
      %swap3A_354 = arith.index_cast %swap3A_353 : i32 to index
      %swap3A_355 = arith.index_cast %add3A_352 : i32 to index
      %swap3A_356 = tpu.vector_load %arg4[%swap3A_354, %swap3A_355] {strides = array<i32>} : memref<8x4112xf32, #tpu.memory_space<vmem>>, vector<1x16xf32>,
      %swap3A_357 = vector.shape_cast %swap3A_356 : vector<1x16xf32> to vector<16xf32>
      %swap3A_358 = vector.shape_cast %get3A_296 : vector<16xf32> to vector<1x16xf32>
      tpu.vector_store %arg4[%swap3A_354, %swap3A_355], %swap3A_358 {strides = array<i32>} : memref<8x4112xf32, #tpu.memory_space<vmem>>, vector<1x16xf32>,
      %swap3A_359 = arith.constant 1 : i32
      %swap3A_360 = arith.index_cast %swap3A_359 : i32 to index
      %swap3A_361 = arith.index_cast %multiple_of3A : i32 to index
      %swap3A_362 = tpu.vector_load %arg4[%swap3A_360, %swap3A_361] {strides = array<i32>} : memref<8x4112xf32, #tpu.memory_space<vmem>>, vector<1x16xf32>,
      %swap3A_363 = vector.shape_cast %swap3A_362 : vector<1x16xf32> to vector<16xf32>
      %swap3A_364 = vector.shape_cast %get3A_261 : vector<16xf32> to vector<1x16xf32>
      tpu.vector_store %arg4[%swap3A_360, %swap3A_361], %swap3A_364 {strides = array<i32>} : memref<8x4112xf32, #tpu.memory_space<vmem>>, vector<1x16xf32>,
      %add3A_365 = arith.constant 2192 : i32
      %add3A_366 = arith.addi %add3A_365, %multiple_of3A : i32
      %swap3A_367 = arith.constant 1 : i32
      %swap3A_368 = arith.index_cast %swap3A_367 : i32 to index
      %swap3A_369 = arith.index_cast %add3A_366 : i32 to index
      %swap3A_370 = tpu.vector_load %arg4[%swap3A_368, %swap3A_369] {strides = array<i32>} : memref<8x4112xf32, #tpu.memory_space<vmem>>, vector<1x16xf32>,
      %swap3A_371 = vector.shape_cast %swap3A_370 : vector<1x16xf32> to vector<16xf32>
      %swap3A_372 = vector.shape_cast %get3A_301 : vector<16xf32> to vector<1x16xf32>
      tpu.vector_store %arg4[%swap3A_368, %swap3A_369], %swap3A_372 {strides = array<i32>} : memref<8x4112xf32, #tpu.memory_space<vmem>>, vector<1x16xf32>,
      %swap3A_373 = arith.constant 2 : i32
      %swap3A_374 = arith.index_cast %swap3A_373 : i32 to index
      %swap3A_375 = arith.index_cast %multiple_of3A : i32 to index
      %swap3A_376 = tpu.vector_load %arg4[%swap3A_374, %swap3A_375] {strides = array<i32>} : memref<8x4112xf32, #tpu.memory_space<vmem>>, vector<1x16xf32>,
      %swap3A_377 = vector.shape_cast %swap3A_376 : vector<1x16xf32> to vector<16xf32>
      %swap3A_378 = vector.shape_cast %get3A_266 : vector<16xf32> to vector<1x16xf32>
      tpu.vector_store %arg4[%swap3A_374, %swap3A_375], %swap3A_378 {strides = array<i32>} : memref<8x4112xf32, #tpu.memory_space<vmem>>, vector<1x16xf32>,
      %add3A_379 = arith.constant 2192 : i32
      %add3A_380 = arith.addi %add3A_379, %multiple_of3A : i32
      %swap3A_381 = arith.constant 2 : i32
      %swap3A_382 = arith.index_cast %swap3A_381 : i32 to index
      %swap3A_383 = arith.index_cast %add3A_380 : i32 to index
      %swap3A_384 = tpu.vector_load %arg4[%swap3A_382, %swap3A_383] {strides = array<i32>} : memref<8x4112xf32, #tpu.memory_space<vmem>>, vector<1x16xf32>,
      %swap3A_385 = vector.shape_cast %swap3A_384 : vector<1x16xf32> to vector<16xf32>
      %swap3A_386 = vector.shape_cast %get3A_306 : vector<16xf32> to vector<1x16xf32>
      tpu.vector_store %arg4[%swap3A_382, %swap3A_383], %swap3A_386 {strides = array<i32>} : memref<8x4112xf32, #tpu.memory_space<vmem>>, vector<1x16xf32>,
      %swap3A_387 = arith.constant 3 : i32
      %swap3A_388 = arith.index_cast %swap3A_387 : i32 to index
      %swap3A_389 = arith.index_cast %multiple_of3A : i32 to index
      %swap3A_390 = tpu.vector_load %arg4[%swap3A_388, %swap3A_389] {strides = array<i32>} : memref<8x4112xf32, #tpu.memory_space<vmem>>, vector<1x16xf32>,
      %swap3A_391 = vector.shape_cast %swap3A_390 : vector<1x16xf32> to vector<16xf32>
      %swap3A_392 = vector.shape_cast %get3A_271 : vector<16xf32> to vector<1x16xf32>
      tpu.vector_store %arg4[%swap3A_388, %swap3A_389], %swap3A_392 {strides = array<i32>} : memref<8x4112xf32, #tpu.memory_space<vmem>>, vector<1x16xf32>,
      %add3A_393 = arith.constant 2192 : i32
      %add3A_394 = arith.addi %add3A_393, %multiple_of3A : i32
      %swap3A_395 = arith.constant 3 : i32
      %swap3A_396 = arith.index_cast %swap3A_395 : i32 to index
      %swap3A_397 = arith.index_cast %add3A_394 : i32 to index
      %swap3A_398 = tpu.vector_load %arg4[%swap3A_396, %swap3A_397] {strides = array<i32>} : memref<8x4112xf32, #tpu.memory_space<vmem>>, vector<1x16xf32>,
      %swap3A_399 = vector.shape_cast %swap3A_398 : vector<1x16xf32> to vector<16xf32>
      %swap3A_400 = vector.shape_cast %get3A_311 : vector<16xf32> to vector<1x16xf32>
      tpu.vector_store %arg4[%swap3A_396, %swap3A_397], %swap3A_400 {strides = array<i32>} : memref<8x4112xf32, #tpu.memory_space<vmem>>, vector<1x16xf32>,
      %swap3A_401 = arith.constant 4 : i32
      %swap3A_402 = arith.index_cast %swap3A_401 : i32 to index
      %swap3A_403 = arith.index_cast %multiple_of3A : i32 to index
      %swap3A_404 = tpu.vector_load %arg4[%swap3A_402, %swap3A_403] {strides = array<i32>} : memref<8x4112xf32, #tpu.memory_space<vmem>>, vector<1x16xf32>,
      %swap3A_405 = vector.shape_cast %swap3A_404 : vector<1x16xf32> to vector<16xf32>
      %swap3A_406 = vector.shape_cast %get3A_276 : vector<16xf32> to vector<1x16xf32>
      tpu.vector_store %arg4[%swap3A_402, %swap3A_403], %swap3A_406 {strides = array<i32>} : memref<8x4112xf32, #tpu.memory_space<vmem>>, vector<1x16xf32>,
      %add3A_407 = arith.constant 2192 : i32
      %add3A_408 = arith.addi %add3A_407, %multiple_of3A : i32
      %swap3A_409 = arith.constant 4 : i32
      %swap3A_410 = arith.index_cast %swap3A_409 : i32 to index
      %swap3A_411 = arith.index_cast %add3A_408 : i32 to index
      %swap3A_412 = tpu.vector_load %arg4[%swap3A_410, %swap3A_411] {strides = array<i32>} : memref<8x4112xf32, #tpu.memory_space<vmem>>, vector<1x16xf32>,
      %swap3A_413 = vector.shape_cast %swap3A_412 : vector<1x16xf32> to vector<16xf32>
      %swap3A_414 = vector.shape_cast %get3A_316 : vector<16xf32> to vector<1x16xf32>
      tpu.vector_store %arg4[%swap3A_410, %swap3A_411], %swap3A_414 {strides = array<i32>} : memref<8x4112xf32, #tpu.memory_space<vmem>>, vector<1x16xf32>,
      %swap3A_415 = arith.constant 5 : i32
      %swap3A_416 = arith.index_cast %swap3A_415 : i32 to index
      %swap3A_417 = arith.index_cast %multiple_of3A : i32 to index
      %swap3A_418 = tpu.vector_load %arg4[%swap3A_416, %swap3A_417] {strides = array<i32>} : memref<8x4112xf32, #tpu.memory_space<vmem>>, vector<1x16xf32>,
      %swap3A_419 = vector.shape_cast %swap3A_418 : vector<1x16xf32> to vector<16xf32>
      %swap3A_420 = vector.shape_cast %get3A_281 : vector<16xf32> to vector<1x16xf32>
      tpu.vector_store %arg4[%swap3A_416, %swap3A_417], %swap3A_420 {strides = array<i32>} : memref<8x4112xf32, #tpu.memory_space<vmem>>, vector<1x16xf32>,
      %add3A_421 = arith.constant 2192 : i32
      %add3A_422 = arith.addi %add3A_421, %multiple_of3A : i32
      %swap3A_423 = arith.constant 5 : i32
      %swap3A_424 = arith.index_cast %swap3A_423 : i32 to index
      %swap3A_425 = arith.index_cast %add3A_422 : i32 to index
      %swap3A_426 = tpu.vector_load %arg4[%swap3A_424, %swap3A_425] {strides = array<i32>} : memref<8x4112xf32, #tpu.memory_space<vmem>>, vector<1x16xf32>,
      %swap3A_427 = vector.shape_cast %swap3A_426 : vector<1x16xf32> to vector<16xf32>
      %swap3A_428 = vector.shape_cast %get3A_321 : vector<16xf32> to vector<1x16xf32>
      tpu.vector_store %arg4[%swap3A_424, %swap3A_425], %swap3A_428 {strides = array<i32>} : memref<8x4112xf32, #tpu.memory_space<vmem>>, vector<1x16xf32>,
      %swap3A_429 = arith.constant 6 : i32
      %swap3A_430 = arith.index_cast %swap3A_429 : i32 to index
      %swap3A_431 = arith.index_cast %multiple_of3A : i32 to index
      %swap3A_432 = tpu.vector_load %arg4[%swap3A_430, %swap3A_431] {strides = array<i32>} : memref<8x4112xf32, #tpu.memory_space<vmem>>, vector<1x16xf32>,
      %swap3A_433 = vector.shape_cast %swap3A_432 : vector<1x16xf32> to vector<16xf32>
      %swap3A_434 = vector.shape_cast %get3A_286 : vector<16xf32> to vector<1x16xf32>
      tpu.vector_store %arg4[%swap3A_430, %swap3A_431], %swap3A_434 {strides = array<i32>} : memref<8x4112xf32, #tpu.memory_space<vmem>>, vector<1x16xf32>,
      %add3A_435 = arith.constant 2192 : i32
      %add3A_436 = arith.addi %add3A_435, %multiple_of3A : i32
      %swap3A_437 = arith.constant 6 : i32
      %swap3A_438 = arith.index_cast %swap3A_437 : i32 to index
      %swap3A_439 = arith.index_cast %add3A_436 : i32 to index
      %swap3A_440 = tpu.vector_load %arg4[%swap3A_438, %swap3A_439] {strides = array<i32>} : memref<8x4112xf32, #tpu.memory_space<vmem>>, vector<1x16xf32>,
      %swap3A_441 = vector.shape_cast %swap3A_440 : vector<1x16xf32> to vector<16xf32>
      %swap3A_442 = vector.shape_cast %get3A_326 : vector<16xf32> to vector<1x16xf32>
      tpu.vector_store %arg4[%swap3A_438, %swap3A_439], %swap3A_442 {strides = array<i32>} : memref<8x4112xf32, #tpu.memory_space<vmem>>, vector<1x16xf32>,
      %swap3A_443 = arith.constant 7 : i32
      %swap3A_444 = arith.index_cast %swap3A_443 : i32 to index
      %swap3A_445 = arith.index_cast %multiple_of3A : i32 to index
      %swap3A_446 = tpu.vector_load %arg4[%swap3A_444, %swap3A_445] {strides = array<i32>} : memref<8x4112xf32, #tpu.memory_space<vmem>>, vector<1x16xf32>,
      %swap3A_447 = vector.shape_cast %swap3A_446 : vector<1x16xf32> to vector<16xf32>
      %swap3A_448 = vector.shape_cast %get3A_291 : vector<16xf32> to vector<1x16xf32>
      tpu.vector_store %arg4[%swap3A_444, %swap3A_445], %swap3A_448 {strides = array<i32>} : memref<8x4112xf32, #tpu.memory_space<vmem>>, vector<1x16xf32>,
      %add3A_449 = arith.constant 2192 : i32
      %add3A_450 = arith.addi %add3A_449, %multiple_of3A : i32
      %swap3A_451 = arith.constant 7 : i32
      %swap3A_452 = arith.index_cast %swap3A_451 : i32 to index
      %swap3A_453 = arith.index_cast %add3A_450 : i32 to index
      %swap3A_454 = tpu.vector_load %arg4[%swap3A_452, %swap3A_453] {strides = array<i32>} : memref<8x4112xf32, #tpu.memory_space<vmem>>, vector<1x16xf32>,
      %swap3A_455 = vector.shape_cast %swap3A_454 : vector<1x16xf32> to vector<16xf32>
      %swap3A_456 = vector.shape_cast %get3A_331 : vector<16xf32> to vector<1x16xf32>
      tpu.vector_store %arg4[%swap3A_452, %swap3A_453], %swap3A_456 {strides = array<i32>} : memref<8x4112xf32, #tpu.memory_space<vmem>>, vector<1x16xf32>,
    }
    %scan3A_336 = arith.constant 119 : i32
    %scan3A_337 = arith.constant 0 : i32
    %scan3A_338 = arith.constant 0 : i32
    %scan3A_339 = arith.constant 128 : i32
    %scan3A_340 = arith.addi %scan3A_338, %scan3A_339 : i32
    %scan3A_341 = arith.constant 1 : i32
    scf.for %scan3A_343 = %scan3A_338 to %scan3A_340 step %scan3A_341  : i32 {
      %mul3A_344 = arith.constant 1024 : i32
      %mul3A_345 = arith.muli %select_n3A_30, %mul3A_344 : i32
      %sub3A_346 = arith.constant 2048 : i32
      %sub3A_347 = arith.subi %sub3A_346, %mul3A_345 : i32
      %sub3A_348 = arith.constant 8 : i32
      %sub3A_349 = arith.subi %sub3A_347, %sub3A_348 : i32
      %mul3A_350 = arith.constant 8 : i32
      %mul3A_351 = arith.muli %scan3A_343, %mul3A_350 : i32
      %sub3A_352 = arith.subi %sub3A_349, %mul3A_351 : i32
      %multiple_of3A = tpu.assume_multiple %sub3A_352, 8 : i32
      %mul3A_353 = arith.constant 256 : i32
      %mul3A_354 = arith.muli %select_n3A, %mul3A_353 : i32
      %mul3A_355 = arith.constant 128 : i32
      %mul3A_356 = arith.muli %select_n3A_30, %mul3A_355 : i32
      %add3A_357 = arith.addi %mul3A_354, %mul3A_356 : i32
      %add3A_358 = arith.addi %add3A_357, %scan3A_343 : i32
      %mul3A_359 = arith.constant 16 : i32
      %mul3A_360 = arith.muli %add3A_358, %mul3A_359 : i32
      %add3A_361 = arith.constant 0 : i32
      %add3A_362 = arith.addi %multiple_of3A, %add3A_361 : i32
      %add3A_363 = arith.constant 0 : i32
      %add3A_364 = arith.addi %mul3A_360, %add3A_363 : i32
      %dma_start3A_365 = arith.constant 0 : i32
      %dma_start3A_366 = tpu.memref_slice %arg4[%dma_start3A_365, %add3A_362] : memref<8x4112xf32, #tpu.memory_space<vmem>> -> memref<8x128xf32, #tpu.memory_space<vmem>>
      %dma_start3A_367 = arith.constant 0 : i32
      %dma_start3A_368 = arith.constant 0 : i32
      %dma_start3A_369 = tpu.memref_slice %arg3[%add3A_364, %dma_start3A_367, %dma_start3A_368] : memref<65536x8x128xf32, #tpu.memory_space<hbm>> -> memref<1x8x128xf32, #tpu.memory_space<hbm>>
      %dma_start3A_370 = tpu.memref_squeeze %dma_start3A_369 : memref<1x8x128xf32, #tpu.memory_space<hbm>> -> memref<8x128xf32, #tpu.memory_space<hbm>>
      %dma_start3A_371 = arith.constant 0 : i32
      %dma_start3A_372 = arith.constant 0 : i32
      %dma_start3A_373 = tpu.memref_slice %arg3[%add3A_364, %dma_start3A_371, %dma_start3A_372] : memref<65536x8x128xf32, #tpu.memory_space<hbm>> -> memref<1x8x128xf32, #tpu.memory_space<hbm>>
      %dma_start3A_374 = tpu.memref_squeeze %dma_start3A_373 : memref<1x8x128xf32, #tpu.memory_space<hbm>> -> memref<8x128xf32, #tpu.memory_space<hbm>>
      %dma_start3A_375 = arith.constant 0 : i32
      %dma_start3A_376 = tpu.memref_slice %arg4[%dma_start3A_375, %add3A_362] : memref<8x4112xf32, #tpu.memory_space<vmem>> -> memref<8x128xf32, #tpu.memory_space<vmem>>
      tpu.enqueue_dma source(%dma_start3A_376 : memref<8x128xf32, #tpu.memory_space<vmem>>) target(%dma_start3A_374 : memref<8x128xf32, #tpu.memory_space<hbm>>) target_semaphore(%arg5 : memref<!tpu.dma_semaphore, #tpu.memory_space<semaphore_mem>>)
      %add3A_377 = arith.constant 128 : i32
      %add3A_378 = arith.addi %multiple_of3A, %add3A_377 : i32
      %add3A_379 = arith.constant 1 : i32
      %add3A_380 = arith.addi %mul3A_360, %add3A_379 : i32
      %dma_start3A_381 = arith.constant 0 : i32
      %dma_start3A_382 = tpu.memref_slice %arg4[%dma_start3A_381, %add3A_378] : memref<8x4112xf32, #tpu.memory_space<vmem>> -> memref<8x128xf32, #tpu.memory_space<vmem>>
      %dma_start3A_383 = arith.constant 0 : i32
      %dma_start3A_384 = arith.constant 0 : i32
      %dma_start3A_385 = tpu.memref_slice %arg3[%add3A_380, %dma_start3A_383, %dma_start3A_384] : memref<65536x8x128xf32, #tpu.memory_space<hbm>> -> memref<1x8x128xf32, #tpu.memory_space<hbm>>
      %dma_start3A_386 = tpu.memref_squeeze %dma_start3A_385 : memref<1x8x128xf32, #tpu.memory_space<hbm>> -> memref<8x128xf32, #tpu.memory_space<hbm>>
      %dma_start3A_387 = arith.constant 0 : i32
      %dma_start3A_388 = arith.constant 0 : i32
      %dma_start3A_389 = tpu.memref_slice %arg3[%add3A_380, %dma_start3A_387, %dma_start3A_388] : memref<65536x8x128xf32, #tpu.memory_space<hbm>> -> memref<1x8x128xf32, #tpu.memory_space<hbm>>
      %dma_start3A_390 = tpu.memref_squeeze %dma_start3A_389 : memref<1x8x128xf32, #tpu.memory_space<hbm>> -> memref<8x128xf32, #tpu.memory_space<hbm>>
      %dma_start3A_391 = arith.constant 0 : i32
      %dma_start3A_392 = tpu.memref_slice %arg4[%dma_start3A_391, %add3A_378] : memref<8x4112xf32, #tpu.memory_space<vmem>> -> memref<8x128xf32, #tpu.memory_space<vmem>>
      tpu.enqueue_dma source(%dma_start3A_392 : memref<8x128xf32, #tpu.memory_space<vmem>>) target(%dma_start3A_390 : memref<8x128xf32, #tpu.memory_space<hbm>>) target_semaphore(%arg5 : memref<!tpu.dma_semaphore, #tpu.memory_space<semaphore_mem>>)
      %add3A_393 = arith.constant 256 : i32
      %add3A_394 = arith.addi %multiple_of3A, %add3A_393 : i32
      %add3A_395 = arith.constant 2 : i32
      %add3A_396 = arith.addi %mul3A_360, %add3A_395 : i32
      %dma_start3A_397 = arith.constant 0 : i32
      %dma_start3A_398 = tpu.memref_slice %arg4[%dma_start3A_397, %add3A_394] : memref<8x4112xf32, #tpu.memory_space<vmem>> -> memref<8x128xf32, #tpu.memory_space<vmem>>
      %dma_start3A_399 = arith.constant 0 : i32
      %dma_start3A_400 = arith.constant 0 : i32
      %dma_start3A_401 = tpu.memref_slice %arg3[%add3A_396, %dma_start3A_399, %dma_start3A_400] : memref<65536x8x128xf32, #tpu.memory_space<hbm>> -> memref<1x8x128xf32, #tpu.memory_space<hbm>>
      %dma_start3A_402 = tpu.memref_squeeze %dma_start3A_401 : memref<1x8x128xf32, #tpu.memory_space<hbm>> -> memref<8x128xf32, #tpu.memory_space<hbm>>
      %dma_start3A_403 = arith.constant 0 : i32
      %dma_start3A_404 = arith.constant 0 : i32
      %dma_start3A_405 = tpu.memref_slice %arg3[%add3A_396, %dma_start3A_403, %dma_start3A_404] : memref<65536x8x128xf32, #tpu.memory_space<hbm>> -> memref<1x8x128xf32, #tpu.memory_space<hbm>>
      %dma_start3A_406 = tpu.memref_squeeze %dma_start3A_405 : memref<1x8x128xf32, #tpu.memory_space<hbm>> -> memref<8x128xf32, #tpu.memory_space<hbm>>
      %dma_start3A_407 = arith.constant 0 : i32
      %dma_start3A_408 = tpu.memref_slice %arg4[%dma_start3A_407, %add3A_394] : memref<8x4112xf32, #tpu.memory_space<vmem>> -> memref<8x128xf32, #tpu.memory_space<vmem>>
      tpu.enqueue_dma source(%dma_start3A_408 : memref<8x128xf32, #tpu.memory_space<vmem>>) target(%dma_start3A_406 : memref<8x128xf32, #tpu.memory_space<hbm>>) target_semaphore(%arg5 : memref<!tpu.dma_semaphore, #tpu.memory_space<semaphore_mem>>)
      %add3A_409 = arith.constant 384 : i32
      %add3A_410 = arith.addi %multiple_of3A, %add3A_409 : i32
      %add3A_411 = arith.constant 3 : i32
      %add3A_412 = arith.addi %mul3A_360, %add3A_411 : i32
      %dma_start3A_413 = arith.constant 0 : i32
      %dma_start3A_414 = tpu.memref_slice %arg4[%dma_start3A_413, %add3A_410] : memref<8x4112xf32, #tpu.memory_space<vmem>> -> memref<8x128xf32, #tpu.memory_space<vmem>>
      %dma_start3A_415 = arith.constant 0 : i32
      %dma_start3A_416 = arith.constant 0 : i32
      %dma_start3A_417 = tpu.memref_slice %arg3[%add3A_412, %dma_start3A_415, %dma_start3A_416] : memref<65536x8x128xf32, #tpu.memory_space<hbm>> -> memref<1x8x128xf32, #tpu.memory_space<hbm>>
      %dma_start3A_418 = tpu.memref_squeeze %dma_start3A_417 : memref<1x8x128xf32, #tpu.memory_space<hbm>> -> memref<8x128xf32, #tpu.memory_space<hbm>>
      %dma_start3A_419 = arith.constant 0 : i32
      %dma_start3A_420 = arith.constant 0 : i32
      %dma_start3A_421 = tpu.memref_slice %arg3[%add3A_412, %dma_start3A_419, %dma_start3A_420] : memref<65536x8x128xf32, #tpu.memory_space<hbm>> -> memref<1x8x128xf32, #tpu.memory_space<hbm>>
      %dma_start3A_422 = tpu.memref_squeeze %dma_start3A_421 : memref<1x8x128xf32, #tpu.memory_space<hbm>> -> memref<8x128xf32, #tpu.memory_space<hbm>>
      %dma_start3A_423 = arith.constant 0 : i32
      %dma_start3A_424 = tpu.memref_slice %arg4[%dma_start3A_423, %add3A_410] : memref<8x4112xf32, #tpu.memory_space<vmem>> -> memref<8x128xf32, #tpu.memory_space<vmem>>
      tpu.enqueue_dma source(%dma_start3A_424 : memref<8x128xf32, #tpu.memory_space<vmem>>) target(%dma_start3A_422 : memref<8x128xf32, #tpu.memory_space<hbm>>) target_semaphore(%arg5 : memref<!tpu.dma_semaphore, #tpu.memory_space<semaphore_mem>>)
      %add3A_425 = arith.constant 512 : i32
      %add3A_426 = arith.addi %multiple_of3A, %add3A_425 : i32
      %add3A_427 = arith.constant 4 : i32
      %add3A_428 = arith.addi %mul3A_360, %add3A_427 : i32
      %dma_start3A_429 = arith.constant 0 : i32
      %dma_start3A_430 = tpu.memref_slice %arg4[%dma_start3A_429, %add3A_426] : memref<8x4112xf32, #tpu.memory_space<vmem>> -> memref<8x128xf32, #tpu.memory_space<vmem>>
      %dma_start3A_431 = arith.constant 0 : i32
      %dma_start3A_432 = arith.constant 0 : i32
      %dma_start3A_433 = tpu.memref_slice %arg3[%add3A_428, %dma_start3A_431, %dma_start3A_432] : memref<65536x8x128xf32, #tpu.memory_space<hbm>> -> memref<1x8x128xf32, #tpu.memory_space<hbm>>
      %dma_start3A_434 = tpu.memref_squeeze %dma_start3A_433 : memref<1x8x128xf32, #tpu.memory_space<hbm>> -> memref<8x128xf32, #tpu.memory_space<hbm>>
      %dma_start3A_435 = arith.constant 0 : i32
      %dma_start3A_436 = arith.constant 0 : i32
      %dma_start3A_437 = tpu.memref_slice %arg3[%add3A_428, %dma_start3A_435, %dma_start3A_436] : memref<65536x8x128xf32, #tpu.memory_space<hbm>> -> memref<1x8x128xf32, #tpu.memory_space<hbm>>
      %dma_start3A_438 = tpu.memref_squeeze %dma_start3A_437 : memref<1x8x128xf32, #tpu.memory_space<hbm>> -> memref<8x128xf32, #tpu.memory_space<hbm>>
      %dma_start3A_439 = arith.constant 0 : i32
      %dma_start3A_440 = tpu.memref_slice %arg4[%dma_start3A_439, %add3A_426] : memref<8x4112xf32, #tpu.memory_space<vmem>> -> memref<8x128xf32, #tpu.memory_space<vmem>>
      tpu.enqueue_dma source(%dma_start3A_440 : memref<8x128xf32, #tpu.memory_space<vmem>>) target(%dma_start3A_438 : memref<8x128xf32, #tpu.memory_space<hbm>>) target_semaphore(%arg5 : memref<!tpu.dma_semaphore, #tpu.memory_space<semaphore_mem>>)
      %add3A_441 = arith.constant 640 : i32
      %add3A_442 = arith.addi %multiple_of3A, %add3A_441 : i32
      %add3A_443 = arith.constant 5 : i32
      %add3A_444 = arith.addi %mul3A_360, %add3A_443 : i32
      %dma_start3A_445 = arith.constant 0 : i32
      %dma_start3A_446 = tpu.memref_slice %arg4[%dma_start3A_445, %add3A_442] : memref<8x4112xf32, #tpu.memory_space<vmem>> -> memref<8x128xf32, #tpu.memory_space<vmem>>
      %dma_start3A_447 = arith.constant 0 : i32
      %dma_start3A_448 = arith.constant 0 : i32
      %dma_start3A_449 = tpu.memref_slice %arg3[%add3A_444, %dma_start3A_447, %dma_start3A_448] : memref<65536x8x128xf32, #tpu.memory_space<hbm>> -> memref<1x8x128xf32, #tpu.memory_space<hbm>>
      %dma_start3A_450 = tpu.memref_squeeze %dma_start3A_449 : memref<1x8x128xf32, #tpu.memory_space<hbm>> -> memref<8x128xf32, #tpu.memory_space<hbm>>
      %dma_start3A_451 = arith.constant 0 : i32
      %dma_start3A_452 = arith.constant 0 : i32
      %dma_start3A_453 = tpu.memref_slice %arg3[%add3A_444, %dma_start3A_451, %dma_start3A_452] : memref<65536x8x128xf32, #tpu.memory_space<hbm>> -> memref<1x8x128xf32, #tpu.memory_space<hbm>>
      %dma_start3A_454 = tpu.memref_squeeze %dma_start3A_453 : memref<1x8x128xf32, #tpu.memory_space<hbm>> -> memref<8x128xf32, #tpu.memory_space<hbm>>
      %dma_start3A_455 = arith.constant 0 : i32
      %dma_start3A_456 = tpu.memref_slice %arg4[%dma_start3A_455, %add3A_442] : memref<8x4112xf32, #tpu.memory_space<vmem>> -> memref<8x128xf32, #tpu.memory_space<vmem>>
      tpu.enqueue_dma source(%dma_start3A_456 : memref<8x128xf32, #tpu.memory_space<vmem>>) target(%dma_start3A_454 : memref<8x128xf32, #tpu.memory_space<hbm>>) target_semaphore(%arg5 : memref<!tpu.dma_semaphore, #tpu.memory_space<semaphore_mem>>)
      %add3A_457 = arith.constant 768 : i32
      %add3A_458 = arith.addi %multiple_of3A, %add3A_457 : i32
      %add3A_459 = arith.constant 6 : i32
      %add3A_460 = arith.addi %mul3A_360, %add3A_459 : i32
      %dma_start3A_461 = arith.constant 0 : i32
      %dma_start3A_462 = tpu.memref_slice %arg4[%dma_start3A_461, %add3A_458] : memref<8x4112xf32, #tpu.memory_space<vmem>> -> memref<8x128xf32, #tpu.memory_space<vmem>>
      %dma_start3A_463 = arith.constant 0 : i32
      %dma_start3A_464 = arith.constant 0 : i32
      %dma_start3A_465 = tpu.memref_slice %arg3[%add3A_460, %dma_start3A_463, %dma_start3A_464] : memref<65536x8x128xf32, #tpu.memory_space<hbm>> -> memref<1x8x128xf32, #tpu.memory_space<hbm>>
      %dma_start3A_466 = tpu.memref_squeeze %dma_start3A_465 : memref<1x8x128xf32, #tpu.memory_space<hbm>> -> memref<8x128xf32, #tpu.memory_space<hbm>>
      %dma_start3A_467 = arith.constant 0 : i32
      %dma_start3A_468 = arith.constant 0 : i32
      %dma_start3A_469 = tpu.memref_slice %arg3[%add3A_460, %dma_start3A_467, %dma_start3A_468] : memref<65536x8x128xf32, #tpu.memory_space<hbm>> -> memref<1x8x128xf32, #tpu.memory_space<hbm>>
      %dma_start3A_470 = tpu.memref_squeeze %dma_start3A_469 : memref<1x8x128xf32, #tpu.memory_space<hbm>> -> memref<8x128xf32, #tpu.memory_space<hbm>>
      %dma_start3A_471 = arith.constant 0 : i32
      %dma_start3A_472 = tpu.memref_slice %arg4[%dma_start3A_471, %add3A_458] : memref<8x4112xf32, #tpu.memory_space<vmem>> -> memref<8x128xf32, #tpu.memory_space<vmem>>
      tpu.enqueue_dma source(%dma_start3A_472 : memref<8x128xf32, #tpu.memory_space<vmem>>) target(%dma_start3A_470 : memref<8x128xf32, #tpu.memory_space<hbm>>) target_semaphore(%arg5 : memref<!tpu.dma_semaphore, #tpu.memory_space<semaphore_mem>>)
      %add3A_473 = arith.constant 896 : i32
      %add3A_474 = arith.addi %multiple_of3A, %add3A_473 : i32
      %add3A_475 = arith.constant 7 : i32
      %add3A_476 = arith.addi %mul3A_360, %add3A_475 : i32
      %dma_start3A_477 = arith.constant 0 : i32
      %dma_start3A_478 = tpu.memref_slice %arg4[%dma_start3A_477, %add3A_474] : memref<8x4112xf32, #tpu.memory_space<vmem>> -> memref<8x128xf32, #tpu.memory_space<vmem>>
      %dma_start3A_479 = arith.constant 0 : i32
      %dma_start3A_480 = arith.constant 0 : i32
      %dma_start3A_481 = tpu.memref_slice %arg3[%add3A_476, %dma_start3A_479, %dma_start3A_480] : memref<65536x8x128xf32, #tpu.memory_space<hbm>> -> memref<1x8x128xf32, #tpu.memory_space<hbm>>
      %dma_start3A_482 = tpu.memref_squeeze %dma_start3A_481 : memref<1x8x128xf32, #tpu.memory_space<hbm>> -> memref<8x128xf32, #tpu.memory_space<hbm>>
      %dma_start3A_483 = arith.constant 0 : i32
      %dma_start3A_484 = arith.constant 0 : i32
      %dma_start3A_485 = tpu.memref_slice %arg3[%add3A_476, %dma_start3A_483, %dma_start3A_484] : memref<65536x8x128xf32, #tpu.memory_space<hbm>> -> memref<1x8x128xf32, #tpu.memory_space<hbm>>
      %dma_start3A_486 = tpu.memref_squeeze %dma_start3A_485 : memref<1x8x128xf32, #tpu.memory_space<hbm>> -> memref<8x128xf32, #tpu.memory_space<hbm>>
      %dma_start3A_487 = arith.constant 0 : i32
      %dma_start3A_488 = tpu.memref_slice %arg4[%dma_start3A_487, %add3A_474] : memref<8x4112xf32, #tpu.memory_space<vmem>> -> memref<8x128xf32, #tpu.memory_space<vmem>>
      tpu.enqueue_dma source(%dma_start3A_488 : memref<8x128xf32, #tpu.memory_space<vmem>>) target(%dma_start3A_486 : memref<8x128xf32, #tpu.memory_space<hbm>>) target_semaphore(%arg5 : memref<!tpu.dma_semaphore, #tpu.memory_space<semaphore_mem>>)
      %add3A_489 = arith.constant 1024 : i32
      %add3A_490 = arith.addi %multiple_of3A, %add3A_489 : i32
      %add3A_491 = arith.constant 8 : i32
      %add3A_492 = arith.addi %mul3A_360, %add3A_491 : i32
      %dma_start3A_493 = arith.constant 0 : i32
      %dma_start3A_494 = tpu.memref_slice %arg4[%dma_start3A_493, %add3A_490] : memref<8x4112xf32, #tpu.memory_space<vmem>> -> memref<8x128xf32, #tpu.memory_space<vmem>>
      %dma_start3A_495 = arith.constant 0 : i32
      %dma_start3A_496 = arith.constant 0 : i32
      %dma_start3A_497 = tpu.memref_slice %arg3[%add3A_492, %dma_start3A_495, %dma_start3A_496] : memref<65536x8x128xf32, #tpu.memory_space<hbm>> -> memref<1x8x128xf32, #tpu.memory_space<hbm>>
      %dma_start3A_498 = tpu.memref_squeeze %dma_start3A_497 : memref<1x8x128xf32, #tpu.memory_space<hbm>> -> memref<8x128xf32, #tpu.memory_space<hbm>>
      %dma_start3A_499 = arith.constant 0 : i32
      %dma_start3A_500 = arith.constant 0 : i32
      %dma_start3A_501 = tpu.memref_slice %arg3[%add3A_492, %dma_start3A_499, %dma_start3A_500] : memref<65536x8x128xf32, #tpu.memory_space<hbm>> -> memref<1x8x128xf32, #tpu.memory_space<hbm>>
      %dma_start3A_502 = tpu.memref_squeeze %dma_start3A_501 : memref<1x8x128xf32, #tpu.memory_space<hbm>> -> memref<8x128xf32, #tpu.memory_space<hbm>>
      %dma_start3A_503 = arith.constant 0 : i32
      %dma_start3A_504 = tpu.memref_slice %arg4[%dma_start3A_503, %add3A_490] : memref<8x4112xf32, #tpu.memory_space<vmem>> -> memref<8x128xf32, #tpu.memory_space<vmem>>
      tpu.enqueue_dma source(%dma_start3A_504 : memref<8x128xf32, #tpu.memory_space<vmem>>) target(%dma_start3A_502 : memref<8x128xf32, #tpu.memory_space<hbm>>) target_semaphore(%arg5 : memref<!tpu.dma_semaphore, #tpu.memory_space<semaphore_mem>>)
      %add3A_505 = arith.constant 1152 : i32
      %add3A_506 = arith.addi %multiple_of3A, %add3A_505 : i32
      %add3A_507 = arith.constant 9 : i32
      %add3A_508 = arith.addi %mul3A_360, %add3A_507 : i32
      %dma_start3A_509 = arith.constant 0 : i32
      %dma_start3A_510 = tpu.memref_slice %arg4[%dma_start3A_509, %add3A_506] : memref<8x4112xf32, #tpu.memory_space<vmem>> -> memref<8x128xf32, #tpu.memory_space<vmem>>
      %dma_start3A_511 = arith.constant 0 : i32
      %dma_start3A_512 = arith.constant 0 : i32
      %dma_start3A_513 = tpu.memref_slice %arg3[%add3A_508, %dma_start3A_511, %dma_start3A_512] : memref<65536x8x128xf32, #tpu.memory_space<hbm>> -> memref<1x8x128xf32, #tpu.memory_space<hbm>>
      %dma_start3A_514 = tpu.memref_squeeze %dma_start3A_513 : memref<1x8x128xf32, #tpu.memory_space<hbm>> -> memref<8x128xf32, #tpu.memory_space<hbm>>
      %dma_start3A_515 = arith.constant 0 : i32
      %dma_start3A_516 = arith.constant 0 : i32
      %dma_start3A_517 = tpu.memref_slice %arg3[%add3A_508, %dma_start3A_515, %dma_start3A_516] : memref<65536x8x128xf32, #tpu.memory_space<hbm>> -> memref<1x8x128xf32, #tpu.memory_space<hbm>>
      %dma_start3A_518 = tpu.memref_squeeze %dma_start3A_517 : memref<1x8x128xf32, #tpu.memory_space<hbm>> -> memref<8x128xf32, #tpu.memory_space<hbm>>
      %dma_start3A_519 = arith.constant 0 : i32
      %dma_start3A_520 = tpu.memref_slice %arg4[%dma_start3A_519, %add3A_506] : memref<8x4112xf32, #tpu.memory_space<vmem>> -> memref<8x128xf32, #tpu.memory_space<vmem>>
      tpu.enqueue_dma source(%dma_start3A_520 : memref<8x128xf32, #tpu.memory_space<vmem>>) target(%dma_start3A_518 : memref<8x128xf32, #tpu.memory_space<hbm>>) target_semaphore(%arg5 : memref<!tpu.dma_semaphore, #tpu.memory_space<semaphore_mem>>)
      %add3A_521 = arith.constant 1280 : i32
      %add3A_522 = arith.addi %multiple_of3A, %add3A_521 : i32
      %add3A_523 = arith.constant 10 : i32
      %add3A_524 = arith.addi %mul3A_360, %add3A_523 : i32
      %dma_start3A_525 = arith.constant 0 : i32
      %dma_start3A_526 = tpu.memref_slice %arg4[%dma_start3A_525, %add3A_522] : memref<8x4112xf32, #tpu.memory_space<vmem>> -> memref<8x128xf32, #tpu.memory_space<vmem>>
      %dma_start3A_527 = arith.constant 0 : i32
      %dma_start3A_528 = arith.constant 0 : i32
      %dma_start3A_529 = tpu.memref_slice %arg3[%add3A_524, %dma_start3A_527, %dma_start3A_528] : memref<65536x8x128xf32, #tpu.memory_space<hbm>> -> memref<1x8x128xf32, #tpu.memory_space<hbm>>
      %dma_start3A_530 = tpu.memref_squeeze %dma_start3A_529 : memref<1x8x128xf32, #tpu.memory_space<hbm>> -> memref<8x128xf32, #tpu.memory_space<hbm>>
      %dma_start3A_531 = arith.constant 0 : i32
      %dma_start3A_532 = arith.constant 0 : i32
      %dma_start3A_533 = tpu.memref_slice %arg3[%add3A_524, %dma_start3A_531, %dma_start3A_532] : memref<65536x8x128xf32, #tpu.memory_space<hbm>> -> memref<1x8x128xf32, #tpu.memory_space<hbm>>
      %dma_start3A_534 = tpu.memref_squeeze %dma_start3A_533 : memref<1x8x128xf32, #tpu.memory_space<hbm>> -> memref<8x128xf32, #tpu.memory_space<hbm>>
      %dma_start3A_535 = arith.constant 0 : i32
      %dma_start3A_536 = tpu.memref_slice %arg4[%dma_start3A_535, %add3A_522] : memref<8x4112xf32, #tpu.memory_space<vmem>> -> memref<8x128xf32, #tpu.memory_space<vmem>>
      tpu.enqueue_dma source(%dma_start3A_536 : memref<8x128xf32, #tpu.memory_space<vmem>>) target(%dma_start3A_534 : memref<8x128xf32, #tpu.memory_space<hbm>>) target_semaphore(%arg5 : memref<!tpu.dma_semaphore, #tpu.memory_space<semaphore_mem>>)
      %add3A_537 = arith.constant 1408 : i32
      %add3A_538 = arith.addi %multiple_of3A, %add3A_537 : i32
      %add3A_539 = arith.constant 11 : i32
      %add3A_540 = arith.addi %mul3A_360, %add3A_539 : i32
      %dma_start3A_541 = arith.constant 0 : i32
      %dma_start3A_542 = tpu.memref_slice %arg4[%dma_start3A_541, %add3A_538] : memref<8x4112xf32, #tpu.memory_space<vmem>> -> memref<8x128xf32, #tpu.memory_space<vmem>>
      %dma_start3A_543 = arith.constant 0 : i32
      %dma_start3A_544 = arith.constant 0 : i32
      %dma_start3A_545 = tpu.memref_slice %arg3[%add3A_540, %dma_start3A_543, %dma_start3A_544] : memref<65536x8x128xf32, #tpu.memory_space<hbm>> -> memref<1x8x128xf32, #tpu.memory_space<hbm>>
      %dma_start3A_546 = tpu.memref_squeeze %dma_start3A_545 : memref<1x8x128xf32, #tpu.memory_space<hbm>> -> memref<8x128xf32, #tpu.memory_space<hbm>>
      %dma_start3A_547 = arith.constant 0 : i32
      %dma_start3A_548 = arith.constant 0 : i32
      %dma_start3A_549 = tpu.memref_slice %arg3[%add3A_540, %dma_start3A_547, %dma_start3A_548] : memref<65536x8x128xf32, #tpu.memory_space<hbm>> -> memref<1x8x128xf32, #tpu.memory_space<hbm>>
      %dma_start3A_550 = tpu.memref_squeeze %dma_start3A_549 : memref<1x8x128xf32, #tpu.memory_space<hbm>> -> memref<8x128xf32, #tpu.memory_space<hbm>>
      %dma_start3A_551 = arith.constant 0 : i32
      %dma_start3A_552 = tpu.memref_slice %arg4[%dma_start3A_551, %add3A_538] : memref<8x4112xf32, #tpu.memory_space<vmem>> -> memref<8x128xf32, #tpu.memory_space<vmem>>
      tpu.enqueue_dma source(%dma_start3A_552 : memref<8x128xf32, #tpu.memory_space<vmem>>) target(%dma_start3A_550 : memref<8x128xf32, #tpu.memory_space<hbm>>) target_semaphore(%arg5 : memref<!tpu.dma_semaphore, #tpu.memory_space<semaphore_mem>>)
      %add3A_553 = arith.constant 1536 : i32
      %add3A_554 = arith.addi %multiple_of3A, %add3A_553 : i32
      %add3A_555 = arith.constant 12 : i32
      %add3A_556 = arith.addi %mul3A_360, %add3A_555 : i32
      %dma_start3A_557 = arith.constant 0 : i32
      %dma_start3A_558 = tpu.memref_slice %arg4[%dma_start3A_557, %add3A_554] : memref<8x4112xf32, #tpu.memory_space<vmem>> -> memref<8x128xf32, #tpu.memory_space<vmem>>
      %dma_start3A_559 = arith.constant 0 : i32
      %dma_start3A_560 = arith.constant 0 : i32
      %dma_start3A_561 = tpu.memref_slice %arg3[%add3A_556, %dma_start3A_559, %dma_start3A_560] : memref<65536x8x128xf32, #tpu.memory_space<hbm>> -> memref<1x8x128xf32, #tpu.memory_space<hbm>>
      %dma_start3A_562 = tpu.memref_squeeze %dma_start3A_561 : memref<1x8x128xf32, #tpu.memory_space<hbm>> -> memref<8x128xf32, #tpu.memory_space<hbm>>
      %dma_start3A_563 = arith.constant 0 : i32
      %dma_start3A_564 = arith.constant 0 : i32
      %dma_start3A_565 = tpu.memref_slice %arg3[%add3A_556, %dma_start3A_563, %dma_start3A_564] : memref<65536x8x128xf32, #tpu.memory_space<hbm>> -> memref<1x8x128xf32, #tpu.memory_space<hbm>>
      %dma_start3A_566 = tpu.memref_squeeze %dma_start3A_565 : memref<1x8x128xf32, #tpu.memory_space<hbm>> -> memref<8x128xf32, #tpu.memory_space<hbm>>
      %dma_start3A_567 = arith.constant 0 : i32
      %dma_start3A_568 = tpu.memref_slice %arg4[%dma_start3A_567, %add3A_554] : memref<8x4112xf32, #tpu.memory_space<vmem>> -> memref<8x128xf32, #tpu.memory_space<vmem>>
      tpu.enqueue_dma source(%dma_start3A_568 : memref<8x128xf32, #tpu.memory_space<vmem>>) target(%dma_start3A_566 : memref<8x128xf32, #tpu.memory_space<hbm>>) target_semaphore(%arg5 : memref<!tpu.dma_semaphore, #tpu.memory_space<semaphore_mem>>)
      %add3A_569 = arith.constant 1664 : i32
      %add3A_570 = arith.addi %multiple_of3A, %add3A_569 : i32
      %add3A_571 = arith.constant 13 : i32
      %add3A_572 = arith.addi %mul3A_360, %add3A_571 : i32
      %dma_start3A_573 = arith.constant 0 : i32
      %dma_start3A_574 = tpu.memref_slice %arg4[%dma_start3A_573, %add3A_570] : memref<8x4112xf32, #tpu.memory_space<vmem>> -> memref<8x128xf32, #tpu.memory_space<vmem>>
      %dma_start3A_575 = arith.constant 0 : i32
      %dma_start3A_576 = arith.constant 0 : i32
      %dma_start3A_577 = tpu.memref_slice %arg3[%add3A_572, %dma_start3A_575, %dma_start3A_576] : memref<65536x8x128xf32, #tpu.memory_space<hbm>> -> memref<1x8x128xf32, #tpu.memory_space<hbm>>
      %dma_start3A_578 = tpu.memref_squeeze %dma_start3A_577 : memref<1x8x128xf32, #tpu.memory_space<hbm>> -> memref<8x128xf32, #tpu.memory_space<hbm>>
      %dma_start3A_579 = arith.constant 0 : i32
      %dma_start3A_580 = arith.constant 0 : i32
      %dma_start3A_581 = tpu.memref_slice %arg3[%add3A_572, %dma_start3A_579, %dma_start3A_580] : memref<65536x8x128xf32, #tpu.memory_space<hbm>> -> memref<1x8x128xf32, #tpu.memory_space<hbm>>
      %dma_start3A_582 = tpu.memref_squeeze %dma_start3A_581 : memref<1x8x128xf32, #tpu.memory_space<hbm>> -> memref<8x128xf32, #tpu.memory_space<hbm>>
      %dma_start3A_583 = arith.constant 0 : i32
      %dma_start3A_584 = tpu.memref_slice %arg4[%dma_start3A_583, %add3A_570] : memref<8x4112xf32, #tpu.memory_space<vmem>> -> memref<8x128xf32, #tpu.memory_space<vmem>>
      tpu.enqueue_dma source(%dma_start3A_584 : memref<8x128xf32, #tpu.memory_space<vmem>>) target(%dma_start3A_582 : memref<8x128xf32, #tpu.memory_space<hbm>>) target_semaphore(%arg5 : memref<!tpu.dma_semaphore, #tpu.memory_space<semaphore_mem>>)
      %add3A_585 = arith.constant 1792 : i32
      %add3A_586 = arith.addi %multiple_of3A, %add3A_585 : i32
      %add3A_587 = arith.constant 14 : i32
      %add3A_588 = arith.addi %mul3A_360, %add3A_587 : i32
      %dma_start3A_589 = arith.constant 0 : i32
      %dma_start3A_590 = tpu.memref_slice %arg4[%dma_start3A_589, %add3A_586] : memref<8x4112xf32, #tpu.memory_space<vmem>> -> memref<8x128xf32, #tpu.memory_space<vmem>>
      %dma_start3A_591 = arith.constant 0 : i32
      %dma_start3A_592 = arith.constant 0 : i32
      %dma_start3A_593 = tpu.memref_slice %arg3[%add3A_588, %dma_start3A_591, %dma_start3A_592] : memref<65536x8x128xf32, #tpu.memory_space<hbm>> -> memref<1x8x128xf32, #tpu.memory_space<hbm>>
      %dma_start3A_594 = tpu.memref_squeeze %dma_start3A_593 : memref<1x8x128xf32, #tpu.memory_space<hbm>> -> memref<8x128xf32, #tpu.memory_space<hbm>>
      %dma_start3A_595 = arith.constant 0 : i32
      %dma_start3A_596 = arith.constant 0 : i32
      %dma_start3A_597 = tpu.memref_slice %arg3[%add3A_588, %dma_start3A_595, %dma_start3A_596] : memref<65536x8x128xf32, #tpu.memory_space<hbm>> -> memref<1x8x128xf32, #tpu.memory_space<hbm>>
      %dma_start3A_598 = tpu.memref_squeeze %dma_start3A_597 : memref<1x8x128xf32, #tpu.memory_space<hbm>> -> memref<8x128xf32, #tpu.memory_space<hbm>>
      %dma_start3A_599 = arith.constant 0 : i32
      %dma_start3A_600 = tpu.memref_slice %arg4[%dma_start3A_599, %add3A_586] : memref<8x4112xf32, #tpu.memory_space<vmem>> -> memref<8x128xf32, #tpu.memory_space<vmem>>
      tpu.enqueue_dma source(%dma_start3A_600 : memref<8x128xf32, #tpu.memory_space<vmem>>) target(%dma_start3A_598 : memref<8x128xf32, #tpu.memory_space<hbm>>) target_semaphore(%arg5 : memref<!tpu.dma_semaphore, #tpu.memory_space<semaphore_mem>>)
      %add3A_601 = arith.constant 1920 : i32
      %add3A_602 = arith.addi %multiple_of3A, %add3A_601 : i32
      %add3A_603 = arith.constant 15 : i32
      %add3A_604 = arith.addi %mul3A_360, %add3A_603 : i32
      %dma_start3A_605 = arith.constant 0 : i32
      %dma_start3A_606 = tpu.memref_slice %arg4[%dma_start3A_605, %add3A_602] : memref<8x4112xf32, #tpu.memory_space<vmem>> -> memref<8x128xf32, #tpu.memory_space<vmem>>
      %dma_start3A_607 = arith.constant 0 : i32
      %dma_start3A_608 = arith.constant 0 : i32
      %dma_start3A_609 = tpu.memref_slice %arg3[%add3A_604, %dma_start3A_607, %dma_start3A_608] : memref<65536x8x128xf32, #tpu.memory_space<hbm>> -> memref<1x8x128xf32, #tpu.memory_space<hbm>>
      %dma_start3A_610 = tpu.memref_squeeze %dma_start3A_609 : memref<1x8x128xf32, #tpu.memory_space<hbm>> -> memref<8x128xf32, #tpu.memory_space<hbm>>
      %dma_start3A_611 = arith.constant 0 : i32
      %dma_start3A_612 = arith.constant 0 : i32
      %dma_start3A_613 = tpu.memref_slice %arg3[%add3A_604, %dma_start3A_611, %dma_start3A_612] : memref<65536x8x128xf32, #tpu.memory_space<hbm>> -> memref<1x8x128xf32, #tpu.memory_space<hbm>>
      %dma_start3A_614 = tpu.memref_squeeze %dma_start3A_613 : memref<1x8x128xf32, #tpu.memory_space<hbm>> -> memref<8x128xf32, #tpu.memory_space<hbm>>
      %dma_start3A_615 = arith.constant 0 : i32
      %dma_start3A_616 = tpu.memref_slice %arg4[%dma_start3A_615, %add3A_602] : memref<8x4112xf32, #tpu.memory_space<vmem>> -> memref<8x128xf32, #tpu.memory_space<vmem>>
      tpu.enqueue_dma source(%dma_start3A_616 : memref<8x128xf32, #tpu.memory_space<vmem>>) target(%dma_start3A_614 : memref<8x128xf32, #tpu.memory_space<hbm>>) target_semaphore(%arg5 : memref<!tpu.dma_semaphore, #tpu.memory_space<semaphore_mem>>)
      %dma_wait3A_617 = arith.constant 0 : i32
      %dma_wait3A_618 = tpu.memref_slice %arg4[%dma_wait3A_617, %add3A_362] : memref<8x4112xf32, #tpu.memory_space<vmem>> -> memref<8x128xf32, #tpu.memory_space<vmem>>
      %dma_wait3A_619 = arith.constant 0 : i32
      %dma_wait3A_620 = arith.constant 0 : i32
      %dma_wait3A_621 = tpu.memref_slice %arg3[%add3A_364, %dma_wait3A_619, %dma_wait3A_620] : memref<65536x8x128xf32, #tpu.memory_space<hbm>> -> memref<1x8x128xf32, #tpu.memory_space<hbm>>
      %dma_wait3A_622 = tpu.memref_squeeze %dma_wait3A_621 : memref<1x8x128xf32, #tpu.memory_space<hbm>> -> memref<8x128xf32, #tpu.memory_space<hbm>>
      %dma_wait3A_623 = arith.constant 0 : i32
      %dma_wait3A_624 = arith.constant 0 : i32
      %dma_wait3A_625 = tpu.memref_slice %arg3[%add3A_364, %dma_wait3A_623, %dma_wait3A_624] : memref<65536x8x128xf32, #tpu.memory_space<hbm>> -> memref<1x8x128xf32, #tpu.memory_space<hbm>>
      %dma_wait3A_626 = tpu.memref_squeeze %dma_wait3A_625 : memref<1x8x128xf32, #tpu.memory_space<hbm>> -> memref<8x128xf32, #tpu.memory_space<hbm>>
      %dma_wait3A_627 = arith.constant 0 : i32
      %dma_wait3A_628 = tpu.memref_slice %arg4[%dma_wait3A_627, %add3A_362] : memref<8x4112xf32, #tpu.memory_space<vmem>> -> memref<8x128xf32, #tpu.memory_space<vmem>>
      tpu.wait_dma2 semaphore(%arg5 : memref<!tpu.dma_semaphore, #tpu.memory_space<semaphore_mem>>) src(%dma_wait3A_628 : memref<8x128xf32, #tpu.memory_space<vmem>>) dst(%dma_wait3A_626 : memref<8x128xf32, #tpu.memory_space<hbm>>)
      %dma_wait3A_629 = arith.constant 0 : i32
      %dma_wait3A_630 = tpu.memref_slice %arg4[%dma_wait3A_629, %add3A_378] : memref<8x4112xf32, #tpu.memory_space<vmem>> -> memref<8x128xf32, #tpu.memory_space<vmem>>
      %dma_wait3A_631 = arith.constant 0 : i32
      %dma_wait3A_632 = arith.constant 0 : i32
      %dma_wait3A_633 = tpu.memref_slice %arg3[%add3A_380, %dma_wait3A_631, %dma_wait3A_632] : memref<65536x8x128xf32, #tpu.memory_space<hbm>> -> memref<1x8x128xf32, #tpu.memory_space<hbm>>
      %dma_wait3A_634 = tpu.memref_squeeze %dma_wait3A_633 : memref<1x8x128xf32, #tpu.memory_space<hbm>> -> memref<8x128xf32, #tpu.memory_space<hbm>>
      %dma_wait3A_635 = arith.constant 0 : i32
      %dma_wait3A_636 = arith.constant 0 : i32
      %dma_wait3A_637 = tpu.memref_slice %arg3[%add3A_380, %dma_wait3A_635, %dma_wait3A_636] : memref<65536x8x128xf32, #tpu.memory_space<hbm>> -> memref<1x8x128xf32, #tpu.memory_space<hbm>>
      %dma_wait3A_638 = tpu.memref_squeeze %dma_wait3A_637 : memref<1x8x128xf32, #tpu.memory_space<hbm>> -> memref<8x128xf32, #tpu.memory_space<hbm>>
      %dma_wait3A_639 = arith.constant 0 : i32
      %dma_wait3A_640 = tpu.memref_slice %arg4[%dma_wait3A_639, %add3A_378] : memref<8x4112xf32, #tpu.memory_space<vmem>> -> memref<8x128xf32, #tpu.memory_space<vmem>>
      tpu.wait_dma2 semaphore(%arg5 : memref<!tpu.dma_semaphore, #tpu.memory_space<semaphore_mem>>) src(%dma_wait3A_640 : memref<8x128xf32, #tpu.memory_space<vmem>>) dst(%dma_wait3A_638 : memref<8x128xf32, #tpu.memory_space<hbm>>)
      %dma_wait3A_641 = arith.constant 0 : i32
      %dma_wait3A_642 = tpu.memref_slice %arg4[%dma_wait3A_641, %add3A_394] : memref<8x4112xf32, #tpu.memory_space<vmem>> -> memref<8x128xf32, #tpu.memory_space<vmem>>
      %dma_wait3A_643 = arith.constant 0 : i32
      %dma_wait3A_644 = arith.constant 0 : i32
      %dma_wait3A_645 = tpu.memref_slice %arg3[%add3A_396, %dma_wait3A_643, %dma_wait3A_644] : memref<65536x8x128xf32, #tpu.memory_space<hbm>> -> memref<1x8x128xf32, #tpu.memory_space<hbm>>
      %dma_wait3A_646 = tpu.memref_squeeze %dma_wait3A_645 : memref<1x8x128xf32, #tpu.memory_space<hbm>> -> memref<8x128xf32, #tpu.memory_space<hbm>>
      %dma_wait3A_647 = arith.constant 0 : i32
      %dma_wait3A_648 = arith.constant 0 : i32
      %dma_wait3A_649 = tpu.memref_slice %arg3[%add3A_396, %dma_wait3A_647, %dma_wait3A_648] : memref<65536x8x128xf32, #tpu.memory_space<hbm>> -> memref<1x8x128xf32, #tpu.memory_space<hbm>>
      %dma_wait3A_650 = tpu.memref_squeeze %dma_wait3A_649 : memref<1x8x128xf32, #tpu.memory_space<hbm>> -> memref<8x128xf32, #tpu.memory_space<hbm>>
      %dma_wait3A_651 = arith.constant 0 : i32
      %dma_wait3A_652 = tpu.memref_slice %arg4[%dma_wait3A_651, %add3A_394] : memref<8x4112xf32, #tpu.memory_space<vmem>> -> memref<8x128xf32, #tpu.memory_space<vmem>>
      tpu.wait_dma2 semaphore(%arg5 : memref<!tpu.dma_semaphore, #tpu.memory_space<semaphore_mem>>) src(%dma_wait3A_652 : memref<8x128xf32, #tpu.memory_space<vmem>>) dst(%dma_wait3A_650 : memref<8x128xf32, #tpu.memory_space<hbm>>)
      %dma_wait3A_653 = arith.constant 0 : i32
      %dma_wait3A_654 = tpu.memref_slice %arg4[%dma_wait3A_653, %add3A_410] : memref<8x4112xf32, #tpu.memory_space<vmem>> -> memref<8x128xf32, #tpu.memory_space<vmem>>
      %dma_wait3A_655 = arith.constant 0 : i32
      %dma_wait3A_656 = arith.constant 0 : i32
      %dma_wait3A_657 = tpu.memref_slice %arg3[%add3A_412, %dma_wait3A_655, %dma_wait3A_656] : memref<65536x8x128xf32, #tpu.memory_space<hbm>> -> memref<1x8x128xf32, #tpu.memory_space<hbm>>
      %dma_wait3A_658 = tpu.memref_squeeze %dma_wait3A_657 : memref<1x8x128xf32, #tpu.memory_space<hbm>> -> memref<8x128xf32, #tpu.memory_space<hbm>>
      %dma_wait3A_659 = arith.constant 0 : i32
      %dma_wait3A_660 = arith.constant 0 : i32
      %dma_wait3A_661 = tpu.memref_slice %arg3[%add3A_412, %dma_wait3A_659, %dma_wait3A_660] : memref<65536x8x128xf32, #tpu.memory_space<hbm>> -> memref<1x8x128xf32, #tpu.memory_space<hbm>>
      %dma_wait3A_662 = tpu.memref_squeeze %dma_wait3A_661 : memref<1x8x128xf32, #tpu.memory_space<hbm>> -> memref<8x128xf32, #tpu.memory_space<hbm>>
      %dma_wait3A_663 = arith.constant 0 : i32
      %dma_wait3A_664 = tpu.memref_slice %arg4[%dma_wait3A_663, %add3A_410] : memref<8x4112xf32, #tpu.memory_space<vmem>> -> memref<8x128xf32, #tpu.memory_space<vmem>>
      tpu.wait_dma2 semaphore(%arg5 : memref<!tpu.dma_semaphore, #tpu.memory_space<semaphore_mem>>) src(%dma_wait3A_664 : memref<8x128xf32, #tpu.memory_space<vmem>>) dst(%dma_wait3A_662 : memref<8x128xf32, #tpu.memory_space<hbm>>)
      %dma_wait3A_665 = arith.constant 0 : i32
      %dma_wait3A_666 = tpu.memref_slice %arg4[%dma_wait3A_665, %add3A_426] : memref<8x4112xf32, #tpu.memory_space<vmem>> -> memref<8x128xf32, #tpu.memory_space<vmem>>
      %dma_wait3A_667 = arith.constant 0 : i32
      %dma_wait3A_668 = arith.constant 0 : i32
      %dma_wait3A_669 = tpu.memref_slice %arg3[%add3A_428, %dma_wait3A_667, %dma_wait3A_668] : memref<65536x8x128xf32, #tpu.memory_space<hbm>> -> memref<1x8x128xf32, #tpu.memory_space<hbm>>
      %dma_wait3A_670 = tpu.memref_squeeze %dma_wait3A_669 : memref<1x8x128xf32, #tpu.memory_space<hbm>> -> memref<8x128xf32, #tpu.memory_space<hbm>>
      %dma_wait3A_671 = arith.constant 0 : i32
      %dma_wait3A_672 = arith.constant 0 : i32
      %dma_wait3A_673 = tpu.memref_slice %arg3[%add3A_428, %dma_wait3A_671, %dma_wait3A_672] : memref<65536x8x128xf32, #tpu.memory_space<hbm>> -> memref<1x8x128xf32, #tpu.memory_space<hbm>>
      %dma_wait3A_674 = tpu.memref_squeeze %dma_wait3A_673 : memref<1x8x128xf32, #tpu.memory_space<hbm>> -> memref<8x128xf32, #tpu.memory_space<hbm>>
      %dma_wait3A_675 = arith.constant 0 : i32
      %dma_wait3A_676 = tpu.memref_slice %arg4[%dma_wait3A_675, %add3A_426] : memref<8x4112xf32, #tpu.memory_space<vmem>> -> memref<8x128xf32, #tpu.memory_space<vmem>>
      tpu.wait_dma2 semaphore(%arg5 : memref<!tpu.dma_semaphore, #tpu.memory_space<semaphore_mem>>) src(%dma_wait3A_676 : memref<8x128xf32, #tpu.memory_space<vmem>>) dst(%dma_wait3A_674 : memref<8x128xf32, #tpu.memory_space<hbm>>)
      %dma_wait3A_677 = arith.constant 0 : i32
      %dma_wait3A_678 = tpu.memref_slice %arg4[%dma_wait3A_677, %add3A_442] : memref<8x4112xf32, #tpu.memory_space<vmem>> -> memref<8x128xf32, #tpu.memory_space<vmem>>
      %dma_wait3A_679 = arith.constant 0 : i32
      %dma_wait3A_680 = arith.constant 0 : i32
      %dma_wait3A_681 = tpu.memref_slice %arg3[%add3A_444, %dma_wait3A_679, %dma_wait3A_680] : memref<65536x8x128xf32, #tpu.memory_space<hbm>> -> memref<1x8x128xf32, #tpu.memory_space<hbm>>
      %dma_wait3A_682 = tpu.memref_squeeze %dma_wait3A_681 : memref<1x8x128xf32, #tpu.memory_space<hbm>> -> memref<8x128xf32, #tpu.memory_space<hbm>>
      %dma_wait3A_683 = arith.constant 0 : i32
      %dma_wait3A_684 = arith.constant 0 : i32
      %dma_wait3A_685 = tpu.memref_slice %arg3[%add3A_444, %dma_wait3A_683, %dma_wait3A_684] : memref<65536x8x128xf32, #tpu.memory_space<hbm>> -> memref<1x8x128xf32, #tpu.memory_space<hbm>>
      %dma_wait3A_686 = tpu.memref_squeeze %dma_wait3A_685 : memref<1x8x128xf32, #tpu.memory_space<hbm>> -> memref<8x128xf32, #tpu.memory_space<hbm>>
      %dma_wait3A_687 = arith.constant 0 : i32
      %dma_wait3A_688 = tpu.memref_slice %arg4[%dma_wait3A_687, %add3A_442] : memref<8x4112xf32, #tpu.memory_space<vmem>> -> memref<8x128xf32, #tpu.memory_space<vmem>>
      tpu.wait_dma2 semaphore(%arg5 : memref<!tpu.dma_semaphore, #tpu.memory_space<semaphore_mem>>) src(%dma_wait3A_688 : memref<8x128xf32, #tpu.memory_space<vmem>>) dst(%dma_wait3A_686 : memref<8x128xf32, #tpu.memory_space<hbm>>)
      %dma_wait3A_689 = arith.constant 0 : i32
      %dma_wait3A_690 = tpu.memref_slice %arg4[%dma_wait3A_689, %add3A_458] : memref<8x4112xf32, #tpu.memory_space<vmem>> -> memref<8x128xf32, #tpu.memory_space<vmem>>
      %dma_wait3A_691 = arith.constant 0 : i32
      %dma_wait3A_692 = arith.constant 0 : i32
      %dma_wait3A_693 = tpu.memref_slice %arg3[%add3A_460, %dma_wait3A_691, %dma_wait3A_692] : memref<65536x8x128xf32, #tpu.memory_space<hbm>> -> memref<1x8x128xf32, #tpu.memory_space<hbm>>
      %dma_wait3A_694 = tpu.memref_squeeze %dma_wait3A_693 : memref<1x8x128xf32, #tpu.memory_space<hbm>> -> memref<8x128xf32, #tpu.memory_space<hbm>>
      %dma_wait3A_695 = arith.constant 0 : i32
      %dma_wait3A_696 = arith.constant 0 : i32
      %dma_wait3A_697 = tpu.memref_slice %arg3[%add3A_460, %dma_wait3A_695, %dma_wait3A_696] : memref<65536x8x128xf32, #tpu.memory_space<hbm>> -> memref<1x8x128xf32, #tpu.memory_space<hbm>>
      %dma_wait3A_698 = tpu.memref_squeeze %dma_wait3A_697 : memref<1x8x128xf32, #tpu.memory_space<hbm>> -> memref<8x128xf32, #tpu.memory_space<hbm>>
      %dma_wait3A_699 = arith.constant 0 : i32
      %dma_wait3A_700 = tpu.memref_slice %arg4[%dma_wait3A_699, %add3A_458] : memref<8x4112xf32, #tpu.memory_space<vmem>> -> memref<8x128xf32, #tpu.memory_space<vmem>>
      tpu.wait_dma2 semaphore(%arg5 : memref<!tpu.dma_semaphore, #tpu.memory_space<semaphore_mem>>) src(%dma_wait3A_700 : memref<8x128xf32, #tpu.memory_space<vmem>>) dst(%dma_wait3A_698 : memref<8x128xf32, #tpu.memory_space<hbm>>)
      %dma_wait3A_701 = arith.constant 0 : i32
      %dma_wait3A_702 = tpu.memref_slice %arg4[%dma_wait3A_701, %add3A_474] : memref<8x4112xf32, #tpu.memory_space<vmem>> -> memref<8x128xf32, #tpu.memory_space<vmem>>
      %dma_wait3A_703 = arith.constant 0 : i32
      %dma_wait3A_704 = arith.constant 0 : i32
      %dma_wait3A_705 = tpu.memref_slice %arg3[%add3A_476, %dma_wait3A_703, %dma_wait3A_704] : memref<65536x8x128xf32, #tpu.memory_space<hbm>> -> memref<1x8x128xf32, #tpu.memory_space<hbm>>
      %dma_wait3A_706 = tpu.memref_squeeze %dma_wait3A_705 : memref<1x8x128xf32, #tpu.memory_space<hbm>> -> memref<8x128xf32, #tpu.memory_space<hbm>>
      %dma_wait3A_707 = arith.constant 0 : i32
      %dma_wait3A_708 = arith.constant 0 : i32
      %dma_wait3A_709 = tpu.memref_slice %arg3[%add3A_476, %dma_wait3A_707, %dma_wait3A_708] : memref<65536x8x128xf32, #tpu.memory_space<hbm>> -> memref<1x8x128xf32, #tpu.memory_space<hbm>>
      %dma_wait3A_710 = tpu.memref_squeeze %dma_wait3A_709 : memref<1x8x128xf32, #tpu.memory_space<hbm>> -> memref<8x128xf32, #tpu.memory_space<hbm>>
      %dma_wait3A_711 = arith.constant 0 : i32
      %dma_wait3A_712 = tpu.memref_slice %arg4[%dma_wait3A_711, %add3A_474] : memref<8x4112xf32, #tpu.memory_space<vmem>> -> memref<8x128xf32, #tpu.memory_space<vmem>>
      tpu.wait_dma2 semaphore(%arg5 : memref<!tpu.dma_semaphore, #tpu.memory_space<semaphore_mem>>) src(%dma_wait3A_712 : memref<8x128xf32, #tpu.memory_space<vmem>>) dst(%dma_wait3A_710 : memref<8x128xf32, #tpu.memory_space<hbm>>)
      %dma_wait3A_713 = arith.constant 0 : i32
      %dma_wait3A_714 = tpu.memref_slice %arg4[%dma_wait3A_713, %add3A_490] : memref<8x4112xf32, #tpu.memory_space<vmem>> -> memref<8x128xf32, #tpu.memory_space<vmem>>
      %dma_wait3A_715 = arith.constant 0 : i32
      %dma_wait3A_716 = arith.constant 0 : i32
      %dma_wait3A_717 = tpu.memref_slice %arg3[%add3A_492, %dma_wait3A_715, %dma_wait3A_716] : memref<65536x8x128xf32, #tpu.memory_space<hbm>> -> memref<1x8x128xf32, #tpu.memory_space<hbm>>
      %dma_wait3A_718 = tpu.memref_squeeze %dma_wait3A_717 : memref<1x8x128xf32, #tpu.memory_space<hbm>> -> memref<8x128xf32, #tpu.memory_space<hbm>>
      %dma_wait3A_719 = arith.constant 0 : i32
      %dma_wait3A_720 = arith.constant 0 : i32
      %dma_wait3A_721 = tpu.memref_slice %arg3[%add3A_492, %dma_wait3A_719, %dma_wait3A_720] : memref<65536x8x128xf32, #tpu.memory_space<hbm>> -> memref<1x8x128xf32, #tpu.memory_space<hbm>>
      %dma_wait3A_722 = tpu.memref_squeeze %dma_wait3A_721 : memref<1x8x128xf32, #tpu.memory_space<hbm>> -> memref<8x128xf32, #tpu.memory_space<hbm>>
      %dma_wait3A_723 = arith.constant 0 : i32
      %dma_wait3A_724 = tpu.memref_slice %arg4[%dma_wait3A_723, %add3A_490] : memref<8x4112xf32, #tpu.memory_space<vmem>> -> memref<8x128xf32, #tpu.memory_space<vmem>>
      tpu.wait_dma2 semaphore(%arg5 : memref<!tpu.dma_semaphore, #tpu.memory_space<semaphore_mem>>) src(%dma_wait3A_724 : memref<8x128xf32, #tpu.memory_space<vmem>>) dst(%dma_wait3A_722 : memref<8x128xf32, #tpu.memory_space<hbm>>)
      %dma_wait3A_725 = arith.constant 0 : i32
      %dma_wait3A_726 = tpu.memref_slice %arg4[%dma_wait3A_725, %add3A_506] : memref<8x4112xf32, #tpu.memory_space<vmem>> -> memref<8x128xf32, #tpu.memory_space<vmem>>
      %dma_wait3A_727 = arith.constant 0 : i32
      %dma_wait3A_728 = arith.constant 0 : i32
      %dma_wait3A_729 = tpu.memref_slice %arg3[%add3A_508, %dma_wait3A_727, %dma_wait3A_728] : memref<65536x8x128xf32, #tpu.memory_space<hbm>> -> memref<1x8x128xf32, #tpu.memory_space<hbm>>
      %dma_wait3A_730 = tpu.memref_squeeze %dma_wait3A_729 : memref<1x8x128xf32, #tpu.memory_space<hbm>> -> memref<8x128xf32, #tpu.memory_space<hbm>>
      %dma_wait3A_731 = arith.constant 0 : i32
      %dma_wait3A_732 = arith.constant 0 : i32
      %dma_wait3A_733 = tpu.memref_slice %arg3[%add3A_508, %dma_wait3A_731, %dma_wait3A_732] : memref<65536x8x128xf32, #tpu.memory_space<hbm>> -> memref<1x8x128xf32, #tpu.memory_space<hbm>>
      %dma_wait3A_734 = tpu.memref_squeeze %dma_wait3A_733 : memref<1x8x128xf32, #tpu.memory_space<hbm>> -> memref<8x128xf32, #tpu.memory_space<hbm>>
      %dma_wait3A_735 = arith.constant 0 : i32
      %dma_wait3A_736 = tpu.memref_slice %arg4[%dma_wait3A_735, %add3A_506] : memref<8x4112xf32, #tpu.memory_space<vmem>> -> memref<8x128xf32, #tpu.memory_space<vmem>>
      tpu.wait_dma2 semaphore(%arg5 : memref<!tpu.dma_semaphore, #tpu.memory_space<semaphore_mem>>) src(%dma_wait3A_736 : memref<8x128xf32, #tpu.memory_space<vmem>>) dst(%dma_wait3A_734 : memref<8x128xf32, #tpu.memory_space<hbm>>)
      %dma_wait3A_737 = arith.constant 0 : i32
      %dma_wait3A_738 = tpu.memref_slice %arg4[%dma_wait3A_737, %add3A_522] : memref<8x4112xf32, #tpu.memory_space<vmem>> -> memref<8x128xf32, #tpu.memory_space<vmem>>
      %dma_wait3A_739 = arith.constant 0 : i32
      %dma_wait3A_740 = arith.constant 0 : i32
      %dma_wait3A_741 = tpu.memref_slice %arg3[%add3A_524, %dma_wait3A_739, %dma_wait3A_740] : memref<65536x8x128xf32, #tpu.memory_space<hbm>> -> memref<1x8x128xf32, #tpu.memory_space<hbm>>
      %dma_wait3A_742 = tpu.memref_squeeze %dma_wait3A_741 : memref<1x8x128xf32, #tpu.memory_space<hbm>> -> memref<8x128xf32, #tpu.memory_space<hbm>>
      %dma_wait3A_743 = arith.constant 0 : i32
      %dma_wait3A_744 = arith.constant 0 : i32
      %dma_wait3A_745 = tpu.memref_slice %arg3[%add3A_524, %dma_wait3A_743, %dma_wait3A_744] : memref<65536x8x128xf32, #tpu.memory_space<hbm>> -> memref<1x8x128xf32, #tpu.memory_space<hbm>>
      %dma_wait3A_746 = tpu.memref_squeeze %dma_wait3A_745 : memref<1x8x128xf32, #tpu.memory_space<hbm>> -> memref<8x128xf32, #tpu.memory_space<hbm>>
      %dma_wait3A_747 = arith.constant 0 : i32
      %dma_wait3A_748 = tpu.memref_slice %arg4[%dma_wait3A_747, %add3A_522] : memref<8x4112xf32, #tpu.memory_space<vmem>> -> memref<8x128xf32, #tpu.memory_space<vmem>>
      tpu.wait_dma2 semaphore(%arg5 : memref<!tpu.dma_semaphore, #tpu.memory_space<semaphore_mem>>) src(%dma_wait3A_748 : memref<8x128xf32, #tpu.memory_space<vmem>>) dst(%dma_wait3A_746 : memref<8x128xf32, #tpu.memory_space<hbm>>)
      %dma_wait3A_749 = arith.constant 0 : i32
      %dma_wait3A_750 = tpu.memref_slice %arg4[%dma_wait3A_749, %add3A_538] : memref<8x4112xf32, #tpu.memory_space<vmem>> -> memref<8x128xf32, #tpu.memory_space<vmem>>
      %dma_wait3A_751 = arith.constant 0 : i32
      %dma_wait3A_752 = arith.constant 0 : i32
      %dma_wait3A_753 = tpu.memref_slice %arg3[%add3A_540, %dma_wait3A_751, %dma_wait3A_752] : memref<65536x8x128xf32, #tpu.memory_space<hbm>> -> memref<1x8x128xf32, #tpu.memory_space<hbm>>
      %dma_wait3A_754 = tpu.memref_squeeze %dma_wait3A_753 : memref<1x8x128xf32, #tpu.memory_space<hbm>> -> memref<8x128xf32, #tpu.memory_space<hbm>>
      %dma_wait3A_755 = arith.constant 0 : i32
      %dma_wait3A_756 = arith.constant 0 : i32
      %dma_wait3A_757 = tpu.memref_slice %arg3[%add3A_540, %dma_wait3A_755, %dma_wait3A_756] : memref<65536x8x128xf32, #tpu.memory_space<hbm>> -> memref<1x8x128xf32, #tpu.memory_space<hbm>>
      %dma_wait3A_758 = tpu.memref_squeeze %dma_wait3A_757 : memref<1x8x128xf32, #tpu.memory_space<hbm>> -> memref<8x128xf32, #tpu.memory_space<hbm>>
      %dma_wait3A_759 = arith.constant 0 : i32
      %dma_wait3A_760 = tpu.memref_slice %arg4[%dma_wait3A_759, %add3A_538] : memref<8x4112xf32, #tpu.memory_space<vmem>> -> memref<8x128xf32, #tpu.memory_space<vmem>>
      tpu.wait_dma2 semaphore(%arg5 : memref<!tpu.dma_semaphore, #tpu.memory_space<semaphore_mem>>) src(%dma_wait3A_760 : memref<8x128xf32, #tpu.memory_space<vmem>>) dst(%dma_wait3A_758 : memref<8x128xf32, #tpu.memory_space<hbm>>)
      %dma_wait3A_761 = arith.constant 0 : i32
      %dma_wait3A_762 = tpu.memref_slice %arg4[%dma_wait3A_761, %add3A_554] : memref<8x4112xf32, #tpu.memory_space<vmem>> -> memref<8x128xf32, #tpu.memory_space<vmem>>
      %dma_wait3A_763 = arith.constant 0 : i32
      %dma_wait3A_764 = arith.constant 0 : i32
      %dma_wait3A_765 = tpu.memref_slice %arg3[%add3A_556, %dma_wait3A_763, %dma_wait3A_764] : memref<65536x8x128xf32, #tpu.memory_space<hbm>> -> memref<1x8x128xf32, #tpu.memory_space<hbm>>
      %dma_wait3A_766 = tpu.memref_squeeze %dma_wait3A_765 : memref<1x8x128xf32, #tpu.memory_space<hbm>> -> memref<8x128xf32, #tpu.memory_space<hbm>>
      %dma_wait3A_767 = arith.constant 0 : i32
      %dma_wait3A_768 = arith.constant 0 : i32
      %dma_wait3A_769 = tpu.memref_slice %arg3[%add3A_556, %dma_wait3A_767, %dma_wait3A_768] : memref<65536x8x128xf32, #tpu.memory_space<hbm>> -> memref<1x8x128xf32, #tpu.memory_space<hbm>>
      %dma_wait3A_770 = tpu.memref_squeeze %dma_wait3A_769 : memref<1x8x128xf32, #tpu.memory_space<hbm>> -> memref<8x128xf32, #tpu.memory_space<hbm>>
      %dma_wait3A_771 = arith.constant 0 : i32
      %dma_wait3A_772 = tpu.memref_slice %arg4[%dma_wait3A_771, %add3A_554] : memref<8x4112xf32, #tpu.memory_space<vmem>> -> memref<8x128xf32, #tpu.memory_space<vmem>>
      tpu.wait_dma2 semaphore(%arg5 : memref<!tpu.dma_semaphore, #tpu.memory_space<semaphore_mem>>) src(%dma_wait3A_772 : memref<8x128xf32, #tpu.memory_space<vmem>>) dst(%dma_wait3A_770 : memref<8x128xf32, #tpu.memory_space<hbm>>)
      %dma_wait3A_773 = arith.constant 0 : i32
      %dma_wait3A_774 = tpu.memref_slice %arg4[%dma_wait3A_773, %add3A_570] : memref<8x4112xf32, #tpu.memory_space<vmem>> -> memref<8x128xf32, #tpu.memory_space<vmem>>
      %dma_wait3A_775 = arith.constant 0 : i32
      %dma_wait3A_776 = arith.constant 0 : i32
      %dma_wait3A_777 = tpu.memref_slice %arg3[%add3A_572, %dma_wait3A_775, %dma_wait3A_776] : memref<65536x8x128xf32, #tpu.memory_space<hbm>> -> memref<1x8x128xf32, #tpu.memory_space<hbm>>
      %dma_wait3A_778 = tpu.memref_squeeze %dma_wait3A_777 : memref<1x8x128xf32, #tpu.memory_space<hbm>> -> memref<8x128xf32, #tpu.memory_space<hbm>>
      %dma_wait3A_779 = arith.constant 0 : i32
      %dma_wait3A_780 = arith.constant 0 : i32
      %dma_wait3A_781 = tpu.memref_slice %arg3[%add3A_572, %dma_wait3A_779, %dma_wait3A_780] : memref<65536x8x128xf32, #tpu.memory_space<hbm>> -> memref<1x8x128xf32, #tpu.memory_space<hbm>>
      %dma_wait3A_782 = tpu.memref_squeeze %dma_wait3A_781 : memref<1x8x128xf32, #tpu.memory_space<hbm>> -> memref<8x128xf32, #tpu.memory_space<hbm>>
      %dma_wait3A_783 = arith.constant 0 : i32
      %dma_wait3A_784 = tpu.memref_slice %arg4[%dma_wait3A_783, %add3A_570] : memref<8x4112xf32, #tpu.memory_space<vmem>> -> memref<8x128xf32, #tpu.memory_space<vmem>>
      tpu.wait_dma2 semaphore(%arg5 : memref<!tpu.dma_semaphore, #tpu.memory_space<semaphore_mem>>) src(%dma_wait3A_784 : memref<8x128xf32, #tpu.memory_space<vmem>>) dst(%dma_wait3A_782 : memref<8x128xf32, #tpu.memory_space<hbm>>)
      %dma_wait3A_785 = arith.constant 0 : i32
      %dma_wait3A_786 = tpu.memref_slice %arg4[%dma_wait3A_785, %add3A_586] : memref<8x4112xf32, #tpu.memory_space<vmem>> -> memref<8x128xf32, #tpu.memory_space<vmem>>
      %dma_wait3A_787 = arith.constant 0 : i32
      %dma_wait3A_788 = arith.constant 0 : i32
      %dma_wait3A_789 = tpu.memref_slice %arg3[%add3A_588, %dma_wait3A_787, %dma_wait3A_788] : memref<65536x8x128xf32, #tpu.memory_space<hbm>> -> memref<1x8x128xf32, #tpu.memory_space<hbm>>
      %dma_wait3A_790 = tpu.memref_squeeze %dma_wait3A_789 : memref<1x8x128xf32, #tpu.memory_space<hbm>> -> memref<8x128xf32, #tpu.memory_space<hbm>>
      %dma_wait3A_791 = arith.constant 0 : i32
      %dma_wait3A_792 = arith.constant 0 : i32
      %dma_wait3A_793 = tpu.memref_slice %arg3[%add3A_588, %dma_wait3A_791, %dma_wait3A_792] : memref<65536x8x128xf32, #tpu.memory_space<hbm>> -> memref<1x8x128xf32, #tpu.memory_space<hbm>>
      %dma_wait3A_794 = tpu.memref_squeeze %dma_wait3A_793 : memref<1x8x128xf32, #tpu.memory_space<hbm>> -> memref<8x128xf32, #tpu.memory_space<hbm>>
      %dma_wait3A_795 = arith.constant 0 : i32
      %dma_wait3A_796 = tpu.memref_slice %arg4[%dma_wait3A_795, %add3A_586] : memref<8x4112xf32, #tpu.memory_space<vmem>> -> memref<8x128xf32, #tpu.memory_space<vmem>>
      tpu.wait_dma2 semaphore(%arg5 : memref<!tpu.dma_semaphore, #tpu.memory_space<semaphore_mem>>) src(%dma_wait3A_796 : memref<8x128xf32, #tpu.memory_space<vmem>>) dst(%dma_wait3A_794 : memref<8x128xf32, #tpu.memory_space<hbm>>)
      %dma_wait3A_797 = arith.constant 0 : i32
      %dma_wait3A_798 = tpu.memref_slice %arg4[%dma_wait3A_797, %add3A_602] : memref<8x4112xf32, #tpu.memory_space<vmem>> -> memref<8x128xf32, #tpu.memory_space<vmem>>
      %dma_wait3A_799 = arith.constant 0 : i32
      %dma_wait3A_800 = arith.constant 0 : i32
      %dma_wait3A_801 = tpu.memref_slice %arg3[%add3A_604, %dma_wait3A_799, %dma_wait3A_800] : memref<65536x8x128xf32, #tpu.memory_space<hbm>> -> memref<1x8x128xf32, #tpu.memory_space<hbm>>
      %dma_wait3A_802 = tpu.memref_squeeze %dma_wait3A_801 : memref<1x8x128xf32, #tpu.memory_space<hbm>> -> memref<8x128xf32, #tpu.memory_space<hbm>>
      %dma_wait3A_803 = arith.constant 0 : i32
      %dma_wait3A_804 = arith.constant 0 : i32
      %dma_wait3A_805 = tpu.memref_slice %arg3[%add3A_604, %dma_wait3A_803, %dma_wait3A_804] : memref<65536x8x128xf32, #tpu.memory_space<hbm>> -> memref<1x8x128xf32, #tpu.memory_space<hbm>>
      %dma_wait3A_806 = tpu.memref_squeeze %dma_wait3A_805 : memref<1x8x128xf32, #tpu.memory_space<hbm>> -> memref<8x128xf32, #tpu.memory_space<hbm>>
      %dma_wait3A_807 = arith.constant 0 : i32
      %dma_wait3A_808 = tpu.memref_slice %arg4[%dma_wait3A_807, %add3A_602] : memref<8x4112xf32, #tpu.memory_space<vmem>> -> memref<8x128xf32, #tpu.memory_space<vmem>>
      tpu.wait_dma2 semaphore(%arg5 : memref<!tpu.dma_semaphore, #tpu.memory_space<semaphore_mem>>) src(%dma_wait3A_808 : memref<8x128xf32, #tpu.memory_space<vmem>>) dst(%dma_wait3A_806 : memref<8x128xf32, #tpu.memory_space<hbm>>)
    }
    %scan3A_342 = arith.constant 128 : i32
    return
  }
}

</mosaic_0001>

<sc_bundles>
// kernel: kernel.3.cloned.1.call-start
scs
__scs_entry_jumppad:
0x0: {  	(pc) =	sbr.rel $0x88, $3  }
0x1: {  	(tag) =	ssettag $0x0;
	lr =	simm.s32 $0x1  }
0x2: {  	[smem:$0x3FA0] =	sst lr;
	_ =	strace $0xD0000000  }
0x3: {  	_ = 	snop  }
0x4: {  	_ = 	snop  }
0x5: {  	_ = 	snop  }
0x6: {  	_ = 	snop  }
0x7: {  	_ = 	snop  }
__scs_overlays_trampoline_lowered:
0x8: {  	[smem:$0x3FAF] =	sst s0  }
0x9: {  	[smem:$0x3FB0] =	sst s1  }
0xa: {  	[smem:$0x3FB1] =	sst s2  }
0xb: {  	[smem:$0x3FB2] =	sst s3  }
0xc: {  	[smem:$0x3FB3] =	sst s4  }
0xd: {  	[smem:$0x3FB4] =	sst s5  }
0xe: {  	[smem:$0x3FB5] =	sst s6  }
0xf: {  	[smem:$0x3FB6] =	sst s7  }
0x10: {  	[smem:$0x3FB7] =	sst s8  }
0x11: {  	[smem:$0x3FB8] =	sst s9;
	s0 =	simm.s32 @!p0 $0x0  }
0x12: {  	s1 =	sld [smem:$0x3F9E];
	s0 =	simm.s32 @p0 $0x1  }
0x13: {  	[smem:$0x3FB9] =	sst s0;
	s0 =	simm.s32 @!p1 $0x0  }
0x14: {  	s2 =	sld [smem:$0x3F9D];
	s0 =	simm.s32 @p1 $0x1  }
0x15: {  	[smem:$0x3FBA] =	sst s0;
	s0 =	simm.s32 @!p2 $0x0  }
0x16: {  	s3 =	sld [smem:$0x3FDB];
	s0 =	simm.s32 @p2 $0x1  }
0x17: {  	s4 =	simm.s32 $0x1BF5;
	[smem:$0x3FBC] =	sst s0  }
0x18: {  	s0 =	sld [smem:$0x3F9F];
	_ =	swait.ge [sflag:s4], $0x0  }
0x19: {  	s7 =	sld [smem:$0x3FA0]  }
0x1a: {  	s8 =	sadd.s32 $0xFFFFE003, lr  }
0x1b: {  	s9 =	sadd.s32 $0xFFFFFEF7, lr;
	s5 =	simm.s32 $0xFFFFFFFF;
	p2 =	slt.u32 s8, $0xFFFFF086  }
0x1c: {  	p1 =	slt.u32 s9, $0xF7A;
	s5 =	simm.s32 @!p2 $0x0  }
0x1d: {  	s5 =	simm.s32 @p1 $0x1;
	p0 =	seq.s32 s7, s2  }
0x1e: {  	s7 =	smul.u32 @!p0 $0xF7A, s2;
	p2 =	seq.s32 @!p0 s5, $0x0  }
0x1f: {  	s9 =	smul.u32 $0xF7A, s1;
	s8 =	simm.s32 @!p0 $0x1BF5;
	p2 =	por !p2, p0  }
0x20: {  	[sflag:s8] =	ssyncset.s32 @!p0 $0xFFFFF086;
	s6 =	sadd.s32 @!p0 s3, s7;
	s7 =	simm.s32 @!p0 $0x108  }
0x21: {  	s3 =	sadd.s32 s3, s9;
	s6 =	sadd.s32 @!p0 $0x88, s6;
	s7 =	simm.s32 @p2 $0x1082  }
0x22: {  	[simem:s7], [sflag:s8] =	dma.local @!p0 [hbm:s6], $0xF7A  }
0x23: {  	s9 =	sor.u32 $0xD0000000, s2;
	s6 =	simm.s32 $0x108;
	_ =	swait.ge @!p0 [sflag:s8], $0x0  }
0x24: {  	s3 =	sadd.s32 $0x88, s3;
	s6 =	simm.s32 @!p1 $0x1082;
	[sflag:s4] =	ssyncset.s32 $0xFFFFF086  }
0x25: {  	[simem:s6], [sflag:s4] =	dma.local [hbm:s3], $0xF7A  }
0x26: {  	[smem:$0x3FA0] =	sst s1;
	(tag) =	ssettag s2;
	_ =	strace s9  }
0x27: {  	s1 =	sld [smem:$0x3FB0]  }
0x28: {  	s2 =	sld [smem:$0x3FB1]  }
0x29: {  	s4 =	sld [smem:$0x3FB3]  }
0x2a: {  	p0 =	seq.s32 s5, $0x0;
	s5 =	sld [smem:$0x3FB4]  }
0x2b: {  	s6 =	sld [smem:$0x3FB5]  }
0x2c: {  	s7 =	sld [smem:$0x3FB6]  }
0x2d: {  	s3 =	simm.s32 $0x108;
	s8 =	sld [smem:$0x3FB7]  }
0x2e: {  	s3 =	simm.s32 @!p0 $0x1082;
	s9 =	sld [smem:$0x3FB8]  }
0x2f: {  	lr =	sadd.s32 s0, s3;
	s0 =	sld [smem:$0x3FAF]  }
0x30: {  	s3 =	sld [smem:$0x3FB2]  }
0x31: {  	[smem:$0x3FBB] =	sst s10  }
0x32: {  	s10 =	sld [smem:$0x3FB9];
	_ =	sdelay $0x3  }
0x33: {  	p0 =	seq.s32 s10, $0x1;
	s10 =	sld [smem:$0x3FBB];
	_ =	sdelay $0x3  }
0x34: {  	[smem:$0x3FBB] =	sst s10  }
0x35: {  	s10 =	sld [smem:$0x3FBA];
	_ =	sdelay $0x3  }
0x36: {  	p1 =	seq.s32 s10, $0x1;
	s10 =	sld [smem:$0x3FBB];
	_ =	sdelay $0x3  }
0x37: {  	[smem:$0x3FBB] =	sst s10  }
0x38: {  	s10 =	sld [smem:$0x3FBC]  }
0x39: {  	_ = 	snop;
	(pc) =	sbr.ind lr, $3  }
0x3a: {  	_ = 	snop  }
0x3b: {  	_ = 	snop  }
0x3c: {  	p2 =	seq.s32 s10, $0x1;
	s10 =	sld [smem:$0x3FBB]  }
0x3d: {  	_ =	shalt  }
0x3e: {  	_ =	shalt  }
0x3f: {  	_ =	shalt  }
0x40: {  	_ =	shalt  }
0x41: {  	_ =	shalt  }
0x42: {  	_ =	shalt  }
0x43: {  	_ =	shalt  }
0x44: {  	_ =	shalt  }
0x45: {  	_ =	shalt  }
0x46: {  	_ =	shalt  }
0x47: {  	_ =	shalt  }
0x48: {  	_ =	shalt  }
0x49: {  	_ =	shalt  }
0x4a: {  	_ =	shalt  }
0x4b: {  	_ =	shalt  }
0x4c: {  	_ =	shalt  }
0x4d: {  	_ =	shalt  }
0x4e: {  	_ =	shalt  }
0x4f: {  	_ =	shalt  }
0x50: {  	_ =	shalt  }
0x51: {  	_ =	shalt  }
0x52: {  	_ =	shalt  }
0x53: {  	_ =	shalt  }
0x54: {  	_ =	shalt  }
0x55: {  	_ =	shalt  }
0x56: {  	_ =	shalt  }
0x57: {  	_ =	shalt  }
0x58: {  	_ =	shalt  }
0x59: {  	_ =	shalt  }
0x5a: {  	_ =	shalt  }
0x5b: {  	_ =	shalt  }
0x5c: {  	_ =	shalt  }
0x5d: {  	_ =	shalt  }
0x5e: {  	_ =	shalt  }
0x5f: {  	_ =	shalt  }
0x60: {  	_ =	shalt  }
0x61: {  	_ =	shalt  }
0x62: {  	_ =	shalt  }
0x63: {  	_ =	shalt  }
0x64: {  	_ =	shalt  }
0x65: {  	_ =	shalt  }
0x66: {  	_ =	shalt  }
0x67: {  	_ =	shalt  }
0x68: {  	_ =	shalt  }
0x69: {  	_ =	shalt  }
0x6a: {  	_ =	shalt  }
0x6b: {  	_ =	shalt  }
0x6c: {  	_ =	shalt  }
0x6d: {  	_ =	shalt  }
0x6e: {  	_ =	shalt  }
0x6f: {  	_ =	shalt  }
0x70: {  	_ =	shalt  }
0x71: {  	_ =	shalt  }
0x72: {  	_ =	shalt  }
0x73: {  	_ =	shalt  }
0x74: {  	_ =	shalt  }
0x75: {  	_ =	shalt  }
0x76: {  	_ =	shalt  }
0x77: {  	_ =	shalt  }
0x78: {  	_ =	shalt  }
0x79: {  	_ =	shalt  }
0x7a: {  	_ =	shalt  }
0x7b: {  	_ =	shalt  }
0x7c: {  	_ =	shalt  }
0x7d: {  	_ =	shalt  }
0x7e: {  	_ =	shalt  }
0x7f: {  	_ =	shalt  }
0x80: {  	_ =	shalt  }
0x81: {  	_ =	shalt  }
0x82: {  	_ =	shalt  }
0x83: {  	_ =	shalt  }
0x84: {  	_ =	shalt  }
0x85: {  	_ =	shalt  }
0x86: {  	_ =	shalt  }
0x87: {  	_ =	shalt  }
.Lfunc_end0:
.L_simem_size_0:
called_computation_lowered:
.L_overlay_start_0:
0x88: {  	s2 =	sld [smem:$0x3FD9]  }
0x89: {  	s3 =	sld [smem:$0x3FFE];
	_ =	sdelay $0x1  }
0x8a: {  	s1 =	srdreg.scid  }
0x8b: {  	s0 =	sand.u32 $0x1, s1  }
0x8c: {  	s17 =	sshll.u32 s0, $0xA;
	s2 =	sadd.s32 s3, s2  }
0x8d: {  	s2 =	sadd.s32 s2, s17  }
0x8e: {  	[smem:$0x3FC7] =	sst s2  }
0x8f: {  	_ = 	snop  }
0x90: {  	s2 =	sld [smem:$0x3FD0];
	(tm) =	ssettm $0x1  }
0x91: {  	s18 =	sld [smem:$0x3FFB];
	_ =	sdelay $0x3  }
0x92: {  	_ =	strace s18  }
0x93: {  	s3 =	sld [smem:$0x3FFC];
	_ =	sdelay $0x3  }
0x94: {  	_ =	strace s3  }
0x95: {  	s3 =	sld [smem:$0x3FFD];
	_ =	sdelay $0x3  }
0x96: {  	_ =	strace s3  }
0x97: {  	_ =	strace $0x8FFFFFFF  }
0x98: {  	s19 =	sld [smem:$0x3FDB];
	_ =	sdelay $0x1  }
0x99: {  	s4 =	simm.s32 $_scs_section_size  }
0x9a: {  	s5 =	simm.s32 $_size__tile_overlayer_lowered;
	s6 =	simm.s32 $_tile_overlayer_lowered  }
0x9b: {  	s22 =	simm.s32 $0x1BFF;
	s21 =	sshll.u32 s6, $0x1;
	s3 =	sadd.s32 s4, s19  }
0x9c: {  	s7 =	simm.s32 $0x0;
	s20 =	sshll.u32 s5, $0x1;
	s5 =	sadd.s32 s21, s3  }
0x9d: {  	[timem:s7], [sflag:s22] =	dma.local [hbm:s5], s20  }
0x9e: {  	_ =	swait.ge [sflag:s22], s20  }
0x9f: {  	s4 =	ssub.s32 $0x0, s20;
	[sflag:s22] =	ssyncset.done $0x0  }
0xa0: {  	[sflag:s22] =	ssyncadd.s32 s4;
	_ =	sdelay $0x1  }
0xa1: {  	s23 =	simm.s32 $0x1B8B  }
0xa2: {  	_ =	swait.ge [sflag:s23], $0x1  }
0xa3: {  	[sflag:s23] =	ssyncset.done $0x0  }
0xa4: {  	s25 =	simm.s32 $0x1B8E;
	s24 =	sld [smem:$0x3FFE];
	[sflag:s23] =	ssyncadd.s32 $0xFFFFFFFF  }
0xa5: {  	s26 =	simm.s32 $execute0_lowered;
	[smem:$0x3FD2] =	sst s25  }
0xa6: {  	s5 =	sshll.u32 s26, $0x1;
	_ =	strace $0x80000046;
	[dreg:$0x1] =	wrdreg $0xFFFFFFFF  }
0xa7: {  	s28 =	simm.s32 $_size_execute0_lowered;
	s3 =	sadd.s32 s3, s5;
	[dreg:$0x0] =	wrdreg $0x0  }
0xa8: {  	s5 =	sshll.u32 s28, $0x1;
	[dreg:$0x2] =	wrdreg s3  }
0xa9: {  	[dreg:$0x3] =	wrdreg s5  }
0xaa: {  	[dreg:$0x4] =	wrdreg $0xC0  }
0xab: {  	_ =	task [dreg:s7], $0x5FFFF  }
0xac: {  	[dreg:$0x1] =	wrdreg $0xFFFFFFFF  }
0xad: {  	[dreg:$0x0] =	wrdreg $0x60  }
0xae: {  	[dreg:$0x2] =	wrdreg s24  }
0xaf: {  	[dreg:$0x3] =	wrdreg s2  }
0xb0: {  	[dreg:$0x4] =	wrdreg $0x9  }
0xb1: {  	_ =	task.clear_ibuf [dreg:s7], $0x5FFFF;
	_ =	strace $0x90000046  }
0xb2: {  	s29 =	simm.s32 $0x9;
	_ =	strace $0x80000048  }
0xb3: {  	_ =	swait.ge [sflag:s29], $0x1  }
0xb4: {  	[sflag:s29] =	ssyncadd.s32 $0xFFFFFFFF  }
0xb5: {  	_ =	strace $0x90000048  }
0xb6: {  	_ =	sfence  }
0xb7: {  	s30 =	sld [smem:$0x0];
	_ =	sdelay $0x2  }
0xb8: {  	s31 =	sshll.u32 s1, $0xD;
	s1 =	sshrl.u32 s1, $0x2  }
0xb9: {  	s3 =	sand.u32 $0x4000, s31;
	s1 =	sadd.s32 s1, s30  }
0xba: {  	s0 =	sor.u32 s3, s0;
	s1 =	sshll.u32 s1, $0x11  }
0xbb: {  	s0 =	sor.u32 s1, s0  }
0xbc: {  	s0 =	sadd.s32 $0x8F2B, s0  }
0xbd: {  	[sflag:s0] =	ssyncadd.remote.s32 $0x1  }
0xbe: {  	_ =	sfence.sel $0xFFFF  }
0xbf: {  	[dreg:$0x0] =	wrdreg $0xFFFFFFFF;
	(pc) =	sbr.abs _section_cstart, $3  }
0xc0: {  	[dreg:$0x1] =	wrdreg $0xFFFFFFFF  }
0xc1: {  	_ =	task.clear_ibuf [dreg:s7], $0x2FFFF;
	_ =	strace $0x9FFFFFFF  }
0xc2: {  	(tm) =	ssettm $0x7FFFFFFF  }
0xc3: {  	_ =	shalt  }
tec
execute0_lowered:
.L_overlay_start_1:
0x0: {  	(tag) =	ssettag $0x1  }
0x1: {  	s12 =	rddreg [dreg:$0x0]  }
0x2: {  	s1 =	srdreg.scid;
	s2 =	rddreg [dreg:$0x1];
	s3 =	simm.s32 $0x0  }
0x3: {  	s0 =	stileid.u32;
	[smem:$0x7FF] =	sst s3;
	s9 =	sadd.s32 $0x80, s2  }
0x4: {  	s10 =	sadd.s32 $0x100, s2;
	_ =	strace $0x80000047;
	[dreg:$0x3] =	wrdreg s9  }
0x5: {  	s4 =	simm.s32 $0x1;
	s11 =	sadd.s32 $0x180, s2;
	[dreg:$0x4] =	wrdreg s10  }
0x6: {  	s13 =	sand.u32 $0x1, s1;
	s17 =	sadd.s32 $0x200, s2;
	[dreg:$0x5] =	wrdreg s11  }
0x7: {  	s18 =	sadd.s32 $0x300, s2;
	s20 =	sadd.s32 $0x380, s2;
	[dreg:$0x6] =	wrdreg s17  }
0x8: {  	s21 =	sadd.s32 $0x480, s2;
	s23 =	sadd.s32 $0x500, s2;
	[dreg:$0x8] =	wrdreg s18  }
0x9: {  	s24 =	sadd.s32 $0x600, s2;
	s25 =	sadd.s32 $0x680, s2;
	[dreg:$0x9] =	wrdreg s20  }
0xa: {  	s26 =	sadd.s32 $0x700, s2;
	s28 =	sadd.s32 $0x780, s2;
	[dreg:$0xb] =	wrdreg s21  }
0xb: {  	s1 =	sor.u32 s13, s0;
	p1 =	seq.s32 s13, $0x1;
	[dreg:$0xc] =	wrdreg s23  }
0xc: {  	s30 =	ssub.s32 $0x2, s13;
	s11 =	sadd.s32 $0x280, s2;
	[dreg:$0xe] =	wrdreg s24  }
0xd: {  	s17 =	sadd.s32 $0x400, s2;
	s18 =	sadd.s32 $0x580, s2;
	[dreg:$0xf] =	wrdreg s25  }
0xe: {  	[dreg:$0x10] =	wrdreg s26;
	s29 =	sshll.u32 s13, $0xC;
	p0 =	seq.s32 s1, $0x0  }
0xf: {  	[dreg:$0x11] =	wrdreg s28;
	s20 =	simm.s32 $0x57B8;
	p0 =	por !p0, !p1  }
0x10: {  	s21 =	simm.s32 $0x67C8;
	[dreg:$0x7] =	wrdreg s11;
	p0 =	por !p0, !p0  }
0x11: {  	s23 =	simm.s32 $0x0;
	[dreg:$0xa] =	wrdreg s17;
	s4 =	simm.s32 @!p0 $0x0  }
0x12: {  	s5 =	sshrl.u32 s30, $0x1;
	[dreg:$0xd] =	wrdreg s18;
	s14 =	ssub.s32 s0, s4  }
0x13: {  	s18 =	simm.s32 $0x3798;
	s16 =	ssub.s32 s30, s5;
	s15 =	smul.u32 $0x130, s14  }
0x14: {  	s30 =	ssub.s32 $0x0, s29;
	s4 =	simm.s32 $0x1;
	s14 =	sshll.u32 s14, $0x13  }
0x15: {  	s31 =	sadd.s32 $0x1300, s15;
	s6 =	sshrl.u32 s15, $0x3;
	s8 =	sadd.s32 $0x2600, s15  }
0x16: {  	s1 =	sadd.s32 $0x3900, s15;
	s10 =	sadd.s32 $0x4C00, s15;
	s19 =	sadd.s32 $0x5F00, s15  }
0x17: {  	s22 =	sadd.s32 $0x7200, s15;
	s15 =	sadd.s32 $0x8500, s15;
	s7 =	sshrl.u32 s31, $0x3  }
0x18: {  	s5 =	sadd.s32 s12, s6;
	s0 =	sshrl.u32 s8, $0x3;
	s8 =	sshrl.u32 s1, $0x3  }
0x19: {  	s10 =	sshrl.u32 s10, $0x3;
	s11 =	sshrl.u32 s19, $0x3;
	s17 =	sshrl.u32 s22, $0x3  }
0x1a: {  	s15 =	sshrl.u32 s15, $0x3;
	s31 =	sshll.u32 s13, $0x12;
	s13 =	smax.u32 s16, $0x1  }
0x1b: {  	s16 =	simm.s32 $0x1778;
	s19 =	simm.s32 $0x47A8;
	s22 =	simm.s32 $0x77D8  }
0x1c: {  	s6 =	sadd.s32 s12, s7;
	s7 =	sadd.s32 s12, s0;
	s8 =	sadd.s32 s12, s8  }
0x1d: {  	s9 =	sadd.s32 s12, s10;
	s10 =	sadd.s32 s12, s11;
	s11 =	sadd.s32 s12, s17  }
0x1e: {  	s12 =	sadd.s32 s12, s15;
	s15 =	sshra.s32 s30, $0x2;
	s14 =	sor.u32 s31, s14  }
0x1f: {  	s17 =	simm.s32 $0x2788;
	[dreg:$0x12] =	wrdreg s15;
	s15 =	simm.s32 $0x768  }
.LBB2_1:
0x20: {  	[tilespmem:s15], [sflag:$0x1] =	stream.linear.gather [hbm4b:s5+s3], $0x130, $0x38;
	[tilespmem:$0x8080] =	vst v63  }
0x21: {  	_ = 	snop  }
0x22: {  	[tilespmem:s16], [sflag:$0x1] =	stream.linear.gather [hbm4b:s6+s3], $0x130, $0x38;
	[tilespmem:$0x8080] =	vst v63  }
0x23: {  	_ = 	snop  }
0x24: {  	[tilespmem:s17], [sflag:$0x1] =	stream.linear.gather [hbm4b:s7+s3], $0x130, $0x38;
	[tilespmem:$0x8080] =	vst v63  }
0x25: {  	_ = 	snop  }
0x26: {  	[tilespmem:s18], [sflag:$0x1] =	stream.linear.gather [hbm4b:s8+s3], $0x130, $0x38;
	[tilespmem:$0x8080] =	vst v63  }
0x27: {  	_ = 	snop  }
0x28: {  	[tilespmem:s19], [sflag:$0x1] =	stream.linear.gather [hbm4b:s9+s3], $0x130, $0x38;
	[tilespmem:$0x8080] =	vst v63  }
0x29: {  	_ = 	snop  }
0x2a: {  	[tilespmem:s20], [sflag:$0x1] =	stream.linear.gather [hbm4b:s10+s3], $0x130, $0x38;
	[tilespmem:$0x8080] =	vst v63  }
0x2b: {  	_ = 	snop  }
0x2c: {  	[tilespmem:s21], [sflag:$0x1] =	stream.linear.gather [hbm4b:s11+s3], $0x130, $0x38;
	[tilespmem:$0x8080] =	vst v63  }
0x2d: {  	_ = 	snop  }
0x2e: {  	[tilespmem:s22], [sflag:$0x1] =	stream.linear.gather [hbm4b:s12+s3], $0x130, $0x38;
	[tilespmem:$0x8080] =	vst v63  }
0x2f: {  	_ =	swait.ge [sflag:s4], $0x130  }
0x30: {  	[sflag:s4] =	ssyncset.done $0x0  }
0x31: {  	[sflag:s4] =	ssyncadd.s32 $0xFFFFFED0  }
0x32: {  	_ =	swait.ge [sflag:s4], $0x130  }
0x33: {  	[sflag:s4] =	ssyncset.done $0x0  }
0x34: {  	[sflag:s4] =	ssyncadd.s32 $0xFFFFFED0  }
0x35: {  	_ =	swait.ge [sflag:s4], $0x130  }
0x36: {  	[sflag:s4] =	ssyncset.done $0x0  }
0x37: {  	[sflag:s4] =	ssyncadd.s32 $0xFFFFFED0  }
0x38: {  	_ =	swait.ge [sflag:s4], $0x130  }
0x39: {  	[sflag:s4] =	ssyncset.done $0x0  }
0x3a: {  	[sflag:s4] =	ssyncadd.s32 $0xFFFFFED0  }
0x3b: {  	_ =	swait.ge [sflag:s4], $0x130  }
0x3c: {  	[sflag:s4] =	ssyncset.done $0x0  }
0x3d: {  	[sflag:s4] =	ssyncadd.s32 $0xFFFFFED0  }
0x3e: {  	_ =	swait.ge [sflag:s4], $0x130  }
0x3f: {  	[sflag:s4] =	ssyncset.done $0x0  }
0x40: {  	[sflag:s4] =	ssyncadd.s32 $0xFFFFFED0  }
0x41: {  	_ =	swait.ge [sflag:s4], $0x130  }
0x42: {  	[sflag:s4] =	ssyncset.done $0x0  }
0x43: {  	[sflag:s4] =	ssyncadd.s32 $0xFFFFFED0  }
0x44: {  	_ =	swait.ge [sflag:s4], $0x130  }
0x45: {  	[sflag:s4] =	ssyncset.done $0x0  }
0x46: {  	[sflag:s4] =	ssyncadd.s32 $0xFFFFFED0  }
0x47: {  	v7 =	vld [tilespmem:$0x768]  }
0x48: {  	v6 =	vld [tilespmem:$0x1778]  }
0x49: {  	v5 =	vld [tilespmem:$0x2788]  }
0x4a: {  	v4 =	vld [tilespmem:$0x3798]  }
0x4b: {  	v3 =	vld [tilespmem:$0x47A8]  }
0x4c: {  	v2 =	vld [tilespmem:$0x57B8]  }
0x4d: {  	v1 =	vld [tilespmem:$0x67C8]  }
0x4e: {  	v0 =	vld [tilespmem:$0x77D8]  }
0x4f: {  	v14 =	vld [tilespmem:$0x888]  }
0x50: {  	v13 =	vld [tilespmem:$0x1898]  }
0x51: {  	v12 =	vld [tilespmem:$0x28A8]  }
0x52: {  	v15 =	vld [tilespmem:$0x78F8]  }
0x53: {  	v11 =	vld [tilespmem:$0x38B8]  }
0x54: {  	v10 =	vld [tilespmem:$0x48C8]  }
0x55: {  	v9 =	vld [tilespmem:$0x58D8]  }
0x56: {  	s26 =	simm.s32 $0x0;
	s24 =	simm.s32 $0x40;
	v8 =	vld [tilespmem:$0x68E8]  }
.LBB2_2:
0x57: {  	p0 =	sne.s32 s24, $0x1D80;
	[tilespmem:s26+$0x7900] =	vst v15  }
0x58: {  	[tilespmem:s26+$0x0] =	vst v7  }
0x59: {  	[tilespmem:s26+$0x890] =	vst v14  }
0x5a: {  	[tilespmem:s26+$0x1010] =	vst v6  }
0x5b: {  	[tilespmem:s26+$0x18A0] =	vst v13  }
0x5c: {  	[tilespmem:s26+$0x2020] =	vst v5  }
0x5d: {  	[tilespmem:s26+$0x28B0] =	vst v12  }
0x5e: {  	[tilespmem:s26+$0x3030] =	vst v4  }
0x5f: {  	[tilespmem:s26+$0x38C0] =	vst v11  }
0x60: {  	[tilespmem:s26+$0x4040] =	vst v3  }
0x61: {  	[tilespmem:s26+$0x48D0] =	vst v10  }
.Ltmp0:
0x62: {  	[tilespmem:s26+$0x5050] =	vst v2;
	(pc) =	sbr.rel @p0 .LBB2_2-.Ltmp0, $4  }
0x63: {  	[tilespmem:s26+$0x58E0] =	vst v9  }
0x64: {  	[tilespmem:s26+$0x6060] =	vst v1  }
0x65: {  	[tilespmem:s26+$0x68F0] =	vst v8  }
0x66: {  	[tilespmem:s26+$0x7070] =	vst v0;
	s26 =	sshra.s32 s24, $0x2;
	s24 =	sadd.s32 $0x40, s24  }
0x67: {  	[tilespmem:s26+$0x7900] =	vst v15  }
0x68: {  	[tilespmem:s26+$0x0] =	vst v7  }
0x69: {  	[tilespmem:s26+$0x890] =	vst v14  }
0x6a: {  	[tilespmem:s26+$0x1010] =	vst v6  }
0x6b: {  	[tilespmem:s26+$0x18A0] =	vst v13  }
0x6c: {  	[tilespmem:s26+$0x2020] =	vst v5  }
0x6d: {  	[tilespmem:s26+$0x28B0] =	vst v12  }
0x6e: {  	[tilespmem:s26+$0x3030] =	vst v4  }
0x6f: {  	[tilespmem:s26+$0x38C0] =	vst v11  }
0x70: {  	[tilespmem:s26+$0x4040] =	vst v3  }
0x71: {  	[tilespmem:s26+$0x48D0] =	vst v10  }
0x72: {  	[tilespmem:s26+$0x5050] =	vst v2  }
0x73: {  	[tilespmem:s26+$0x58E0] =	vst v9  }
0x74: {  	s24 =	rddreg [dreg:$0x12];
	[tilespmem:s26+$0x6060] =	vst v1  }
0x75: {  	[tilespmem:s26+$0x68F0] =	vst v8;
	s25 =	sand.u32 $0x1FFFF800, s14;
	s24 =	sadd.s32 $0x0, s24  }
0x76: {  	[tilespmem:s26+$0x7070] =	vst v0;
	s26 =	sadd.s32 s2, s25;
	s28 =	sadd.s32 $0x7F8, s24  }
0x77: {  	[hbm4b:s26+s3] =	stream.linear.scatter [tilespmem:s28], [sflag:$0x1], $0x80, $0x38;
	[tilespmem:$0x8080] =	vst v63  }
0x78: {  	s29 =	sadd.s32 $0x10, s26;
	s28 =	sadd.s32 $0x1808, s24  }
0x79: {  	[hbm4b:s29+s3] =	stream.linear.scatter [tilespmem:s28], [sflag:$0x1], $0x80, $0x38;
	[tilespmem:$0x8080] =	vst v63  }
0x7a: {  	s1 =	sadd.s32 $0x20, s26;
	s28 =	sadd.s32 $0x2818, s24  }
0x7b: {  	[hbm4b:s1+s3] =	stream.linear.scatter [tilespmem:s28], [sflag:$0x1], $0x80, $0x38;
	[tilespmem:$0x8080] =	vst v63  }
0x7c: {  	s30 =	sadd.s32 $0x30, s26;
	s28 =	sadd.s32 $0x3828, s24  }
0x7d: {  	[hbm4b:s30+s3] =	stream.linear.scatter [tilespmem:s28], [sflag:$0x1], $0x80, $0x38;
	[tilespmem:$0x8080] =	vst v63  }
0x7e: {  	s31 =	sadd.s32 $0x40, s26;
	s28 =	sadd.s32 $0x4838, s24  }
0x7f: {  	[hbm4b:s31+s3] =	stream.linear.scatter [tilespmem:s28], [sflag:$0x1], $0x80, $0x38;
	[tilespmem:$0x8080] =	vst v63  }
0x80: {  	s0 =	sadd.s32 $0x50, s26;
	s28 =	sadd.s32 $0x5848, s24  }
0x81: {  	[hbm4b:s0+s3] =	stream.linear.scatter [tilespmem:s28], [sflag:$0x1], $0x80, $0x38;
	[tilespmem:$0x8080] =	vst v63  }
0x82: {  	s1 =	sadd.s32 $0x60, s26;
	s28 =	sadd.s32 $0x6858, s24  }
0x83: {  	[hbm4b:s1+s3] =	stream.linear.scatter [tilespmem:s28], [sflag:$0x1], $0x80, $0x38;
	[tilespmem:$0x8080] =	vst v63  }
0x84: {  	s26 =	sadd.s32 $0x70, s26;
	s30 =	rddreg [dreg:$0x3];
	s28 =	sadd.s32 $0x7868, s24  }
0x85: {  	[hbm4b:s26+s3] =	stream.linear.scatter [tilespmem:s28], [sflag:$0x1], $0x80, $0x38;
	[tilespmem:$0x8080] =	vst v63  }
0x86: {  	s26 =	sadd.s32 s25, s30;
	s28 =	sadd.s32 $0x878, s24  }
0x87: {  	[hbm4b:s26+s3] =	stream.linear.scatter [tilespmem:s28], [sflag:$0x1], $0x80, $0x38;
	[tilespmem:$0x8080] =	vst v63  }
0x88: {  	s31 =	sadd.s32 $0x10, s26;
	s28 =	sadd.s32 $0x1888, s24  }
0x89: {  	[hbm4b:s31+s3] =	stream.linear.scatter [tilespmem:s28], [sflag:$0x1], $0x80, $0x38;
	[tilespmem:$0x8080] =	vst v63  }
0x8a: {  	s0 =	sadd.s32 $0x20, s26;
	s28 =	sadd.s32 $0x2898, s24  }
0x8b: {  	[hbm4b:s0+s3] =	stream.linear.scatter [tilespmem:s28], [sflag:$0x1], $0x80, $0x38;
	[tilespmem:$0x8080] =	vst v63  }
0x8c: {  	s1 =	sadd.s32 $0x30, s26;
	s28 =	sadd.s32 $0x38A8, s24  }
0x8d: {  	[hbm4b:s1+s3] =	stream.linear.scatter [tilespmem:s28], [sflag:$0x1], $0x80, $0x38;
	[tilespmem:$0x8080] =	vst v63  }
0x8e: {  	s30 =	sadd.s32 $0x40, s26;
	s28 =	sadd.s32 $0x48B8, s24  }
0x8f: {  	[hbm4b:s30+s3] =	stream.linear.scatter [tilespmem:s28], [sflag:$0x1], $0x80, $0x38;
	[tilespmem:$0x8080] =	vst v63  }
0x90: {  	s31 =	sadd.s32 $0x50, s26;
	s28 =	sadd.s32 $0x58C8, s24  }
0x91: {  	[hbm4b:s31+s3] =	stream.linear.scatter [tilespmem:s28], [sflag:$0x1], $0x80, $0x38;
	[tilespmem:$0x8080] =	vst v63  }
0x92: {  	s0 =	sadd.s32 $0x60, s26;
	s28 =	sadd.s32 $0x68D8, s24  }
0x93: {  	[hbm4b:s0+s3] =	stream.linear.scatter [tilespmem:s28], [sflag:$0x1], $0x80, $0x38;
	[tilespmem:$0x8080] =	vst v63  }
0x94: {  	s26 =	sadd.s32 $0x70, s26;
	s1 =	rddreg [dreg:$0x4];
	s28 =	sadd.s32 $0x78E8, s24  }
0x95: {  	[hbm4b:s26+s3] =	stream.linear.scatter [tilespmem:s28], [sflag:$0x1], $0x80, $0x38;
	[tilespmem:$0x8080] =	vst v63  }
0x96: {  	s26 =	sadd.s32 s25, s1;
	s28 =	sadd.s32 $0x8F8, s24  }
0x97: {  	[hbm4b:s26+s3] =	stream.linear.scatter [tilespmem:s28], [sflag:$0x1], $0x80, $0x38;
	[tilespmem:$0x8080] =	vst v63  }
0x98: {  	s31 =	sadd.s32 $0x10, s26;
	s28 =	sadd.s32 $0x1908, s24  }
0x99: {  	[hbm4b:s31+s3] =	stream.linear.scatter [tilespmem:s28], [sflag:$0x1], $0x80, $0x38;
	[tilespmem:$0x8080] =	vst v63  }
0x9a: {  	s0 =	sadd.s32 $0x20, s26;
	s28 =	sadd.s32 $0x2918, s24  }
0x9b: {  	[hbm4b:s0+s3] =	stream.linear.scatter [tilespmem:s28], [sflag:$0x1], $0x80, $0x38;
	[tilespmem:$0x8080] =	vst v63  }
0x9c: {  	s1 =	sadd.s32 $0x30, s26;
	s28 =	sadd.s32 $0x3928, s24  }
0x9d: {  	[hbm4b:s1+s3] =	stream.linear.scatter [tilespmem:s28], [sflag:$0x1], $0x80, $0x38;
	[tilespmem:$0x8080] =	vst v63  }
0x9e: {  	s30 =	sadd.s32 $0x40, s26;
	s28 =	sadd.s32 $0x4938, s24  }
0x9f: {  	[hbm4b:s30+s3] =	stream.linear.scatter [tilespmem:s28], [sflag:$0x1], $0x80, $0x38;
	[tilespmem:$0x8080] =	vst v63  }
0xa0: {  	s31 =	sadd.s32 $0x50, s26;
	s28 =	sadd.s32 $0x5948, s24  }
0xa1: {  	[hbm4b:s31+s3] =	stream.linear.scatter [tilespmem:s28], [sflag:$0x1], $0x80, $0x38;
	[tilespmem:$0x8080] =	vst v63  }
0xa2: {  	s0 =	sadd.s32 $0x60, s26;
	s28 =	sadd.s32 $0x6958, s24  }
0xa3: {  	[hbm4b:s0+s3] =	stream.linear.scatter [tilespmem:s28], [sflag:$0x1], $0x80, $0x38;
	[tilespmem:$0x8080] =	vst v63  }
0xa4: {  	s26 =	sadd.s32 $0x70, s26;
	s1 =	rddreg [dreg:$0x5];
	s28 =	sadd.s32 $0x7968, s24  }
0xa5: {  	[hbm4b:s26+s3] =	stream.linear.scatter [tilespmem:s28], [sflag:$0x1], $0x80, $0x38;
	[tilespmem:$0x8080] =	vst v63  }
0xa6: {  	s26 =	sadd.s32 s25, s1;
	s28 =	sadd.s32 $0x978, s24  }
0xa7: {  	[hbm4b:s26+s3] =	stream.linear.scatter [tilespmem:s28], [sflag:$0x1], $0x80, $0x38;
	[tilespmem:$0x8080] =	vst v63  }
0xa8: {  	s31 =	sadd.s32 $0x10, s26;
	s28 =	sadd.s32 $0x1988, s24  }
0xa9: {  	[hbm4b:s31+s3] =	stream.linear.scatter [tilespmem:s28], [sflag:$0x1], $0x80, $0x38;
	[tilespmem:$0x8080] =	vst v63  }
0xaa: {  	s0 =	sadd.s32 $0x20, s26;
	s28 =	sadd.s32 $0x2998, s24  }
0xab: {  	[hbm4b:s0+s3] =	stream.linear.scatter [tilespmem:s28], [sflag:$0x1], $0x80, $0x38;
	[tilespmem:$0x8080] =	vst v63  }
0xac: {  	s1 =	sadd.s32 $0x30, s26;
	s28 =	sadd.s32 $0x39A8, s24  }
0xad: {  	[hbm4b:s1+s3] =	stream.linear.scatter [tilespmem:s28], [sflag:$0x1], $0x80, $0x38;
	[tilespmem:$0x8080] =	vst v63  }
0xae: {  	s30 =	sadd.s32 $0x40, s26;
	s28 =	sadd.s32 $0x49B8, s24  }
0xaf: {  	[hbm4b:s30+s3] =	stream.linear.scatter [tilespmem:s28], [sflag:$0x1], $0x80, $0x38;
	[tilespmem:$0x8080] =	vst v63  }
0xb0: {  	s31 =	sadd.s32 $0x50, s26;
	s28 =	sadd.s32 $0x59C8, s24  }
0xb1: {  	[hbm4b:s31+s3] =	stream.linear.scatter [tilespmem:s28], [sflag:$0x1], $0x80, $0x38;
	[tilespmem:$0x8080] =	vst v63  }
0xb2: {  	s0 =	sadd.s32 $0x60, s26;
	s28 =	sadd.s32 $0x69D8, s24  }
0xb3: {  	[hbm4b:s0+s3] =	stream.linear.scatter [tilespmem:s28], [sflag:$0x1], $0x80, $0x38;
	[tilespmem:$0x8080] =	vst v63  }
0xb4: {  	s26 =	sadd.s32 $0x70, s26;
	s1 =	rddreg [dreg:$0x6];
	s28 =	sadd.s32 $0x79E8, s24  }
0xb5: {  	[hbm4b:s26+s3] =	stream.linear.scatter [tilespmem:s28], [sflag:$0x1], $0x80, $0x38;
	[tilespmem:$0x8080] =	vst v63  }
0xb6: {  	s26 =	sadd.s32 s25, s1;
	s28 =	sadd.s32 $0x9F8, s24  }
0xb7: {  	[hbm4b:s26+s3] =	stream.linear.scatter [tilespmem:s28], [sflag:$0x1], $0x80, $0x38;
	[tilespmem:$0x8080] =	vst v63  }
0xb8: {  	s31 =	sadd.s32 $0x10, s26;
	s28 =	sadd.s32 $0x1A08, s24  }
0xb9: {  	[hbm4b:s31+s3] =	stream.linear.scatter [tilespmem:s28], [sflag:$0x1], $0x80, $0x38;
	[tilespmem:$0x8080] =	vst v63  }
0xba: {  	s0 =	sadd.s32 $0x20, s26;
	s28 =	sadd.s32 $0x2A18, s24  }
0xbb: {  	[hbm4b:s0+s3] =	stream.linear.scatter [tilespmem:s28], [sflag:$0x1], $0x80, $0x38;
	[tilespmem:$0x8080] =	vst v63  }
0xbc: {  	s1 =	sadd.s32 $0x30, s26;
	s28 =	sadd.s32 $0x3A28, s24  }
0xbd: {  	[hbm4b:s1+s3] =	stream.linear.scatter [tilespmem:s28], [sflag:$0x1], $0x80, $0x38;
	[tilespmem:$0x8080] =	vst v63  }
0xbe: {  	s30 =	sadd.s32 $0x40, s26;
	s28 =	sadd.s32 $0x4A38, s24  }
0xbf: {  	[hbm4b:s30+s3] =	stream.linear.scatter [tilespmem:s28], [sflag:$0x1], $0x80, $0x38;
	[tilespmem:$0x8080] =	vst v63  }
0xc0: {  	s31 =	sadd.s32 $0x50, s26;
	s28 =	sadd.s32 $0x5A48, s24  }
0xc1: {  	[hbm4b:s31+s3] =	stream.linear.scatter [tilespmem:s28], [sflag:$0x1], $0x80, $0x38;
	[tilespmem:$0x8080] =	vst v63  }
0xc2: {  	s0 =	sadd.s32 $0x60, s26;
	s28 =	sadd.s32 $0x6A58, s24  }
0xc3: {  	[hbm4b:s0+s3] =	stream.linear.scatter [tilespmem:s28], [sflag:$0x1], $0x80, $0x38;
	[tilespmem:$0x8080] =	vst v63  }
0xc4: {  	s26 =	sadd.s32 $0x70, s26;
	s1 =	rddreg [dreg:$0x7];
	s28 =	sadd.s32 $0x7A68, s24  }
0xc5: {  	[hbm4b:s26+s3] =	stream.linear.scatter [tilespmem:s28], [sflag:$0x1], $0x80, $0x38;
	[tilespmem:$0x8080] =	vst v63  }
0xc6: {  	s26 =	sadd.s32 s25, s1;
	s28 =	sadd.s32 $0xA78, s24  }
0xc7: {  	[hbm4b:s26+s3] =	stream.linear.scatter [tilespmem:s28], [sflag:$0x1], $0x80, $0x38;
	[tilespmem:$0x8080] =	vst v63  }
0xc8: {  	s31 =	sadd.s32 $0x10, s26;
	s28 =	sadd.s32 $0x1A88, s24  }
0xc9: {  	[hbm4b:s31+s3] =	stream.linear.scatter [tilespmem:s28], [sflag:$0x1], $0x80, $0x38;
	[tilespmem:$0x8080] =	vst v63  }
0xca: {  	s0 =	sadd.s32 $0x20, s26;
	s28 =	sadd.s32 $0x2A98, s24  }
0xcb: {  	[hbm4b:s0+s3] =	stream.linear.scatter [tilespmem:s28], [sflag:$0x1], $0x80, $0x38;
	[tilespmem:$0x8080] =	vst v63  }
0xcc: {  	s1 =	sadd.s32 $0x30, s26;
	s28 =	sadd.s32 $0x3AA8, s24  }
0xcd: {  	[hbm4b:s1+s3] =	stream.linear.scatter [tilespmem:s28], [sflag:$0x1], $0x80, $0x38;
	[tilespmem:$0x8080] =	vst v63  }
0xce: {  	s30 =	sadd.s32 $0x40, s26;
	s28 =	sadd.s32 $0x4AB8, s24  }
0xcf: {  	[hbm4b:s30+s3] =	stream.linear.scatter [tilespmem:s28], [sflag:$0x1], $0x80, $0x38;
	[tilespmem:$0x8080] =	vst v63  }
0xd0: {  	s31 =	sadd.s32 $0x50, s26;
	s28 =	sadd.s32 $0x5AC8, s24  }
0xd1: {  	[hbm4b:s31+s3] =	stream.linear.scatter [tilespmem:s28], [sflag:$0x1], $0x80, $0x38;
	[tilespmem:$0x8080] =	vst v63  }
0xd2: {  	s0 =	sadd.s32 $0x60, s26;
	s28 =	sadd.s32 $0x6AD8, s24  }
0xd3: {  	[hbm4b:s0+s3] =	stream.linear.scatter [tilespmem:s28], [sflag:$0x1], $0x80, $0x38;
	[tilespmem:$0x8080] =	vst v63  }
0xd4: {  	s26 =	sadd.s32 $0x70, s26;
	s1 =	rddreg [dreg:$0x8];
	s28 =	sadd.s32 $0x7AE8, s24  }
0xd5: {  	[hbm4b:s26+s3] =	stream.linear.scatter [tilespmem:s28], [sflag:$0x1], $0x80, $0x38;
	[tilespmem:$0x8080] =	vst v63  }
0xd6: {  	s26 =	sadd.s32 s25, s1;
	s28 =	sadd.s32 $0xAF8, s24  }
0xd7: {  	[hbm4b:s26+s3] =	stream.linear.scatter [tilespmem:s28], [sflag:$0x1], $0x80, $0x38;
	[tilespmem:$0x8080] =	vst v63  }
0xd8: {  	s31 =	sadd.s32 $0x10, s26;
	s28 =	sadd.s32 $0x1B08, s24  }
0xd9: {  	[hbm4b:s31+s3] =	stream.linear.scatter [tilespmem:s28], [sflag:$0x1], $0x80, $0x38;
	[tilespmem:$0x8080] =	vst v63  }
0xda: {  	s0 =	sadd.s32 $0x20, s26;
	s28 =	sadd.s32 $0x2B18, s24  }
0xdb: {  	[hbm4b:s0+s3] =	stream.linear.scatter [tilespmem:s28], [sflag:$0x1], $0x80, $0x38;
	[tilespmem:$0x8080] =	vst v63  }
0xdc: {  	s1 =	sadd.s32 $0x30, s26;
	s28 =	sadd.s32 $0x3B28, s24  }
0xdd: {  	[hbm4b:s1+s3] =	stream.linear.scatter [tilespmem:s28], [sflag:$0x1], $0x80, $0x38;
	[tilespmem:$0x8080] =	vst v63  }
0xde: {  	s30 =	sadd.s32 $0x40, s26;
	s28 =	sadd.s32 $0x4B38, s24  }
0xdf: {  	[hbm4b:s30+s3] =	stream.linear.scatter [tilespmem:s28], [sflag:$0x1], $0x80, $0x38;
	[tilespmem:$0x8080] =	vst v63  }
0xe0: {  	s31 =	sadd.s32 $0x50, s26;
	s28 =	sadd.s32 $0x5B48, s24  }
0xe1: {  	[hbm4b:s31+s3] =	stream.linear.scatter [tilespmem:s28], [sflag:$0x1], $0x80, $0x38;
	[tilespmem:$0x8080] =	vst v63  }
0xe2: {  	s0 =	sadd.s32 $0x60, s26;
	s28 =	sadd.s32 $0x6B58, s24  }
0xe3: {  	[hbm4b:s0+s3] =	stream.linear.scatter [tilespmem:s28], [sflag:$0x1], $0x80, $0x38;
	[tilespmem:$0x8080] =	vst v63  }
0xe4: {  	s26 =	sadd.s32 $0x70, s26;
	s1 =	rddreg [dreg:$0x9];
	s28 =	sadd.s32 $0x7B68, s24  }
0xe5: {  	[hbm4b:s26+s3] =	stream.linear.scatter [tilespmem:s28], [sflag:$0x1], $0x80, $0x38;
	[tilespmem:$0x8080] =	vst v63  }
0xe6: {  	s26 =	sadd.s32 s25, s1;
	s28 =	sadd.s32 $0xB78, s24  }
0xe7: {  	[hbm4b:s26+s3] =	stream.linear.scatter [tilespmem:s28], [sflag:$0x1], $0x80, $0x38;
	[tilespmem:$0x8080] =	vst v63  }
0xe8: {  	s31 =	sadd.s32 $0x10, s26;
	s28 =	sadd.s32 $0x1B88, s24  }
0xe9: {  	[hbm4b:s31+s3] =	stream.linear.scatter [tilespmem:s28], [sflag:$0x1], $0x80, $0x38;
	[tilespmem:$0x8080] =	vst v63  }
0xea: {  	s0 =	sadd.s32 $0x20, s26;
	s28 =	sadd.s32 $0x2B98, s24  }
0xeb: {  	[hbm4b:s0+s3] =	stream.linear.scatter [tilespmem:s28], [sflag:$0x1], $0x80, $0x38;
	[tilespmem:$0x8080] =	vst v63  }
0xec: {  	s1 =	sadd.s32 $0x30, s26;
	s28 =	sadd.s32 $0x3BA8, s24  }
0xed: {  	[hbm4b:s1+s3] =	stream.linear.scatter [tilespmem:s28], [sflag:$0x1], $0x80, $0x38;
	[tilespmem:$0x8080] =	vst v63  }
0xee: {  	s30 =	sadd.s32 $0x40, s26;
	s28 =	sadd.s32 $0x4BB8, s24  }
0xef: {  	[hbm4b:s30+s3] =	stream.linear.scatter [tilespmem:s28], [sflag:$0x1], $0x80, $0x38;
	[tilespmem:$0x8080] =	vst v63  }
0xf0: {  	s31 =	sadd.s32 $0x50, s26;
	s28 =	sadd.s32 $0x5BC8, s24  }
0xf1: {  	[hbm4b:s31+s3] =	stream.linear.scatter [tilespmem:s28], [sflag:$0x1], $0x80, $0x38;
	[tilespmem:$0x8080] =	vst v63  }
0xf2: {  	s0 =	sadd.s32 $0x60, s26;
	s28 =	sadd.s32 $0x6BD8, s24  }
0xf3: {  	[hbm4b:s0+s3] =	stream.linear.scatter [tilespmem:s28], [sflag:$0x1], $0x80, $0x38;
	[tilespmem:$0x8080] =	vst v63  }
0xf4: {  	s26 =	sadd.s32 $0x70, s26;
	s1 =	rddreg [dreg:$0xa];
	s28 =	sadd.s32 $0x7BE8, s24  }
0xf5: {  	[hbm4b:s26+s3] =	stream.linear.scatter [tilespmem:s28], [sflag:$0x1], $0x80, $0x38;
	[tilespmem:$0x8080] =	vst v63  }
0xf6: {  	s26 =	sadd.s32 s25, s1;
	s28 =	sadd.s32 $0xBF8, s24  }
0xf7: {  	[hbm4b:s26+s3] =	stream.linear.scatter [tilespmem:s28], [sflag:$0x1], $0x80, $0x38;
	[tilespmem:$0x8080] =	vst v63  }
0xf8: {  	s31 =	sadd.s32 $0x10, s26;
	s28 =	sadd.s32 $0x1C08, s24  }
0xf9: {  	[hbm4b:s31+s3] =	stream.linear.scatter [tilespmem:s28], [sflag:$0x1], $0x80, $0x38;
	[tilespmem:$0x8080] =	vst v63  }
0xfa: {  	s0 =	sadd.s32 $0x20, s26;
	s28 =	sadd.s32 $0x2C18, s24  }
0xfb: {  	[hbm4b:s0+s3] =	stream.linear.scatter [tilespmem:s28], [sflag:$0x1], $0x80, $0x38;
	[tilespmem:$0x8080] =	vst v63  }
0xfc: {  	s1 =	sadd.s32 $0x30, s26;
	s28 =	sadd.s32 $0x3C28, s24  }
0xfd: {  	[hbm4b:s1+s3] =	stream.linear.scatter [tilespmem:s28], [sflag:$0x1], $0x80, $0x38;
	[tilespmem:$0x8080] =	vst v63  }
0xfe: {  	s30 =	sadd.s32 $0x40, s26;
	s28 =	sadd.s32 $0x4C38, s24  }
0xff: {  	[hbm4b:s30+s3] =	stream.linear.scatter [tilespmem:s28], [sflag:$0x1], $0x80, $0x38;
	[tilespmem:$0x8080] =	vst v63  }
0x100: {  	s31 =	sadd.s32 $0x50, s26;
	s28 =	sadd.s32 $0x5C48, s24  }
0x101: {  	[hbm4b:s31+s3] =	stream.linear.scatter [tilespmem:s28], [sflag:$0x1], $0x80, $0x38;
	[tilespmem:$0x8080] =	vst v63  }
0x102: {  	s0 =	sadd.s32 $0x60, s26;
	s28 =	sadd.s32 $0x6C58, s24  }
0x103: {  	[hbm4b:s0+s3] =	stream.linear.scatter [tilespmem:s28], [sflag:$0x1], $0x80, $0x38;
	[tilespmem:$0x8080] =	vst v63  }
0x104: {  	s26 =	sadd.s32 $0x70, s26;
	s1 =	rddreg [dreg:$0xb];
	s28 =	sadd.s32 $0x7C68, s24  }
0x105: {  	[hbm4b:s26+s3] =	stream.linear.scatter [tilespmem:s28], [sflag:$0x1], $0x80, $0x38;
	[tilespmem:$0x8080] =	vst v63  }
0x106: {  	s26 =	sadd.s32 s25, s1;
	s28 =	sadd.s32 $0xC78, s24  }
0x107: {  	[hbm4b:s26+s3] =	stream.linear.scatter [tilespmem:s28], [sflag:$0x1], $0x80, $0x38;
	[tilespmem:$0x8080] =	vst v63  }
0x108: {  	s31 =	sadd.s32 $0x10, s26;
	s28 =	sadd.s32 $0x1C88, s24  }
0x109: {  	[hbm4b:s31+s3] =	stream.linear.scatter [tilespmem:s28], [sflag:$0x1], $0x80, $0x38;
	[tilespmem:$0x8080] =	vst v63  }
0x10a: {  	s0 =	sadd.s32 $0x20, s26;
	s28 =	sadd.s32 $0x2C98, s24  }
0x10b: {  	[hbm4b:s0+s3] =	stream.linear.scatter [tilespmem:s28], [sflag:$0x1], $0x80, $0x38;
	[tilespmem:$0x8080] =	vst v63  }
0x10c: {  	s1 =	sadd.s32 $0x30, s26;
	s28 =	sadd.s32 $0x3CA8, s24  }
0x10d: {  	[hbm4b:s1+s3] =	stream.linear.scatter [tilespmem:s28], [sflag:$0x1], $0x80, $0x38;
	[tilespmem:$0x8080] =	vst v63  }
0x10e: {  	s30 =	sadd.s32 $0x40, s26;
	s28 =	sadd.s32 $0x4CB8, s24  }
0x10f: {  	[hbm4b:s30+s3] =	stream.linear.scatter [tilespmem:s28], [sflag:$0x1], $0x80, $0x38;
	[tilespmem:$0x8080] =	vst v63  }
0x110: {  	s31 =	sadd.s32 $0x50, s26;
	s28 =	sadd.s32 $0x5CC8, s24  }
0x111: {  	[hbm4b:s31+s3] =	stream.linear.scatter [tilespmem:s28], [sflag:$0x1], $0x80, $0x38;
	[tilespmem:$0x8080] =	vst v63  }
0x112: {  	s0 =	sadd.s32 $0x60, s26;
	s28 =	sadd.s32 $0x6CD8, s24  }
0x113: {  	[hbm4b:s0+s3] =	stream.linear.scatter [tilespmem:s28], [sflag:$0x1], $0x80, $0x38;
	[tilespmem:$0x8080] =	vst v63  }
0x114: {  	s26 =	sadd.s32 $0x70, s26;
	s1 =	rddreg [dreg:$0xc];
	s28 =	sadd.s32 $0x7CE8, s24  }
0x115: {  	[hbm4b:s26+s3] =	stream.linear.scatter [tilespmem:s28], [sflag:$0x1], $0x80, $0x38;
	[tilespmem:$0x8080] =	vst v63  }
0x116: {  	s26 =	sadd.s32 s25, s1;
	s28 =	sadd.s32 $0xCF8, s24  }
0x117: {  	[hbm4b:s26+s3] =	stream.linear.scatter [tilespmem:s28], [sflag:$0x1], $0x80, $0x38;
	[tilespmem:$0x8080] =	vst v63  }
0x118: {  	s31 =	sadd.s32 $0x10, s26;
	s28 =	sadd.s32 $0x1D08, s24  }
0x119: {  	[hbm4b:s31+s3] =	stream.linear.scatter [tilespmem:s28], [sflag:$0x1], $0x80, $0x38;
	[tilespmem:$0x8080] =	vst v63  }
0x11a: {  	s0 =	sadd.s32 $0x20, s26;
	s28 =	sadd.s32 $0x2D18, s24  }
0x11b: {  	[hbm4b:s0+s3] =	stream.linear.scatter [tilespmem:s28], [sflag:$0x1], $0x80, $0x38;
	[tilespmem:$0x8080] =	vst v63  }
0x11c: {  	s1 =	sadd.s32 $0x30, s26;
	s28 =	sadd.s32 $0x3D28, s24  }
0x11d: {  	[hbm4b:s1+s3] =	stream.linear.scatter [tilespmem:s28], [sflag:$0x1], $0x80, $0x38;
	[tilespmem:$0x8080] =	vst v63  }
0x11e: {  	s30 =	sadd.s32 $0x40, s26;
	s28 =	sadd.s32 $0x4D38, s24  }
0x11f: {  	[hbm4b:s30+s3] =	stream.linear.scatter [tilespmem:s28], [sflag:$0x1], $0x80, $0x38;
	[tilespmem:$0x8080] =	vst v63  }
0x120: {  	s31 =	sadd.s32 $0x50, s26;
	s28 =	sadd.s32 $0x5D48, s24  }
0x121: {  	[hbm4b:s31+s3] =	stream.linear.scatter [tilespmem:s28], [sflag:$0x1], $0x80, $0x38;
	[tilespmem:$0x8080] =	vst v63  }
0x122: {  	s0 =	sadd.s32 $0x60, s26;
	s28 =	sadd.s32 $0x6D58, s24  }
0x123: {  	[hbm4b:s0+s3] =	stream.linear.scatter [tilespmem:s28], [sflag:$0x1], $0x80, $0x38;
	[tilespmem:$0x8080] =	vst v63  }
0x124: {  	s26 =	sadd.s32 $0x70, s26;
	s1 =	rddreg [dreg:$0xd];
	s28 =	sadd.s32 $0x7D68, s24  }
0x125: {  	[hbm4b:s26+s3] =	stream.linear.scatter [tilespmem:s28], [sflag:$0x1], $0x80, $0x38;
	[tilespmem:$0x8080] =	vst v63  }
0x126: {  	s26 =	sadd.s32 s25, s1;
	s28 =	sadd.s32 $0xD78, s24  }
0x127: {  	[hbm4b:s26+s3] =	stream.linear.scatter [tilespmem:s28], [sflag:$0x1], $0x80, $0x38;
	[tilespmem:$0x8080] =	vst v63  }
0x128: {  	s31 =	sadd.s32 $0x10, s26;
	s28 =	sadd.s32 $0x1D88, s24  }
0x129: {  	[hbm4b:s31+s3] =	stream.linear.scatter [tilespmem:s28], [sflag:$0x1], $0x80, $0x38;
	[tilespmem:$0x8080] =	vst v63  }
0x12a: {  	s0 =	sadd.s32 $0x20, s26;
	s28 =	sadd.s32 $0x2D98, s24  }
0x12b: {  	[hbm4b:s0+s3] =	stream.linear.scatter [tilespmem:s28], [sflag:$0x1], $0x80, $0x38;
	[tilespmem:$0x8080] =	vst v63  }
0x12c: {  	s1 =	sadd.s32 $0x30, s26;
	s28 =	sadd.s32 $0x3DA8, s24  }
0x12d: {  	[hbm4b:s1+s3] =	stream.linear.scatter [tilespmem:s28], [sflag:$0x1], $0x80, $0x38;
	[tilespmem:$0x8080] =	vst v63  }
0x12e: {  	s30 =	sadd.s32 $0x40, s26;
	s28 =	sadd.s32 $0x4DB8, s24  }
0x12f: {  	[hbm4b:s30+s3] =	stream.linear.scatter [tilespmem:s28], [sflag:$0x1], $0x80, $0x38;
	[tilespmem:$0x8080] =	vst v63  }
0x130: {  	s31 =	sadd.s32 $0x50, s26;
	s28 =	sadd.s32 $0x5DC8, s24  }
0x131: {  	[hbm4b:s31+s3] =	stream.linear.scatter [tilespmem:s28], [sflag:$0x1], $0x80, $0x38;
	[tilespmem:$0x8080] =	vst v63  }
0x132: {  	s0 =	sadd.s32 $0x60, s26;
	s28 =	sadd.s32 $0x6DD8, s24  }
0x133: {  	[hbm4b:s0+s3] =	stream.linear.scatter [tilespmem:s28], [sflag:$0x1], $0x80, $0x38;
	[tilespmem:$0x8080] =	vst v63  }
0x134: {  	s26 =	sadd.s32 $0x70, s26;
	s1 =	rddreg [dreg:$0xe];
	s28 =	sadd.s32 $0x7DE8, s24  }
0x135: {  	[hbm4b:s26+s3] =	stream.linear.scatter [tilespmem:s28], [sflag:$0x1], $0x80, $0x38;
	[tilespmem:$0x8080] =	vst v63  }
0x136: {  	s26 =	sadd.s32 s25, s1;
	s28 =	sadd.s32 $0xDF8, s24  }
0x137: {  	[hbm4b:s26+s3] =	stream.linear.scatter [tilespmem:s28], [sflag:$0x1], $0x80, $0x38;
	[tilespmem:$0x8080] =	vst v63  }
0x138: {  	s31 =	sadd.s32 $0x10, s26;
	s28 =	sadd.s32 $0x1E08, s24  }
0x139: {  	[hbm4b:s31+s3] =	stream.linear.scatter [tilespmem:s28], [sflag:$0x1], $0x80, $0x38;
	[tilespmem:$0x8080] =	vst v63  }
0x13a: {  	s0 =	sadd.s32 $0x20, s26;
	s28 =	sadd.s32 $0x2E18, s24  }
0x13b: {  	[hbm4b:s0+s3] =	stream.linear.scatter [tilespmem:s28], [sflag:$0x1], $0x80, $0x38;
	[tilespmem:$0x8080] =	vst v63  }
0x13c: {  	s1 =	sadd.s32 $0x30, s26;
	s28 =	sadd.s32 $0x3E28, s24  }
0x13d: {  	[hbm4b:s1+s3] =	stream.linear.scatter [tilespmem:s28], [sflag:$0x1], $0x80, $0x38;
	[tilespmem:$0x8080] =	vst v63  }
0x13e: {  	s30 =	sadd.s32 $0x40, s26;
	s28 =	sadd.s32 $0x4E38, s24  }
0x13f: {  	[hbm4b:s30+s3] =	stream.linear.scatter [tilespmem:s28], [sflag:$0x1], $0x80, $0x38;
	[tilespmem:$0x8080] =	vst v63  }
0x140: {  	s31 =	sadd.s32 $0x50, s26;
	s28 =	sadd.s32 $0x5E48, s24  }
0x141: {  	[hbm4b:s31+s3] =	stream.linear.scatter [tilespmem:s28], [sflag:$0x1], $0x80, $0x38;
	[tilespmem:$0x8080] =	vst v63  }
0x142: {  	s0 =	sadd.s32 $0x60, s26;
	s28 =	sadd.s32 $0x6E58, s24  }
0x143: {  	[hbm4b:s0+s3] =	stream.linear.scatter [tilespmem:s28], [sflag:$0x1], $0x80, $0x38;
	[tilespmem:$0x8080] =	vst v63  }
0x144: {  	s26 =	sadd.s32 $0x70, s26;
	s1 =	rddreg [dreg:$0xf];
	s28 =	sadd.s32 $0x7E68, s24  }
0x145: {  	[hbm4b:s26+s3] =	stream.linear.scatter [tilespmem:s28], [sflag:$0x1], $0x80, $0x38;
	[tilespmem:$0x8080] =	vst v63  }
0x146: {  	s26 =	sadd.s32 s25, s1;
	s28 =	sadd.s32 $0xE78, s24  }
0x147: {  	[hbm4b:s26+s3] =	stream.linear.scatter [tilespmem:s28], [sflag:$0x1], $0x80, $0x38;
	[tilespmem:$0x8080] =	vst v63  }
0x148: {  	s31 =	sadd.s32 $0x10, s26;
	s28 =	sadd.s32 $0x1E88, s24  }
0x149: {  	[hbm4b:s31+s3] =	stream.linear.scatter [tilespmem:s28], [sflag:$0x1], $0x80, $0x38;
	[tilespmem:$0x8080] =	vst v63  }
0x14a: {  	s0 =	sadd.s32 $0x20, s26;
	s28 =	sadd.s32 $0x2E98, s24  }
0x14b: {  	[hbm4b:s0+s3] =	stream.linear.scatter [tilespmem:s28], [sflag:$0x1], $0x80, $0x38;
	[tilespmem:$0x8080] =	vst v63  }
0x14c: {  	s1 =	sadd.s32 $0x30, s26;
	s28 =	sadd.s32 $0x3EA8, s24  }
0x14d: {  	[hbm4b:s1+s3] =	stream.linear.scatter [tilespmem:s28], [sflag:$0x1], $0x80, $0x38;
	[tilespmem:$0x8080] =	vst v63  }
0x14e: {  	s30 =	sadd.s32 $0x40, s26;
	s28 =	sadd.s32 $0x4EB8, s24  }
0x14f: {  	[hbm4b:s30+s3] =	stream.linear.scatter [tilespmem:s28], [sflag:$0x1], $0x80, $0x38;
	[tilespmem:$0x8080] =	vst v63  }
0x150: {  	s31 =	sadd.s32 $0x50, s26;
	s28 =	sadd.s32 $0x5EC8, s24  }
0x151: {  	[hbm4b:s31+s3] =	stream.linear.scatter [tilespmem:s28], [sflag:$0x1], $0x80, $0x38;
	[tilespmem:$0x8080] =	vst v63  }
0x152: {  	s0 =	sadd.s32 $0x60, s26;
	s28 =	sadd.s32 $0x6ED8, s24  }
0x153: {  	[hbm4b:s0+s3] =	stream.linear.scatter [tilespmem:s28], [sflag:$0x1], $0x80, $0x38;
	[tilespmem:$0x8080] =	vst v63  }
0x154: {  	s26 =	sadd.s32 $0x70, s26;
	s1 =	rddreg [dreg:$0x10];
	s28 =	sadd.s32 $0x7EE8, s24  }
0x155: {  	[hbm4b:s26+s3] =	stream.linear.scatter [tilespmem:s28], [sflag:$0x1], $0x80, $0x38;
	[tilespmem:$0x8080] =	vst v63  }
0x156: {  	s26 =	sadd.s32 s25, s1;
	s28 =	sadd.s32 $0xEF8, s24  }
0x157: {  	[hbm4b:s26+s3] =	stream.linear.scatter [tilespmem:s28], [sflag:$0x1], $0x80, $0x38;
	[tilespmem:$0x8080] =	vst v63  }
0x158: {  	s31 =	sadd.s32 $0x10, s26;
	s28 =	sadd.s32 $0x1F08, s24  }
0x159: {  	[hbm4b:s31+s3] =	stream.linear.scatter [tilespmem:s28], [sflag:$0x1], $0x80, $0x38;
	[tilespmem:$0x8080] =	vst v63  }
0x15a: {  	s0 =	sadd.s32 $0x20, s26;
	s28 =	sadd.s32 $0x2F18, s24  }
0x15b: {  	[hbm4b:s0+s3] =	stream.linear.scatter [tilespmem:s28], [sflag:$0x1], $0x80, $0x38;
	[tilespmem:$0x8080] =	vst v63  }
0x15c: {  	s1 =	sadd.s32 $0x30, s26;
	s28 =	sadd.s32 $0x3F28, s24  }
0x15d: {  	[hbm4b:s1+s3] =	stream.linear.scatter [tilespmem:s28], [sflag:$0x1], $0x80, $0x38;
	[tilespmem:$0x8080] =	vst v63  }
0x15e: {  	s30 =	sadd.s32 $0x40, s26;
	s28 =	sadd.s32 $0x4F38, s24  }
0x15f: {  	[hbm4b:s30+s3] =	stream.linear.scatter [tilespmem:s28], [sflag:$0x1], $0x80, $0x38;
	[tilespmem:$0x8080] =	vst v63  }
0x160: {  	s31 =	sadd.s32 $0x50, s26;
	s28 =	sadd.s32 $0x5F48, s24  }
0x161: {  	[hbm4b:s31+s3] =	stream.linear.scatter [tilespmem:s28], [sflag:$0x1], $0x80, $0x38;
	[tilespmem:$0x8080] =	vst v63  }
0x162: {  	s0 =	sadd.s32 $0x60, s26;
	s28 =	sadd.s32 $0x6F58, s24  }
0x163: {  	[hbm4b:s0+s3] =	stream.linear.scatter [tilespmem:s28], [sflag:$0x1], $0x80, $0x38;
	[tilespmem:$0x8080] =	vst v63  }
0x164: {  	s26 =	sadd.s32 $0x70, s26;
	s1 =	rddreg [dreg:$0x11];
	s28 =	sadd.s32 $0x7F68, s24  }
0x165: {  	[hbm4b:s26+s3] =	stream.linear.scatter [tilespmem:s28], [sflag:$0x1], $0x80, $0x38;
	[tilespmem:$0x8080] =	vst v63  }
0x166: {  	s25 =	sadd.s32 s25, s1;
	s30 =	sadd.s32 $0xF78, s24  }
0x167: {  	[hbm4b:s25+s3] =	stream.linear.scatter [tilespmem:s30], [sflag:$0x1], $0x80, $0x38;
	[tilespmem:$0x8080] =	vst v63  }
0x168: {  	s31 =	sadd.s32 $0x1F88, s24;
	s28 =	sadd.s32 $0x10, s25  }
0x169: {  	[hbm4b:s28+s3] =	stream.linear.scatter [tilespmem:s31], [sflag:$0x1], $0x80, $0x38;
	[tilespmem:$0x8080] =	vst v63  }
0x16a: {  	s0 =	sadd.s32 $0x2F98, s24;
	s28 =	sadd.s32 $0x20, s25  }
0x16b: {  	[hbm4b:s28+s3] =	stream.linear.scatter [tilespmem:s0], [sflag:$0x1], $0x80, $0x38;
	[tilespmem:$0x8080] =	vst v63  }
0x16c: {  	s1 =	sadd.s32 $0x3FA8, s24;
	s28 =	sadd.s32 $0x30, s25  }
0x16d: {  	[hbm4b:s28+s3] =	stream.linear.scatter [tilespmem:s1], [sflag:$0x1], $0x80, $0x38;
	[tilespmem:$0x8080] =	vst v63  }
0x16e: {  	s29 =	sadd.s32 $0x4FB8, s24;
	s28 =	sadd.s32 $0x40, s25  }
0x16f: {  	[hbm4b:s28+s3] =	stream.linear.scatter [tilespmem:s29], [sflag:$0x1], $0x80, $0x38;
	[tilespmem:$0x8080] =	vst v63  }
0x170: {  	s30 =	sadd.s32 $0x5FC8, s24;
	s28 =	sadd.s32 $0x50, s25  }
0x171: {  	[hbm4b:s28+s3] =	stream.linear.scatter [tilespmem:s30], [sflag:$0x1], $0x80, $0x38;
	[tilespmem:$0x8080] =	vst v63  }
0x172: {  	s31 =	sadd.s32 $0x6FD8, s24;
	s28 =	sadd.s32 $0x60, s25  }
0x173: {  	[hbm4b:s28+s3] =	stream.linear.scatter [tilespmem:s31], [sflag:$0x1], $0x80, $0x38;
	[tilespmem:$0x8080] =	vst v63  }
0x174: {  	s24 =	sadd.s32 $0x7FE8, s24;
	s25 =	sadd.s32 $0x70, s25  }
0x175: {  	[hbm4b:s25+s3] =	stream.linear.scatter [tilespmem:s24], [sflag:$0x1], $0x80, $0x38;
	[tilespmem:$0x8080] =	vst v63  }
0x176: {  	_ =	swait.ge [sflag:s4], $0x400  }
0x177: {  	[sflag:s4] =	ssyncset.done $0x0  }
0x178: {  	[sflag:s4] =	ssyncadd.s32 $0xFFFFFC00  }
0x179: {  	_ =	swait.ge [sflag:s4], $0x400  }
0x17a: {  	[sflag:s4] =	ssyncset.done $0x0  }
0x17b: {  	[sflag:s4] =	ssyncadd.s32 $0xFFFFFC00  }
0x17c: {  	_ =	swait.ge [sflag:s4], $0x400  }
0x17d: {  	[sflag:s4] =	ssyncset.done $0x0  }
0x17e: {  	[sflag:s4] =	ssyncadd.s32 $0xFFFFFC00  }
0x17f: {  	_ =	swait.ge [sflag:s4], $0x400  }
0x180: {  	[sflag:s4] =	ssyncset.done $0x0  }
0x181: {  	[sflag:s4] =	ssyncadd.s32 $0xFFFFFC00  }
0x182: {  	_ =	swait.ge [sflag:s4], $0x400  }
0x183: {  	[sflag:s4] =	ssyncset.done $0x0  }
0x184: {  	[sflag:s4] =	ssyncadd.s32 $0xFFFFFC00  }
0x185: {  	_ =	swait.ge [sflag:s4], $0x400  }
0x186: {  	[sflag:s4] =	ssyncset.done $0x0  }
0x187: {  	[sflag:s4] =	ssyncadd.s32 $0xFFFFFC00  }
0x188: {  	_ =	swait.ge [sflag:s4], $0x400  }
0x189: {  	[sflag:s4] =	ssyncset.done $0x0  }
0x18a: {  	[sflag:s4] =	ssyncadd.s32 $0xFFFFFC00  }
0x18b: {  	_ =	swait.ge [sflag:s4], $0x400  }
0x18c: {  	[sflag:s4] =	ssyncset.done $0x0  }
0x18d: {  	[sflag:s4] =	ssyncadd.s32 $0xFFFFFC00  }
0x18e: {  	_ =	swait.ge [sflag:s4], $0x400  }
0x18f: {  	[sflag:s4] =	ssyncset.done $0x0  }
0x190: {  	[sflag:s4] =	ssyncadd.s32 $0xFFFFFC00  }
0x191: {  	_ =	swait.ge [sflag:s4], $0x400  }
0x192: {  	[sflag:s4] =	ssyncset.done $0x0  }
0x193: {  	[sflag:s4] =	ssyncadd.s32 $0xFFFFFC00  }
0x194: {  	_ =	swait.ge [sflag:s4], $0x400  }
0x195: {  	[sflag:s4] =	ssyncset.done $0x0  }
0x196: {  	[sflag:s4] =	ssyncadd.s32 $0xFFFFFC00  }
0x197: {  	_ =	swait.ge [sflag:s4], $0x400  }
0x198: {  	[sflag:s4] =	ssyncset.done $0x0  }
0x199: {  	[sflag:s4] =	ssyncadd.s32 $0xFFFFFC00  }
0x19a: {  	_ =	swait.ge [sflag:s4], $0x400  }
0x19b: {  	[sflag:s4] =	ssyncset.done $0x0  }
0x19c: {  	[sflag:s4] =	ssyncadd.s32 $0xFFFFFC00  }
0x19d: {  	_ =	swait.ge [sflag:s4], $0x400  }
0x19e: {  	[sflag:s4] =	ssyncset.done $0x0  }
0x19f: {  	[sflag:s4] =	ssyncadd.s32 $0xFFFFFC00  }
0x1a0: {  	_ =	swait.ge [sflag:s4], $0x400  }
0x1a1: {  	[sflag:s4] =	ssyncset.done $0x0  }
0x1a2: {  	[sflag:s4] =	ssyncadd.s32 $0xFFFFFC00  }
0x1a3: {  	s26 =	smov.u32 s14;
	s24 =	simm.s32 $0xFFFFFFE0;
	_ =	swait.ge [sflag:s4], $0x400  }
0x1a4: {  	s25 =	simm.s32 $0xFFFFFFC0;
	s28 =	rddreg [dreg:$0x12];
	[sflag:s4] =	ssyncset.done $0x0  }
.LBB2_4:
0x1a5: {  	s26 =	sadd.s32 $0x800, s26;
	s30 =	sshra.s32 s24, $0x2  }
0x1a6: {  	s29 =	sand.u32 $0x1FFFF800, s26;
	s28 =	sadd.s32 s30, s28  }
0x1a7: {  	[sflag:s4] =	ssyncadd.s32 $0xFFFFFC00;
	s30 =	sadd.s32 s2, s29;
	s31 =	sadd.s32 $0x7F8, s28  }
0x1a8: {  	[hbm4b:s30+s3] =	stream.linear.scatter [tilespmem:s31], [sflag:$0x1], $0x80, $0x38;
	[tilespmem:$0x8080] =	vst v63  }
0x1a9: {  	s0 =	sadd.s32 $0x1808, s28;
	s1 =	sadd.s32 $0x10, s30  }
0x1aa: {  	[hbm4b:s1+s3] =	stream.linear.scatter [tilespmem:s0], [sflag:$0x1], $0x80, $0x38;
	[tilespmem:$0x8080] =	vst v63  }
0x1ab: {  	s1 =	sadd.s32 $0x2818, s28;
	s0 =	sadd.s32 $0x20, s30  }
0x1ac: {  	[hbm4b:s0+s3] =	stream.linear.scatter [tilespmem:s1], [sflag:$0x1], $0x80, $0x38;
	[tilespmem:$0x8080] =	vst v63  }
0x1ad: {  	s1 =	sadd.s32 $0x3828, s28;
	s0 =	sadd.s32 $0x30, s30  }
0x1ae: {  	[hbm4b:s0+s3] =	stream.linear.scatter [tilespmem:s1], [sflag:$0x1], $0x80, $0x38;
	[tilespmem:$0x8080] =	vst v63  }
0x1af: {  	s1 =	sadd.s32 $0x4838, s28;
	s0 =	sadd.s32 $0x40, s30  }
0x1b0: {  	[hbm4b:s0+s3] =	stream.linear.scatter [tilespmem:s1], [sflag:$0x1], $0x80, $0x38;
	[tilespmem:$0x8080] =	vst v63  }
0x1b1: {  	s1 =	sadd.s32 $0x5848, s28;
	s0 =	sadd.s32 $0x50, s30  }
0x1b2: {  	[hbm4b:s0+s3] =	stream.linear.scatter [tilespmem:s1], [sflag:$0x1], $0x80, $0x38;
	[tilespmem:$0x8080] =	vst v63  }
0x1b3: {  	s31 =	sadd.s32 $0x60, s30;
	s1 =	sadd.s32 $0x6858, s28  }
0x1b4: {  	[hbm4b:s31+s3] =	stream.linear.scatter [tilespmem:s1], [sflag:$0x1], $0x80, $0x38;
	[tilespmem:$0x8080] =	vst v63  }
0x1b5: {  	s30 =	sadd.s32 $0x70, s30;
	s0 =	rddreg [dreg:$0x3];
	s31 =	sadd.s32 $0x7868, s28  }
0x1b6: {  	[hbm4b:s30+s3] =	stream.linear.scatter [tilespmem:s31], [sflag:$0x1], $0x80, $0x38;
	[tilespmem:$0x8080] =	vst v63  }
0x1b7: {  	s0 =	sadd.s32 s29, s0;
	s30 =	sadd.s32 $0x878, s28  }
0x1b8: {  	[hbm4b:s0+s3] =	stream.linear.scatter [tilespmem:s30], [sflag:$0x1], $0x80, $0x38;
	[tilespmem:$0x8080] =	vst v63  }
0x1b9: {  	s1 =	sadd.s32 $0x1888, s28;
	s31 =	sadd.s32 $0x10, s0  }
0x1ba: {  	[hbm4b:s31+s3] =	stream.linear.scatter [tilespmem:s1], [sflag:$0x1], $0x80, $0x38;
	[tilespmem:$0x8080] =	vst v63  }
0x1bb: {  	s1 =	sadd.s32 $0x2898, s28;
	s31 =	sadd.s32 $0x20, s0  }
0x1bc: {  	[hbm4b:s31+s3] =	stream.linear.scatter [tilespmem:s1], [sflag:$0x1], $0x80, $0x38;
	[tilespmem:$0x8080] =	vst v63  }
0x1bd: {  	s1 =	sadd.s32 $0x38A8, s28;
	s31 =	sadd.s32 $0x30, s0  }
0x1be: {  	[hbm4b:s31+s3] =	stream.linear.scatter [tilespmem:s1], [sflag:$0x1], $0x80, $0x38;
	[tilespmem:$0x8080] =	vst v63  }
0x1bf: {  	s1 =	sadd.s32 $0x48B8, s28;
	s31 =	sadd.s32 $0x40, s0  }
0x1c0: {  	[hbm4b:s31+s3] =	stream.linear.scatter [tilespmem:s1], [sflag:$0x1], $0x80, $0x38;
	[tilespmem:$0x8080] =	vst v63  }
0x1c1: {  	s1 =	sadd.s32 $0x58C8, s28;
	s31 =	sadd.s32 $0x50, s0  }
0x1c2: {  	[hbm4b:s31+s3] =	stream.linear.scatter [tilespmem:s1], [sflag:$0x1], $0x80, $0x38;
	[tilespmem:$0x8080] =	vst v63  }
0x1c3: {  	s30 =	sadd.s32 $0x60, s0;
	s1 =	sadd.s32 $0x68D8, s28  }
0x1c4: {  	[hbm4b:s30+s3] =	stream.linear.scatter [tilespmem:s1], [sflag:$0x1], $0x80, $0x38;
	[tilespmem:$0x8080] =	vst v63  }
0x1c5: {  	s0 =	sadd.s32 $0x70, s0;
	s31 =	rddreg [dreg:$0x4];
	s30 =	sadd.s32 $0x78E8, s28  }
0x1c6: {  	[hbm4b:s0+s3] =	stream.linear.scatter [tilespmem:s30], [sflag:$0x1], $0x80, $0x38;
	[tilespmem:$0x8080] =	vst v63  }
0x1c7: {  	s0 =	sadd.s32 s29, s31;
	s30 =	sadd.s32 $0x8F8, s28  }
0x1c8: {  	[hbm4b:s0+s3] =	stream.linear.scatter [tilespmem:s30], [sflag:$0x1], $0x80, $0x38;
	[tilespmem:$0x8080] =	vst v63  }
0x1c9: {  	s1 =	sadd.s32 $0x1908, s28;
	s31 =	sadd.s32 $0x10, s0  }
0x1ca: {  	[hbm4b:s31+s3] =	stream.linear.scatter [tilespmem:s1], [sflag:$0x1], $0x80, $0x38;
	[tilespmem:$0x8080] =	vst v63  }
0x1cb: {  	s1 =	sadd.s32 $0x2918, s28;
	s31 =	sadd.s32 $0x20, s0  }
0x1cc: {  	[hbm4b:s31+s3] =	stream.linear.scatter [tilespmem:s1], [sflag:$0x1], $0x80, $0x38;
	[tilespmem:$0x8080] =	vst v63  }
0x1cd: {  	s1 =	sadd.s32 $0x3928, s28;
	s31 =	sadd.s32 $0x30, s0  }
0x1ce: {  	[hbm4b:s31+s3] =	stream.linear.scatter [tilespmem:s1], [sflag:$0x1], $0x80, $0x38;
	[tilespmem:$0x8080] =	vst v63  }
0x1cf: {  	s1 =	sadd.s32 $0x4938, s28;
	s31 =	sadd.s32 $0x40, s0  }
0x1d0: {  	[hbm4b:s31+s3] =	stream.linear.scatter [tilespmem:s1], [sflag:$0x1], $0x80, $0x38;
	[tilespmem:$0x8080] =	vst v63  }
0x1d1: {  	s1 =	sadd.s32 $0x5948, s28;
	s31 =	sadd.s32 $0x50, s0  }
0x1d2: {  	[hbm4b:s31+s3] =	stream.linear.scatter [tilespmem:s1], [sflag:$0x1], $0x80, $0x38;
	[tilespmem:$0x8080] =	vst v63  }
0x1d3: {  	s30 =	sadd.s32 $0x60, s0;
	s1 =	sadd.s32 $0x6958, s28  }
0x1d4: {  	[hbm4b:s30+s3] =	stream.linear.scatter [tilespmem:s1], [sflag:$0x1], $0x80, $0x38;
	[tilespmem:$0x8080] =	vst v63  }
0x1d5: {  	s0 =	sadd.s32 $0x70, s0;
	s31 =	rddreg [dreg:$0x5];
	s30 =	sadd.s32 $0x7968, s28  }
0x1d6: {  	[hbm4b:s0+s3] =	stream.linear.scatter [tilespmem:s30], [sflag:$0x1], $0x80, $0x38;
	[tilespmem:$0x8080] =	vst v63  }
0x1d7: {  	s0 =	sadd.s32 s29, s31;
	s30 =	sadd.s32 $0x978, s28  }
0x1d8: {  	[hbm4b:s0+s3] =	stream.linear.scatter [tilespmem:s30], [sflag:$0x1], $0x80, $0x38;
	[tilespmem:$0x8080] =	vst v63  }
0x1d9: {  	s1 =	sadd.s32 $0x1988, s28;
	s31 =	sadd.s32 $0x10, s0  }
0x1da: {  	[hbm4b:s31+s3] =	stream.linear.scatter [tilespmem:s1], [sflag:$0x1], $0x80, $0x38;
	[tilespmem:$0x8080] =	vst v63  }
0x1db: {  	s1 =	sadd.s32 $0x2998, s28;
	s31 =	sadd.s32 $0x20, s0  }
0x1dc: {  	[hbm4b:s31+s3] =	stream.linear.scatter [tilespmem:s1], [sflag:$0x1], $0x80, $0x38;
	[tilespmem:$0x8080] =	vst v63  }
0x1dd: {  	s1 =	sadd.s32 $0x39A8, s28;
	s31 =	sadd.s32 $0x30, s0  }
0x1de: {  	[hbm4b:s31+s3] =	stream.linear.scatter [tilespmem:s1], [sflag:$0x1], $0x80, $0x38;
	[tilespmem:$0x8080] =	vst v63  }
0x1df: {  	s1 =	sadd.s32 $0x49B8, s28;
	s31 =	sadd.s32 $0x40, s0  }
0x1e0: {  	[hbm4b:s31+s3] =	stream.linear.scatter [tilespmem:s1], [sflag:$0x1], $0x80, $0x38;
	[tilespmem:$0x8080] =	vst v63  }
0x1e1: {  	s1 =	sadd.s32 $0x59C8, s28;
	s31 =	sadd.s32 $0x50, s0  }
0x1e2: {  	[hbm4b:s31+s3] =	stream.linear.scatter [tilespmem:s1], [sflag:$0x1], $0x80, $0x38;
	[tilespmem:$0x8080] =	vst v63  }
0x1e3: {  	s30 =	sadd.s32 $0x60, s0;
	s1 =	sadd.s32 $0x69D8, s28  }
0x1e4: {  	[hbm4b:s30+s3] =	stream.linear.scatter [tilespmem:s1], [sflag:$0x1], $0x80, $0x38;
	[tilespmem:$0x8080] =	vst v63  }
0x1e5: {  	s0 =	sadd.s32 $0x70, s0;
	s31 =	rddreg [dreg:$0x6];
	s30 =	sadd.s32 $0x79E8, s28  }
0x1e6: {  	[hbm4b:s0+s3] =	stream.linear.scatter [tilespmem:s30], [sflag:$0x1], $0x80, $0x38;
	[tilespmem:$0x8080] =	vst v63  }
0x1e7: {  	s0 =	sadd.s32 s29, s31;
	s30 =	sadd.s32 $0x9F8, s28  }
0x1e8: {  	[hbm4b:s0+s3] =	stream.linear.scatter [tilespmem:s30], [sflag:$0x1], $0x80, $0x38;
	[tilespmem:$0x8080] =	vst v63  }
0x1e9: {  	s1 =	sadd.s32 $0x1A08, s28;
	s31 =	sadd.s32 $0x10, s0  }
0x1ea: {  	[hbm4b:s31+s3] =	stream.linear.scatter [tilespmem:s1], [sflag:$0x1], $0x80, $0x38;
	[tilespmem:$0x8080] =	vst v63  }
0x1eb: {  	s1 =	sadd.s32 $0x2A18, s28;
	s31 =	sadd.s32 $0x20, s0  }
0x1ec: {  	[hbm4b:s31+s3] =	stream.linear.scatter [tilespmem:s1], [sflag:$0x1], $0x80, $0x38;
	[tilespmem:$0x8080] =	vst v63  }
0x1ed: {  	s1 =	sadd.s32 $0x3A28, s28;
	s31 =	sadd.s32 $0x30, s0  }
0x1ee: {  	[hbm4b:s31+s3] =	stream.linear.scatter [tilespmem:s1], [sflag:$0x1], $0x80, $0x38;
	[tilespmem:$0x8080] =	vst v63  }
0x1ef: {  	s1 =	sadd.s32 $0x4A38, s28;
	s31 =	sadd.s32 $0x40, s0  }
0x1f0: {  	[hbm4b:s31+s3] =	stream.linear.scatter [tilespmem:s1], [sflag:$0x1], $0x80, $0x38;
	[tilespmem:$0x8080] =	vst v63  }
0x1f1: {  	s1 =	sadd.s32 $0x5A48, s28;
	s31 =	sadd.s32 $0x50, s0  }
0x1f2: {  	[hbm4b:s31+s3] =	stream.linear.scatter [tilespmem:s1], [sflag:$0x1], $0x80, $0x38;
	[tilespmem:$0x8080] =	vst v63  }
0x1f3: {  	s30 =	sadd.s32 $0x60, s0;
	s1 =	sadd.s32 $0x6A58, s28  }
0x1f4: {  	[hbm4b:s30+s3] =	stream.linear.scatter [tilespmem:s1], [sflag:$0x1], $0x80, $0x38;
	[tilespmem:$0x8080] =	vst v63  }
0x1f5: {  	s0 =	sadd.s32 $0x70, s0;
	s31 =	rddreg [dreg:$0x7];
	s30 =	sadd.s32 $0x7A68, s28  }
0x1f6: {  	[hbm4b:s0+s3] =	stream.linear.scatter [tilespmem:s30], [sflag:$0x1], $0x80, $0x38;
	[tilespmem:$0x8080] =	vst v63  }
0x1f7: {  	s0 =	sadd.s32 s29, s31;
	s30 =	sadd.s32 $0xA78, s28  }
0x1f8: {  	[hbm4b:s0+s3] =	stream.linear.scatter [tilespmem:s30], [sflag:$0x1], $0x80, $0x38;
	[tilespmem:$0x8080] =	vst v63  }
0x1f9: {  	s1 =	sadd.s32 $0x1A88, s28;
	s31 =	sadd.s32 $0x10, s0  }
0x1fa: {  	[hbm4b:s31+s3] =	stream.linear.scatter [tilespmem:s1], [sflag:$0x1], $0x80, $0x38;
	[tilespmem:$0x8080] =	vst v63  }
0x1fb: {  	s1 =	sadd.s32 $0x2A98, s28;
	s31 =	sadd.s32 $0x20, s0  }
0x1fc: {  	[hbm4b:s31+s3] =	stream.linear.scatter [tilespmem:s1], [sflag:$0x1], $0x80, $0x38;
	[tilespmem:$0x8080] =	vst v63  }
0x1fd: {  	s1 =	sadd.s32 $0x3AA8, s28;
	s31 =	sadd.s32 $0x30, s0  }
0x1fe: {  	[hbm4b:s31+s3] =	stream.linear.scatter [tilespmem:s1], [sflag:$0x1], $0x80, $0x38;
	[tilespmem:$0x8080] =	vst v63  }
0x1ff: {  	s1 =	sadd.s32 $0x4AB8, s28;
	s31 =	sadd.s32 $0x40, s0  }
0x200: {  	[hbm4b:s31+s3] =	stream.linear.scatter [tilespmem:s1], [sflag:$0x1], $0x80, $0x38;
	[tilespmem:$0x8080] =	vst v63  }
0x201: {  	s1 =	sadd.s32 $0x5AC8, s28;
	s31 =	sadd.s32 $0x50, s0  }
0x202: {  	[hbm4b:s31+s3] =	stream.linear.scatter [tilespmem:s1], [sflag:$0x1], $0x80, $0x38;
	[tilespmem:$0x8080] =	vst v63  }
0x203: {  	s30 =	sadd.s32 $0x60, s0;
	s1 =	sadd.s32 $0x6AD8, s28  }
0x204: {  	[hbm4b:s30+s3] =	stream.linear.scatter [tilespmem:s1], [sflag:$0x1], $0x80, $0x38;
	[tilespmem:$0x8080] =	vst v63  }
0x205: {  	s0 =	sadd.s32 $0x70, s0;
	s31 =	rddreg [dreg:$0x8];
	s30 =	sadd.s32 $0x7AE8, s28  }
0x206: {  	[hbm4b:s0+s3] =	stream.linear.scatter [tilespmem:s30], [sflag:$0x1], $0x80, $0x38;
	[tilespmem:$0x8080] =	vst v63  }
0x207: {  	s0 =	sadd.s32 s29, s31;
	s30 =	sadd.s32 $0xAF8, s28  }
0x208: {  	[hbm4b:s0+s3] =	stream.linear.scatter [tilespmem:s30], [sflag:$0x1], $0x80, $0x38;
	[tilespmem:$0x8080] =	vst v63  }
0x209: {  	s1 =	sadd.s32 $0x1B08, s28;
	s31 =	sadd.s32 $0x10, s0  }
0x20a: {  	[hbm4b:s31+s3] =	stream.linear.scatter [tilespmem:s1], [sflag:$0x1], $0x80, $0x38;
	[tilespmem:$0x8080] =	vst v63  }
0x20b: {  	s1 =	sadd.s32 $0x2B18, s28;
	s31 =	sadd.s32 $0x20, s0  }
0x20c: {  	[hbm4b:s31+s3] =	stream.linear.scatter [tilespmem:s1], [sflag:$0x1], $0x80, $0x38;
	[tilespmem:$0x8080] =	vst v63  }
0x20d: {  	s1 =	sadd.s32 $0x3B28, s28;
	s31 =	sadd.s32 $0x30, s0  }
0x20e: {  	[hbm4b:s31+s3] =	stream.linear.scatter [tilespmem:s1], [sflag:$0x1], $0x80, $0x38;
	[tilespmem:$0x8080] =	vst v63  }
0x20f: {  	s1 =	sadd.s32 $0x4B38, s28;
	s31 =	sadd.s32 $0x40, s0  }
0x210: {  	[hbm4b:s31+s3] =	stream.linear.scatter [tilespmem:s1], [sflag:$0x1], $0x80, $0x38;
	[tilespmem:$0x8080] =	vst v63  }
0x211: {  	s1 =	sadd.s32 $0x5B48, s28;
	s31 =	sadd.s32 $0x50, s0  }
0x212: {  	[hbm4b:s31+s3] =	stream.linear.scatter [tilespmem:s1], [sflag:$0x1], $0x80, $0x38;
	[tilespmem:$0x8080] =	vst v63  }
0x213: {  	s30 =	sadd.s32 $0x60, s0;
	s1 =	sadd.s32 $0x6B58, s28  }
0x214: {  	[hbm4b:s30+s3] =	stream.linear.scatter [tilespmem:s1], [sflag:$0x1], $0x80, $0x38;
	[tilespmem:$0x8080] =	vst v63  }
0x215: {  	s0 =	sadd.s32 $0x70, s0;
	s31 =	rddreg [dreg:$0x9];
	s30 =	sadd.s32 $0x7B68, s28  }
0x216: {  	[hbm4b:s0+s3] =	stream.linear.scatter [tilespmem:s30], [sflag:$0x1], $0x80, $0x38;
	[tilespmem:$0x8080] =	vst v63  }
0x217: {  	s0 =	sadd.s32 s29, s31;
	s30 =	sadd.s32 $0xB78, s28  }
0x218: {  	[hbm4b:s0+s3] =	stream.linear.scatter [tilespmem:s30], [sflag:$0x1], $0x80, $0x38;
	[tilespmem:$0x8080] =	vst v63  }
0x219: {  	s1 =	sadd.s32 $0x1B88, s28;
	s31 =	sadd.s32 $0x10, s0  }
0x21a: {  	[hbm4b:s31+s3] =	stream.linear.scatter [tilespmem:s1], [sflag:$0x1], $0x80, $0x38;
	[tilespmem:$0x8080] =	vst v63  }
0x21b: {  	s1 =	sadd.s32 $0x2B98, s28;
	s31 =	sadd.s32 $0x20, s0  }
0x21c: {  	[hbm4b:s31+s3] =	stream.linear.scatter [tilespmem:s1], [sflag:$0x1], $0x80, $0x38;
	[tilespmem:$0x8080] =	vst v63  }
0x21d: {  	s1 =	sadd.s32 $0x3BA8, s28;
	s31 =	sadd.s32 $0x30, s0  }
0x21e: {  	[hbm4b:s31+s3] =	stream.linear.scatter [tilespmem:s1], [sflag:$0x1], $0x80, $0x38;
	[tilespmem:$0x8080] =	vst v63  }
0x21f: {  	s1 =	sadd.s32 $0x4BB8, s28;
	s31 =	sadd.s32 $0x40, s0  }
0x220: {  	[hbm4b:s31+s3] =	stream.linear.scatter [tilespmem:s1], [sflag:$0x1], $0x80, $0x38;
	[tilespmem:$0x8080] =	vst v63  }
0x221: {  	s1 =	sadd.s32 $0x5BC8, s28;
	s31 =	sadd.s32 $0x50, s0  }
0x222: {  	[hbm4b:s31+s3] =	stream.linear.scatter [tilespmem:s1], [sflag:$0x1], $0x80, $0x38;
	[tilespmem:$0x8080] =	vst v63  }
0x223: {  	s30 =	sadd.s32 $0x60, s0;
	s1 =	sadd.s32 $0x6BD8, s28  }
0x224: {  	[hbm4b:s30+s3] =	stream.linear.scatter [tilespmem:s1], [sflag:$0x1], $0x80, $0x38;
	[tilespmem:$0x8080] =	vst v63  }
0x225: {  	s0 =	sadd.s32 $0x70, s0;
	s31 =	rddreg [dreg:$0xa];
	s30 =	sadd.s32 $0x7BE8, s28  }
0x226: {  	[hbm4b:s0+s3] =	stream.linear.scatter [tilespmem:s30], [sflag:$0x1], $0x80, $0x38;
	[tilespmem:$0x8080] =	vst v63  }
0x227: {  	s0 =	sadd.s32 s29, s31;
	s30 =	sadd.s32 $0xBF8, s28  }
0x228: {  	[hbm4b:s0+s3] =	stream.linear.scatter [tilespmem:s30], [sflag:$0x1], $0x80, $0x38;
	[tilespmem:$0x8080] =	vst v63  }
0x229: {  	s1 =	sadd.s32 $0x1C08, s28;
	s31 =	sadd.s32 $0x10, s0  }
0x22a: {  	[hbm4b:s31+s3] =	stream.linear.scatter [tilespmem:s1], [sflag:$0x1], $0x80, $0x38;
	[tilespmem:$0x8080] =	vst v63  }
0x22b: {  	s1 =	sadd.s32 $0x2C18, s28;
	s31 =	sadd.s32 $0x20, s0  }
0x22c: {  	[hbm4b:s31+s3] =	stream.linear.scatter [tilespmem:s1], [sflag:$0x1], $0x80, $0x38;
	[tilespmem:$0x8080] =	vst v63  }
0x22d: {  	s1 =	sadd.s32 $0x3C28, s28;
	s31 =	sadd.s32 $0x30, s0  }
0x22e: {  	[hbm4b:s31+s3] =	stream.linear.scatter [tilespmem:s1], [sflag:$0x1], $0x80, $0x38;
	[tilespmem:$0x8080] =	vst v63  }
0x22f: {  	s1 =	sadd.s32 $0x4C38, s28;
	s31 =	sadd.s32 $0x40, s0  }
0x230: {  	[hbm4b:s31+s3] =	stream.linear.scatter [tilespmem:s1], [sflag:$0x1], $0x80, $0x38;
	[tilespmem:$0x8080] =	vst v63  }
0x231: {  	s1 =	sadd.s32 $0x5C48, s28;
	s31 =	sadd.s32 $0x50, s0  }
0x232: {  	[hbm4b:s31+s3] =	stream.linear.scatter [tilespmem:s1], [sflag:$0x1], $0x80, $0x38;
	[tilespmem:$0x8080] =	vst v63  }
0x233: {  	s30 =	sadd.s32 $0x60, s0;
	s1 =	sadd.s32 $0x6C58, s28  }
0x234: {  	[hbm4b:s30+s3] =	stream.linear.scatter [tilespmem:s1], [sflag:$0x1], $0x80, $0x38;
	[tilespmem:$0x8080] =	vst v63  }
0x235: {  	s0 =	sadd.s32 $0x70, s0;
	s31 =	rddreg [dreg:$0xb];
	s30 =	sadd.s32 $0x7C68, s28  }
0x236: {  	[hbm4b:s0+s3] =	stream.linear.scatter [tilespmem:s30], [sflag:$0x1], $0x80, $0x38;
	[tilespmem:$0x8080] =	vst v63  }
0x237: {  	s0 =	sadd.s32 s29, s31;
	s30 =	sadd.s32 $0xC78, s28  }
0x238: {  	[hbm4b:s0+s3] =	stream.linear.scatter [tilespmem:s30], [sflag:$0x1], $0x80, $0x38;
	[tilespmem:$0x8080] =	vst v63  }
0x239: {  	s1 =	sadd.s32 $0x1C88, s28;
	s31 =	sadd.s32 $0x10, s0  }
0x23a: {  	[hbm4b:s31+s3] =	stream.linear.scatter [tilespmem:s1], [sflag:$0x1], $0x80, $0x38;
	[tilespmem:$0x8080] =	vst v63  }
0x23b: {  	s1 =	sadd.s32 $0x2C98, s28;
	s31 =	sadd.s32 $0x20, s0  }
0x23c: {  	[hbm4b:s31+s3] =	stream.linear.scatter [tilespmem:s1], [sflag:$0x1], $0x80, $0x38;
	[tilespmem:$0x8080] =	vst v63  }
0x23d: {  	s1 =	sadd.s32 $0x3CA8, s28;
	s31 =	sadd.s32 $0x30, s0  }
0x23e: {  	[hbm4b:s31+s3] =	stream.linear.scatter [tilespmem:s1], [sflag:$0x1], $0x80, $0x38;
	[tilespmem:$0x8080] =	vst v63  }
0x23f: {  	s1 =	sadd.s32 $0x4CB8, s28;
	s31 =	sadd.s32 $0x40, s0  }
0x240: {  	[hbm4b:s31+s3] =	stream.linear.scatter [tilespmem:s1], [sflag:$0x1], $0x80, $0x38;
	[tilespmem:$0x8080] =	vst v63  }
0x241: {  	s1 =	sadd.s32 $0x5CC8, s28;
	s31 =	sadd.s32 $0x50, s0  }
0x242: {  	[hbm4b:s31+s3] =	stream.linear.scatter [tilespmem:s1], [sflag:$0x1], $0x80, $0x38;
	[tilespmem:$0x8080] =	vst v63  }
0x243: {  	s30 =	sadd.s32 $0x60, s0;
	s1 =	sadd.s32 $0x6CD8, s28  }
0x244: {  	[hbm4b:s30+s3] =	stream.linear.scatter [tilespmem:s1], [sflag:$0x1], $0x80, $0x38;
	[tilespmem:$0x8080] =	vst v63  }
0x245: {  	s0 =	sadd.s32 $0x70, s0;
	s31 =	rddreg [dreg:$0xc];
	s30 =	sadd.s32 $0x7CE8, s28  }
0x246: {  	[hbm4b:s0+s3] =	stream.linear.scatter [tilespmem:s30], [sflag:$0x1], $0x80, $0x38;
	[tilespmem:$0x8080] =	vst v63  }
0x247: {  	s0 =	sadd.s32 s29, s31;
	s30 =	sadd.s32 $0xCF8, s28  }
0x248: {  	[hbm4b:s0+s3] =	stream.linear.scatter [tilespmem:s30], [sflag:$0x1], $0x80, $0x38;
	[tilespmem:$0x8080] =	vst v63  }
0x249: {  	s1 =	sadd.s32 $0x1D08, s28;
	s31 =	sadd.s32 $0x10, s0  }
0x24a: {  	[hbm4b:s31+s3] =	stream.linear.scatter [tilespmem:s1], [sflag:$0x1], $0x80, $0x38;
	[tilespmem:$0x8080] =	vst v63  }
0x24b: {  	s1 =	sadd.s32 $0x2D18, s28;
	s31 =	sadd.s32 $0x20, s0  }
0x24c: {  	[hbm4b:s31+s3] =	stream.linear.scatter [tilespmem:s1], [sflag:$0x1], $0x80, $0x38;
	[tilespmem:$0x8080] =	vst v63  }
0x24d: {  	s1 =	sadd.s32 $0x3D28, s28;
	s31 =	sadd.s32 $0x30, s0  }
0x24e: {  	[hbm4b:s31+s3] =	stream.linear.scatter [tilespmem:s1], [sflag:$0x1], $0x80, $0x38;
	[tilespmem:$0x8080] =	vst v63  }
0x24f: {  	s1 =	sadd.s32 $0x4D38, s28;
	s31 =	sadd.s32 $0x40, s0  }
0x250: {  	[hbm4b:s31+s3] =	stream.linear.scatter [tilespmem:s1], [sflag:$0x1], $0x80, $0x38;
	[tilespmem:$0x8080] =	vst v63  }
0x251: {  	s1 =	sadd.s32 $0x5D48, s28;
	s31 =	sadd.s32 $0x50, s0  }
0x252: {  	[hbm4b:s31+s3] =	stream.linear.scatter [tilespmem:s1], [sflag:$0x1], $0x80, $0x38;
	[tilespmem:$0x8080] =	vst v63  }
0x253: {  	s30 =	sadd.s32 $0x60, s0;
	s1 =	sadd.s32 $0x6D58, s28  }
0x254: {  	[hbm4b:s30+s3] =	stream.linear.scatter [tilespmem:s1], [sflag:$0x1], $0x80, $0x38;
	[tilespmem:$0x8080] =	vst v63  }
0x255: {  	s0 =	sadd.s32 $0x70, s0;
	s31 =	rddreg [dreg:$0xd];
	s30 =	sadd.s32 $0x7D68, s28  }
0x256: {  	[hbm4b:s0+s3] =	stream.linear.scatter [tilespmem:s30], [sflag:$0x1], $0x80, $0x38;
	[tilespmem:$0x8080] =	vst v63  }
0x257: {  	s0 =	sadd.s32 s29, s31;
	s30 =	sadd.s32 $0xD78, s28  }
0x258: {  	[hbm4b:s0+s3] =	stream.linear.scatter [tilespmem:s30], [sflag:$0x1], $0x80, $0x38;
	[tilespmem:$0x8080] =	vst v63  }
0x259: {  	s1 =	sadd.s32 $0x1D88, s28;
	s31 =	sadd.s32 $0x10, s0  }
0x25a: {  	[hbm4b:s31+s3] =	stream.linear.scatter [tilespmem:s1], [sflag:$0x1], $0x80, $0x38;
	[tilespmem:$0x8080] =	vst v63  }
0x25b: {  	s1 =	sadd.s32 $0x2D98, s28;
	s31 =	sadd.s32 $0x20, s0  }
0x25c: {  	[hbm4b:s31+s3] =	stream.linear.scatter [tilespmem:s1], [sflag:$0x1], $0x80, $0x38;
	[tilespmem:$0x8080] =	vst v63  }
0x25d: {  	s1 =	sadd.s32 $0x3DA8, s28;
	s31 =	sadd.s32 $0x30, s0  }
0x25e: {  	[hbm4b:s31+s3] =	stream.linear.scatter [tilespmem:s1], [sflag:$0x1], $0x80, $0x38;
	[tilespmem:$0x8080] =	vst v63  }
0x25f: {  	s1 =	sadd.s32 $0x4DB8, s28;
	s31 =	sadd.s32 $0x40, s0  }
0x260: {  	[hbm4b:s31+s3] =	stream.linear.scatter [tilespmem:s1], [sflag:$0x1], $0x80, $0x38;
	[tilespmem:$0x8080] =	vst v63  }
0x261: {  	s1 =	sadd.s32 $0x5DC8, s28;
	s31 =	sadd.s32 $0x50, s0  }
0x262: {  	[hbm4b:s31+s3] =	stream.linear.scatter [tilespmem:s1], [sflag:$0x1], $0x80, $0x38;
	[tilespmem:$0x8080] =	vst v63  }
0x263: {  	s30 =	sadd.s32 $0x60, s0;
	s1 =	sadd.s32 $0x6DD8, s28  }
0x264: {  	[hbm4b:s30+s3] =	stream.linear.scatter [tilespmem:s1], [sflag:$0x1], $0x80, $0x38;
	[tilespmem:$0x8080] =	vst v63  }
0x265: {  	s0 =	sadd.s32 $0x70, s0;
	s31 =	rddreg [dreg:$0xe];
	s30 =	sadd.s32 $0x7DE8, s28  }
0x266: {  	[hbm4b:s0+s3] =	stream.linear.scatter [tilespmem:s30], [sflag:$0x1], $0x80, $0x38;
	[tilespmem:$0x8080] =	vst v63  }
0x267: {  	s0 =	sadd.s32 s29, s31;
	s30 =	sadd.s32 $0xDF8, s28  }
0x268: {  	[hbm4b:s0+s3] =	stream.linear.scatter [tilespmem:s30], [sflag:$0x1], $0x80, $0x38;
	[tilespmem:$0x8080] =	vst v63  }
0x269: {  	s1 =	sadd.s32 $0x1E08, s28;
	s31 =	sadd.s32 $0x10, s0  }
0x26a: {  	[hbm4b:s31+s3] =	stream.linear.scatter [tilespmem:s1], [sflag:$0x1], $0x80, $0x38;
	[tilespmem:$0x8080] =	vst v63  }
0x26b: {  	s1 =	sadd.s32 $0x2E18, s28;
	s31 =	sadd.s32 $0x20, s0  }
0x26c: {  	[hbm4b:s31+s3] =	stream.linear.scatter [tilespmem:s1], [sflag:$0x1], $0x80, $0x38;
	[tilespmem:$0x8080] =	vst v63  }
0x26d: {  	s1 =	sadd.s32 $0x3E28, s28;
	s31 =	sadd.s32 $0x30, s0  }
0x26e: {  	[hbm4b:s31+s3] =	stream.linear.scatter [tilespmem:s1], [sflag:$0x1], $0x80, $0x38;
	[tilespmem:$0x8080] =	vst v63  }
0x26f: {  	s1 =	sadd.s32 $0x4E38, s28;
	s31 =	sadd.s32 $0x40, s0  }
0x270: {  	[hbm4b:s31+s3] =	stream.linear.scatter [tilespmem:s1], [sflag:$0x1], $0x80, $0x38;
	[tilespmem:$0x8080] =	vst v63  }
0x271: {  	s1 =	sadd.s32 $0x5E48, s28;
	s31 =	sadd.s32 $0x50, s0  }
0x272: {  	[hbm4b:s31+s3] =	stream.linear.scatter [tilespmem:s1], [sflag:$0x1], $0x80, $0x38;
	[tilespmem:$0x8080] =	vst v63  }
0x273: {  	s30 =	sadd.s32 $0x60, s0;
	s1 =	sadd.s32 $0x6E58, s28  }
0x274: {  	[hbm4b:s30+s3] =	stream.linear.scatter [tilespmem:s1], [sflag:$0x1], $0x80, $0x38;
	[tilespmem:$0x8080] =	vst v63  }
0x275: {  	s0 =	sadd.s32 $0x70, s0;
	s31 =	rddreg [dreg:$0xf];
	s30 =	sadd.s32 $0x7E68, s28  }
0x276: {  	[hbm4b:s0+s3] =	stream.linear.scatter [tilespmem:s30], [sflag:$0x1], $0x80, $0x38;
	[tilespmem:$0x8080] =	vst v63  }
0x277: {  	s0 =	sadd.s32 s29, s31;
	s30 =	sadd.s32 $0xE78, s28  }
0x278: {  	[hbm4b:s0+s3] =	stream.linear.scatter [tilespmem:s30], [sflag:$0x1], $0x80, $0x38;
	[tilespmem:$0x8080] =	vst v63  }
0x279: {  	s1 =	sadd.s32 $0x1E88, s28;
	s31 =	sadd.s32 $0x10, s0  }
0x27a: {  	[hbm4b:s31+s3] =	stream.linear.scatter [tilespmem:s1], [sflag:$0x1], $0x80, $0x38;
	[tilespmem:$0x8080] =	vst v63  }
0x27b: {  	s1 =	sadd.s32 $0x2E98, s28;
	s31 =	sadd.s32 $0x20, s0  }
0x27c: {  	[hbm4b:s31+s3] =	stream.linear.scatter [tilespmem:s1], [sflag:$0x1], $0x80, $0x38;
	[tilespmem:$0x8080] =	vst v63  }
0x27d: {  	s1 =	sadd.s32 $0x3EA8, s28;
	s31 =	sadd.s32 $0x30, s0  }
0x27e: {  	[hbm4b:s31+s3] =	stream.linear.scatter [tilespmem:s1], [sflag:$0x1], $0x80, $0x38;
	[tilespmem:$0x8080] =	vst v63  }
0x27f: {  	s1 =	sadd.s32 $0x4EB8, s28;
	s31 =	sadd.s32 $0x40, s0  }
0x280: {  	[hbm4b:s31+s3] =	stream.linear.scatter [tilespmem:s1], [sflag:$0x1], $0x80, $0x38;
	[tilespmem:$0x8080] =	vst v63  }
0x281: {  	s1 =	sadd.s32 $0x5EC8, s28;
	s31 =	sadd.s32 $0x50, s0  }
0x282: {  	[hbm4b:s31+s3] =	stream.linear.scatter [tilespmem:s1], [sflag:$0x1], $0x80, $0x38;
	[tilespmem:$0x8080] =	vst v63  }
0x283: {  	s30 =	sadd.s32 $0x60, s0;
	s1 =	sadd.s32 $0x6ED8, s28  }
0x284: {  	[hbm4b:s30+s3] =	stream.linear.scatter [tilespmem:s1], [sflag:$0x1], $0x80, $0x38;
	[tilespmem:$0x8080] =	vst v63  }
0x285: {  	s0 =	sadd.s32 $0x70, s0;
	s31 =	rddreg [dreg:$0x10];
	s30 =	sadd.s32 $0x7EE8, s28  }
0x286: {  	[hbm4b:s0+s3] =	stream.linear.scatter [tilespmem:s30], [sflag:$0x1], $0x80, $0x38;
	[tilespmem:$0x8080] =	vst v63  }
0x287: {  	s0 =	sadd.s32 s29, s31;
	s30 =	sadd.s32 $0xEF8, s28  }
0x288: {  	[hbm4b:s0+s3] =	stream.linear.scatter [tilespmem:s30], [sflag:$0x1], $0x80, $0x38;
	[tilespmem:$0x8080] =	vst v63  }
0x289: {  	s1 =	sadd.s32 $0x1F08, s28;
	s31 =	sadd.s32 $0x10, s0  }
0x28a: {  	[hbm4b:s31+s3] =	stream.linear.scatter [tilespmem:s1], [sflag:$0x1], $0x80, $0x38;
	[tilespmem:$0x8080] =	vst v63  }
0x28b: {  	s1 =	sadd.s32 $0x2F18, s28;
	s31 =	sadd.s32 $0x20, s0  }
0x28c: {  	[hbm4b:s31+s3] =	stream.linear.scatter [tilespmem:s1], [sflag:$0x1], $0x80, $0x38;
	[tilespmem:$0x8080] =	vst v63  }
0x28d: {  	s1 =	sadd.s32 $0x3F28, s28;
	s31 =	sadd.s32 $0x30, s0  }
0x28e: {  	[hbm4b:s31+s3] =	stream.linear.scatter [tilespmem:s1], [sflag:$0x1], $0x80, $0x38;
	[tilespmem:$0x8080] =	vst v63  }
0x28f: {  	s1 =	sadd.s32 $0x4F38, s28;
	s31 =	sadd.s32 $0x40, s0  }
0x290: {  	[hbm4b:s31+s3] =	stream.linear.scatter [tilespmem:s1], [sflag:$0x1], $0x80, $0x38;
	[tilespmem:$0x8080] =	vst v63  }
0x291: {  	s1 =	sadd.s32 $0x5F48, s28;
	s31 =	sadd.s32 $0x50, s0  }
0x292: {  	[hbm4b:s31+s3] =	stream.linear.scatter [tilespmem:s1], [sflag:$0x1], $0x80, $0x38;
	[tilespmem:$0x8080] =	vst v63  }
0x293: {  	s30 =	sadd.s32 $0x60, s0;
	s1 =	sadd.s32 $0x6F58, s28  }
0x294: {  	[hbm4b:s30+s3] =	stream.linear.scatter [tilespmem:s1], [sflag:$0x1], $0x80, $0x38;
	[tilespmem:$0x8080] =	vst v63  }
0x295: {  	s0 =	sadd.s32 $0x70, s0;
	s31 =	rddreg [dreg:$0x11];
	s30 =	sadd.s32 $0x7F68, s28  }
0x296: {  	[hbm4b:s0+s3] =	stream.linear.scatter [tilespmem:s30], [sflag:$0x1], $0x80, $0x38;
	[tilespmem:$0x8080] =	vst v63  }
0x297: {  	s0 =	sadd.s32 s29, s31;
	s29 =	sadd.s32 $0xF78, s28  }
0x298: {  	[hbm4b:s0+s3] =	stream.linear.scatter [tilespmem:s29], [sflag:$0x1], $0x80, $0x38;
	[tilespmem:$0x8080] =	vst v63  }
0x299: {  	s30 =	sadd.s32 $0x1F88, s28;
	s29 =	sadd.s32 $0x10, s0  }
0x29a: {  	[hbm4b:s29+s3] =	stream.linear.scatter [tilespmem:s30], [sflag:$0x1], $0x80, $0x38;
	[tilespmem:$0x8080] =	vst v63  }
0x29b: {  	s31 =	sadd.s32 $0x2F98, s28;
	s30 =	sadd.s32 $0x20, s0  }
0x29c: {  	[hbm4b:s30+s3] =	stream.linear.scatter [tilespmem:s31], [sflag:$0x1], $0x80, $0x38;
	[tilespmem:$0x8080] =	vst v63  }
0x29d: {  	s31 =	sadd.s32 $0x3FA8, s28;
	s30 =	sadd.s32 $0x30, s0  }
0x29e: {  	[hbm4b:s30+s3] =	stream.linear.scatter [tilespmem:s31], [sflag:$0x1], $0x80, $0x38;
	[tilespmem:$0x8080] =	vst v63  }
0x29f: {  	s31 =	sadd.s32 $0x4FB8, s28;
	s30 =	sadd.s32 $0x40, s0  }
0x2a0: {  	[hbm4b:s30+s3] =	stream.linear.scatter [tilespmem:s31], [sflag:$0x1], $0x80, $0x38;
	[tilespmem:$0x8080] =	vst v63  }
0x2a1: {  	s31 =	sadd.s32 $0x5FC8, s28;
	s30 =	sadd.s32 $0x50, s0  }
0x2a2: {  	[hbm4b:s30+s3] =	stream.linear.scatter [tilespmem:s31], [sflag:$0x1], $0x80, $0x38;
	[tilespmem:$0x8080] =	vst v63  }
0x2a3: {  	s31 =	sadd.s32 $0x6FD8, s28;
	s30 =	sadd.s32 $0x60, s0  }
0x2a4: {  	[hbm4b:s30+s3] =	stream.linear.scatter [tilespmem:s31], [sflag:$0x1], $0x80, $0x38;
	[tilespmem:$0x8080] =	vst v63  }
0x2a5: {  	s0 =	sadd.s32 $0x70, s0;
	s31 =	sadd.s32 $0x7FE8, s28  }
0x2a6: {  	[hbm4b:s0+s3] =	stream.linear.scatter [tilespmem:s31], [sflag:$0x1], $0x80, $0x38;
	[tilespmem:$0x8080] =	vst v63  }
0x2a7: {  	_ =	swait.ge [sflag:s4], $0x400  }
0x2a8: {  	[sflag:s4] =	ssyncset.done $0x0  }
0x2a9: {  	[sflag:s4] =	ssyncadd.s32 $0xFFFFFC00  }
0x2aa: {  	_ =	swait.ge [sflag:s4], $0x400  }
0x2ab: {  	[sflag:s4] =	ssyncset.done $0x0  }
0x2ac: {  	[sflag:s4] =	ssyncadd.s32 $0xFFFFFC00  }
0x2ad: {  	_ =	swait.ge [sflag:s4], $0x400  }
0x2ae: {  	[sflag:s4] =	ssyncset.done $0x0  }
0x2af: {  	[sflag:s4] =	ssyncadd.s32 $0xFFFFFC00  }
0x2b0: {  	_ =	swait.ge [sflag:s4], $0x400  }
0x2b1: {  	[sflag:s4] =	ssyncset.done $0x0  }
0x2b2: {  	[sflag:s4] =	ssyncadd.s32 $0xFFFFFC00  }
0x2b3: {  	_ =	swait.ge [sflag:s4], $0x400  }
0x2b4: {  	[sflag:s4] =	ssyncset.done $0x0  }
0x2b5: {  	[sflag:s4] =	ssyncadd.s32 $0xFFFFFC00  }
0x2b6: {  	_ =	swait.ge [sflag:s4], $0x400  }
0x2b7: {  	[sflag:s4] =	ssyncset.done $0x0  }
0x2b8: {  	[sflag:s4] =	ssyncadd.s32 $0xFFFFFC00  }
0x2b9: {  	_ =	swait.ge [sflag:s4], $0x400  }
0x2ba: {  	[sflag:s4] =	ssyncset.done $0x0  }
0x2bb: {  	[sflag:s4] =	ssyncadd.s32 $0xFFFFFC00  }
0x2bc: {  	_ =	swait.ge [sflag:s4], $0x400  }
0x2bd: {  	[sflag:s4] =	ssyncset.done $0x0  }
0x2be: {  	[sflag:s4] =	ssyncadd.s32 $0xFFFFFC00  }
0x2bf: {  	_ =	swait.ge [sflag:s4], $0x400  }
0x2c0: {  	[sflag:s4] =	ssyncset.done $0x0  }
0x2c1: {  	[sflag:s4] =	ssyncadd.s32 $0xFFFFFC00  }
0x2c2: {  	_ =	swait.ge [sflag:s4], $0x400  }
0x2c3: {  	[sflag:s4] =	ssyncset.done $0x0  }
0x2c4: {  	[sflag:s4] =	ssyncadd.s32 $0xFFFFFC00  }
0x2c5: {  	_ =	swait.ge [sflag:s4], $0x400  }
0x2c6: {  	[sflag:s4] =	ssyncset.done $0x0  }
0x2c7: {  	[sflag:s4] =	ssyncadd.s32 $0xFFFFFC00  }
0x2c8: {  	_ =	swait.ge [sflag:s4], $0x400  }
0x2c9: {  	[sflag:s4] =	ssyncset.done $0x0  }
0x2ca: {  	[sflag:s4] =	ssyncadd.s32 $0xFFFFFC00  }
0x2cb: {  	_ =	swait.ge [sflag:s4], $0x400  }
0x2cc: {  	[sflag:s4] =	ssyncset.done $0x0  }
0x2cd: {  	[sflag:s4] =	ssyncadd.s32 $0xFFFFFC00  }
0x2ce: {  	_ =	swait.ge [sflag:s4], $0x400  }
0x2cf: {  	[sflag:s4] =	ssyncset.done $0x0  }
0x2d0: {  	p0 =	sne.s32 s25, $0xFFFFF020;
	[sflag:s4] =	ssyncadd.s32 $0xFFFFFC00  }
.Ltmp1:
0x2d1: {  	_ =	swait.ge [sflag:s4], $0x400;
	(pc) =	sbr.rel @p0 .LBB2_4-.Ltmp1, $4  }
0x2d2: {  	[sflag:s4] =	ssyncset.done $0x0  }
0x2d3: {  	[sflag:s4] =	ssyncadd.s32 $0xFFFFFC00  }
0x2d4: {  	s24 =	smov.u32 s25;
	_ =	swait.ge [sflag:s4], $0x400  }
0x2d5: {  	s25 =	sadd.s32 $0xFFFFFFE0, s25;
	s28 =	rddreg [dreg:$0x12];
	[sflag:s4] =	ssyncset.done $0x0  }
0x2d6: {  	s0 =	sadd.s32 $0x800, s26;
	s1 =	sshra.s32 s24, $0x2  }
0x2d7: {  	s25 =	sand.u32 $0x1FFFF800, s0;
	s24 =	sadd.s32 s1, s28  }
0x2d8: {  	[sflag:s4] =	ssyncadd.s32 $0xFFFFFC00;
	s0 =	sadd.s32 s2, s25;
	s1 =	sadd.s32 $0x7F8, s24  }
0x2d9: {  	[hbm4b:s0+s3] =	stream.linear.scatter [tilespmem:s1], [sflag:$0x1], $0x80, $0x38;
	[tilespmem:$0x8080] =	vst v63  }
0x2da: {  	s28 =	sadd.s32 $0x1808, s24;
	s29 =	sadd.s32 $0x10, s0  }
0x2db: {  	[hbm4b:s29+s3] =	stream.linear.scatter [tilespmem:s28], [sflag:$0x1], $0x80, $0x38;
	[tilespmem:$0x8080] =	vst v63  }
0x2dc: {  	s30 =	sadd.s32 $0x2818, s24;
	s31 =	sadd.s32 $0x20, s0  }
0x2dd: {  	[hbm4b:s31+s3] =	stream.linear.scatter [tilespmem:s30], [sflag:$0x1], $0x80, $0x38;
	[tilespmem:$0x8080] =	vst v63  }
0x2de: {  	s28 =	sadd.s32 $0x3828, s24;
	s29 =	sadd.s32 $0x30, s0  }
0x2df: {  	[hbm4b:s29+s3] =	stream.linear.scatter [tilespmem:s28], [sflag:$0x1], $0x80, $0x38;
	[tilespmem:$0x8080] =	vst v63  }
0x2e0: {  	s30 =	sadd.s32 $0x4838, s24;
	s31 =	sadd.s32 $0x40, s0  }
0x2e1: {  	[hbm4b:s31+s3] =	stream.linear.scatter [tilespmem:s30], [sflag:$0x1], $0x80, $0x38;
	[tilespmem:$0x8080] =	vst v63  }
0x2e2: {  	s26 =	sadd.s32 $0x5848, s24;
	s28 =	sadd.s32 $0x50, s0  }
0x2e3: {  	[hbm4b:s28+s3] =	stream.linear.scatter [tilespmem:s26], [sflag:$0x1], $0x80, $0x38;
	[tilespmem:$0x8080] =	vst v63  }
0x2e4: {  	s29 =	sadd.s32 $0x6858, s24;
	s30 =	sadd.s32 $0x60, s0  }
0x2e5: {  	[hbm4b:s30+s3] =	stream.linear.scatter [tilespmem:s29], [sflag:$0x1], $0x80, $0x38;
	[tilespmem:$0x8080] =	vst v63  }
0x2e6: {  	s31 =	rddreg [dreg:$0x3];
	s0 =	sadd.s32 $0x70, s0;
	s26 =	sadd.s32 $0x7868, s24  }
0x2e7: {  	[hbm4b:s0+s3] =	stream.linear.scatter [tilespmem:s26], [sflag:$0x1], $0x80, $0x38;
	[tilespmem:$0x8080] =	vst v63  }
0x2e8: {  	s29 =	sadd.s32 $0x878, s24;
	s0 =	sadd.s32 s25, s31  }
0x2e9: {  	[hbm4b:s0+s3] =	stream.linear.scatter [tilespmem:s29], [sflag:$0x1], $0x80, $0x38;
	[tilespmem:$0x8080] =	vst v63  }
0x2ea: {  	s30 =	sadd.s32 $0x1888, s24;
	s31 =	sadd.s32 $0x10, s0  }
0x2eb: {  	[hbm4b:s31+s3] =	stream.linear.scatter [tilespmem:s30], [sflag:$0x1], $0x80, $0x38;
	[tilespmem:$0x8080] =	vst v63  }
0x2ec: {  	s28 =	sadd.s32 $0x2898, s24;
	s29 =	sadd.s32 $0x20, s0  }
0x2ed: {  	[hbm4b:s29+s3] =	stream.linear.scatter [tilespmem:s28], [sflag:$0x1], $0x80, $0x38;
	[tilespmem:$0x8080] =	vst v63  }
0x2ee: {  	s30 =	sadd.s32 $0x38A8, s24;
	s31 =	sadd.s32 $0x30, s0  }
0x2ef: {  	[hbm4b:s31+s3] =	stream.linear.scatter [tilespmem:s30], [sflag:$0x1], $0x80, $0x38;
	[tilespmem:$0x8080] =	vst v63  }
0x2f0: {  	s28 =	sadd.s32 $0x48B8, s24;
	s29 =	sadd.s32 $0x40, s0  }
0x2f1: {  	[hbm4b:s29+s3] =	stream.linear.scatter [tilespmem:s28], [sflag:$0x1], $0x80, $0x38;
	[tilespmem:$0x8080] =	vst v63  }
0x2f2: {  	s30 =	sadd.s32 $0x58C8, s24;
	s31 =	sadd.s32 $0x50, s0  }
0x2f3: {  	[hbm4b:s31+s3] =	stream.linear.scatter [tilespmem:s30], [sflag:$0x1], $0x80, $0x38;
	[tilespmem:$0x8080] =	vst v63  }
0x2f4: {  	s26 =	sadd.s32 $0x68D8, s24;
	s29 =	sadd.s32 $0x60, s0  }
0x2f5: {  	[hbm4b:s29+s3] =	stream.linear.scatter [tilespmem:s26], [sflag:$0x1], $0x80, $0x38;
	[tilespmem:$0x8080] =	vst v63  }
0x2f6: {  	s0 =	sadd.s32 $0x70, s0;
	s30 =	rddreg [dreg:$0x4];
	s31 =	sadd.s32 $0x78E8, s24  }
0x2f7: {  	[hbm4b:s0+s3] =	stream.linear.scatter [tilespmem:s31], [sflag:$0x1], $0x80, $0x38;
	[tilespmem:$0x8080] =	vst v63  }
0x2f8: {  	s26 =	sadd.s32 $0x8F8, s24;
	s0 =	sadd.s32 s25, s30  }
0x2f9: {  	[hbm4b:s0+s3] =	stream.linear.scatter [tilespmem:s26], [sflag:$0x1], $0x80, $0x38;
	[tilespmem:$0x8080] =	vst v63  }
0x2fa: {  	s28 =	sadd.s32 $0x1908, s24;
	s29 =	sadd.s32 $0x10, s0  }
0x2fb: {  	[hbm4b:s29+s3] =	stream.linear.scatter [tilespmem:s28], [sflag:$0x1], $0x80, $0x38;
	[tilespmem:$0x8080] =	vst v63  }
0x2fc: {  	s30 =	sadd.s32 $0x2918, s24;
	s31 =	sadd.s32 $0x20, s0  }
0x2fd: {  	[hbm4b:s31+s3] =	stream.linear.scatter [tilespmem:s30], [sflag:$0x1], $0x80, $0x38;
	[tilespmem:$0x8080] =	vst v63  }
0x2fe: {  	s28 =	sadd.s32 $0x3928, s24;
	s29 =	sadd.s32 $0x30, s0  }
0x2ff: {  	[hbm4b:s29+s3] =	stream.linear.scatter [tilespmem:s28], [sflag:$0x1], $0x80, $0x38;
	[tilespmem:$0x8080] =	vst v63  }
0x300: {  	s30 =	sadd.s32 $0x4938, s24;
	s31 =	sadd.s32 $0x40, s0  }
0x301: {  	[hbm4b:s31+s3] =	stream.linear.scatter [tilespmem:s30], [sflag:$0x1], $0x80, $0x38;
	[tilespmem:$0x8080] =	vst v63  }
0x302: {  	s26 =	sadd.s32 $0x5948, s24;
	s28 =	sadd.s32 $0x50, s0  }
0x303: {  	[hbm4b:s28+s3] =	stream.linear.scatter [tilespmem:s26], [sflag:$0x1], $0x80, $0x38;
	[tilespmem:$0x8080] =	vst v63  }
0x304: {  	s29 =	sadd.s32 $0x6958, s24;
	s30 =	sadd.s32 $0x60, s0  }
0x305: {  	[hbm4b:s30+s3] =	stream.linear.scatter [tilespmem:s29], [sflag:$0x1], $0x80, $0x38;
	[tilespmem:$0x8080] =	vst v63  }
0x306: {  	s31 =	rddreg [dreg:$0x5];
	s0 =	sadd.s32 $0x70, s0;
	s26 =	sadd.s32 $0x7968, s24  }
0x307: {  	[hbm4b:s0+s3] =	stream.linear.scatter [tilespmem:s26], [sflag:$0x1], $0x80, $0x38;
	[tilespmem:$0x8080] =	vst v63  }
0x308: {  	s29 =	sadd.s32 $0x978, s24;
	s0 =	sadd.s32 s25, s31  }
0x309: {  	[hbm4b:s0+s3] =	stream.linear.scatter [tilespmem:s29], [sflag:$0x1], $0x80, $0x38;
	[tilespmem:$0x8080] =	vst v63  }
0x30a: {  	s30 =	sadd.s32 $0x1988, s24;
	s31 =	sadd.s32 $0x10, s0  }
0x30b: {  	[hbm4b:s31+s3] =	stream.linear.scatter [tilespmem:s30], [sflag:$0x1], $0x80, $0x38;
	[tilespmem:$0x8080] =	vst v63  }
0x30c: {  	s28 =	sadd.s32 $0x2998, s24;
	s29 =	sadd.s32 $0x20, s0  }
0x30d: {  	[hbm4b:s29+s3] =	stream.linear.scatter [tilespmem:s28], [sflag:$0x1], $0x80, $0x38;
	[tilespmem:$0x8080] =	vst v63  }
0x30e: {  	s30 =	sadd.s32 $0x39A8, s24;
	s31 =	sadd.s32 $0x30, s0  }
0x30f: {  	[hbm4b:s31+s3] =	stream.linear.scatter [tilespmem:s30], [sflag:$0x1], $0x80, $0x38;
	[tilespmem:$0x8080] =	vst v63  }
0x310: {  	s28 =	sadd.s32 $0x49B8, s24;
	s29 =	sadd.s32 $0x40, s0  }
0x311: {  	[hbm4b:s29+s3] =	stream.linear.scatter [tilespmem:s28], [sflag:$0x1], $0x80, $0x38;
	[tilespmem:$0x8080] =	vst v63  }
0x312: {  	s30 =	sadd.s32 $0x59C8, s24;
	s31 =	sadd.s32 $0x50, s0  }
0x313: {  	[hbm4b:s31+s3] =	stream.linear.scatter [tilespmem:s30], [sflag:$0x1], $0x80, $0x38;
	[tilespmem:$0x8080] =	vst v63  }
0x314: {  	s26 =	sadd.s32 $0x69D8, s24;
	s29 =	sadd.s32 $0x60, s0  }
0x315: {  	[hbm4b:s29+s3] =	stream.linear.scatter [tilespmem:s26], [sflag:$0x1], $0x80, $0x38;
	[tilespmem:$0x8080] =	vst v63  }
0x316: {  	s0 =	sadd.s32 $0x70, s0;
	s30 =	rddreg [dreg:$0x6];
	s31 =	sadd.s32 $0x79E8, s24  }
0x317: {  	[hbm4b:s0+s3] =	stream.linear.scatter [tilespmem:s31], [sflag:$0x1], $0x80, $0x38;
	[tilespmem:$0x8080] =	vst v63  }
0x318: {  	s26 =	sadd.s32 $0x9F8, s24;
	s0 =	sadd.s32 s25, s30  }
0x319: {  	[hbm4b:s0+s3] =	stream.linear.scatter [tilespmem:s26], [sflag:$0x1], $0x80, $0x38;
	[tilespmem:$0x8080] =	vst v63  }
0x31a: {  	s28 =	sadd.s32 $0x1A08, s24;
	s29 =	sadd.s32 $0x10, s0  }
0x31b: {  	[hbm4b:s29+s3] =	stream.linear.scatter [tilespmem:s28], [sflag:$0x1], $0x80, $0x38;
	[tilespmem:$0x8080] =	vst v63  }
0x31c: {  	s30 =	sadd.s32 $0x2A18, s24;
	s31 =	sadd.s32 $0x20, s0  }
0x31d: {  	[hbm4b:s31+s3] =	stream.linear.scatter [tilespmem:s30], [sflag:$0x1], $0x80, $0x38;
	[tilespmem:$0x8080] =	vst v63  }
0x31e: {  	s28 =	sadd.s32 $0x3A28, s24;
	s29 =	sadd.s32 $0x30, s0  }
0x31f: {  	[hbm4b:s29+s3] =	stream.linear.scatter [tilespmem:s28], [sflag:$0x1], $0x80, $0x38;
	[tilespmem:$0x8080] =	vst v63  }
0x320: {  	s30 =	sadd.s32 $0x4A38, s24;
	s31 =	sadd.s32 $0x40, s0  }
0x321: {  	[hbm4b:s31+s3] =	stream.linear.scatter [tilespmem:s30], [sflag:$0x1], $0x80, $0x38;
	[tilespmem:$0x8080] =	vst v63  }
0x322: {  	s26 =	sadd.s32 $0x5A48, s24;
	s28 =	sadd.s32 $0x50, s0  }
0x323: {  	[hbm4b:s28+s3] =	stream.linear.scatter [tilespmem:s26], [sflag:$0x1], $0x80, $0x38;
	[tilespmem:$0x8080] =	vst v63  }
0x324: {  	s29 =	sadd.s32 $0x6A58, s24;
	s30 =	sadd.s32 $0x60, s0  }
0x325: {  	[hbm4b:s30+s3] =	stream.linear.scatter [tilespmem:s29], [sflag:$0x1], $0x80, $0x38;
	[tilespmem:$0x8080] =	vst v63  }
0x326: {  	s31 =	rddreg [dreg:$0x7];
	s0 =	sadd.s32 $0x70, s0;
	s26 =	sadd.s32 $0x7A68, s24  }
0x327: {  	[hbm4b:s0+s3] =	stream.linear.scatter [tilespmem:s26], [sflag:$0x1], $0x80, $0x38;
	[tilespmem:$0x8080] =	vst v63  }
0x328: {  	s29 =	sadd.s32 $0xA78, s24;
	s0 =	sadd.s32 s25, s31  }
0x329: {  	[hbm4b:s0+s3] =	stream.linear.scatter [tilespmem:s29], [sflag:$0x1], $0x80, $0x38;
	[tilespmem:$0x8080] =	vst v63  }
0x32a: {  	s30 =	sadd.s32 $0x1A88, s24;
	s31 =	sadd.s32 $0x10, s0  }
0x32b: {  	[hbm4b:s31+s3] =	stream.linear.scatter [tilespmem:s30], [sflag:$0x1], $0x80, $0x38;
	[tilespmem:$0x8080] =	vst v63  }
0x32c: {  	s28 =	sadd.s32 $0x2A98, s24;
	s29 =	sadd.s32 $0x20, s0  }
0x32d: {  	[hbm4b:s29+s3] =	stream.linear.scatter [tilespmem:s28], [sflag:$0x1], $0x80, $0x38;
	[tilespmem:$0x8080] =	vst v63  }
0x32e: {  	s30 =	sadd.s32 $0x3AA8, s24;
	s31 =	sadd.s32 $0x30, s0  }
0x32f: {  	[hbm4b:s31+s3] =	stream.linear.scatter [tilespmem:s30], [sflag:$0x1], $0x80, $0x38;
	[tilespmem:$0x8080] =	vst v63  }
0x330: {  	s28 =	sadd.s32 $0x4AB8, s24;
	s29 =	sadd.s32 $0x40, s0  }
0x331: {  	[hbm4b:s29+s3] =	stream.linear.scatter [tilespmem:s28], [sflag:$0x1], $0x80, $0x38;
	[tilespmem:$0x8080] =	vst v63  }
0x332: {  	s30 =	sadd.s32 $0x5AC8, s24;
	s31 =	sadd.s32 $0x50, s0  }
0x333: {  	[hbm4b:s31+s3] =	stream.linear.scatter [tilespmem:s30], [sflag:$0x1], $0x80, $0x38;
	[tilespmem:$0x8080] =	vst v63  }
0x334: {  	s26 =	sadd.s32 $0x6AD8, s24;
	s29 =	sadd.s32 $0x60, s0  }
0x335: {  	[hbm4b:s29+s3] =	stream.linear.scatter [tilespmem:s26], [sflag:$0x1], $0x80, $0x38;
	[tilespmem:$0x8080] =	vst v63  }
0x336: {  	s0 =	sadd.s32 $0x70, s0;
	s30 =	rddreg [dreg:$0x8];
	s31 =	sadd.s32 $0x7AE8, s24  }
0x337: {  	[hbm4b:s0+s3] =	stream.linear.scatter [tilespmem:s31], [sflag:$0x1], $0x80, $0x38;
	[tilespmem:$0x8080] =	vst v63  }
0x338: {  	s26 =	sadd.s32 $0xAF8, s24;
	s0 =	sadd.s32 s25, s30  }
0x339: {  	[hbm4b:s0+s3] =	stream.linear.scatter [tilespmem:s26], [sflag:$0x1], $0x80, $0x38;
	[tilespmem:$0x8080] =	vst v63  }
0x33a: {  	s28 =	sadd.s32 $0x1B08, s24;
	s29 =	sadd.s32 $0x10, s0  }
0x33b: {  	[hbm4b:s29+s3] =	stream.linear.scatter [tilespmem:s28], [sflag:$0x1], $0x80, $0x38;
	[tilespmem:$0x8080] =	vst v63  }
0x33c: {  	s30 =	sadd.s32 $0x2B18, s24;
	s31 =	sadd.s32 $0x20, s0  }
0x33d: {  	[hbm4b:s31+s3] =	stream.linear.scatter [tilespmem:s30], [sflag:$0x1], $0x80, $0x38;
	[tilespmem:$0x8080] =	vst v63  }
0x33e: {  	s28 =	sadd.s32 $0x3B28, s24;
	s29 =	sadd.s32 $0x30, s0  }
0x33f: {  	[hbm4b:s29+s3] =	stream.linear.scatter [tilespmem:s28], [sflag:$0x1], $0x80, $0x38;
	[tilespmem:$0x8080] =	vst v63  }
0x340: {  	s30 =	sadd.s32 $0x4B38, s24;
	s31 =	sadd.s32 $0x40, s0  }
0x341: {  	[hbm4b:s31+s3] =	stream.linear.scatter [tilespmem:s30], [sflag:$0x1], $0x80, $0x38;
	[tilespmem:$0x8080] =	vst v63  }
0x342: {  	s26 =	sadd.s32 $0x5B48, s24;
	s28 =	sadd.s32 $0x50, s0  }
0x343: {  	[hbm4b:s28+s3] =	stream.linear.scatter [tilespmem:s26], [sflag:$0x1], $0x80, $0x38;
	[tilespmem:$0x8080] =	vst v63  }
0x344: {  	s29 =	sadd.s32 $0x6B58, s24;
	s30 =	sadd.s32 $0x60, s0  }
0x345: {  	[hbm4b:s30+s3] =	stream.linear.scatter [tilespmem:s29], [sflag:$0x1], $0x80, $0x38;
	[tilespmem:$0x8080] =	vst v63  }
0x346: {  	s31 =	rddreg [dreg:$0x9];
	s0 =	sadd.s32 $0x70, s0;
	s26 =	sadd.s32 $0x7B68, s24  }
0x347: {  	[hbm4b:s0+s3] =	stream.linear.scatter [tilespmem:s26], [sflag:$0x1], $0x80, $0x38;
	[tilespmem:$0x8080] =	vst v63  }
0x348: {  	s29 =	sadd.s32 $0xB78, s24;
	s0 =	sadd.s32 s25, s31  }
0x349: {  	[hbm4b:s0+s3] =	stream.linear.scatter [tilespmem:s29], [sflag:$0x1], $0x80, $0x38;
	[tilespmem:$0x8080] =	vst v63  }
0x34a: {  	s30 =	sadd.s32 $0x1B88, s24;
	s31 =	sadd.s32 $0x10, s0  }
0x34b: {  	[hbm4b:s31+s3] =	stream.linear.scatter [tilespmem:s30], [sflag:$0x1], $0x80, $0x38;
	[tilespmem:$0x8080] =	vst v63  }
0x34c: {  	s28 =	sadd.s32 $0x2B98, s24;
	s29 =	sadd.s32 $0x20, s0  }
0x34d: {  	[hbm4b:s29+s3] =	stream.linear.scatter [tilespmem:s28], [sflag:$0x1], $0x80, $0x38;
	[tilespmem:$0x8080] =	vst v63  }
0x34e: {  	s30 =	sadd.s32 $0x3BA8, s24;
	s31 =	sadd.s32 $0x30, s0  }
0x34f: {  	[hbm4b:s31+s3] =	stream.linear.scatter [tilespmem:s30], [sflag:$0x1], $0x80, $0x38;
	[tilespmem:$0x8080] =	vst v63  }
0x350: {  	s28 =	sadd.s32 $0x4BB8, s24;
	s29 =	sadd.s32 $0x40, s0  }
0x351: {  	[hbm4b:s29+s3] =	stream.linear.scatter [tilespmem:s28], [sflag:$0x1], $0x80, $0x38;
	[tilespmem:$0x8080] =	vst v63  }
0x352: {  	s30 =	sadd.s32 $0x5BC8, s24;
	s31 =	sadd.s32 $0x50, s0  }
0x353: {  	[hbm4b:s31+s3] =	stream.linear.scatter [tilespmem:s30], [sflag:$0x1], $0x80, $0x38;
	[tilespmem:$0x8080] =	vst v63  }
0x354: {  	s26 =	sadd.s32 $0x6BD8, s24;
	s29 =	sadd.s32 $0x60, s0  }
0x355: {  	[hbm4b:s29+s3] =	stream.linear.scatter [tilespmem:s26], [sflag:$0x1], $0x80, $0x38;
	[tilespmem:$0x8080] =	vst v63  }
0x356: {  	s0 =	sadd.s32 $0x70, s0;
	s30 =	rddreg [dreg:$0xa];
	s31 =	sadd.s32 $0x7BE8, s24  }
0x357: {  	[hbm4b:s0+s3] =	stream.linear.scatter [tilespmem:s31], [sflag:$0x1], $0x80, $0x38;
	[tilespmem:$0x8080] =	vst v63  }
0x358: {  	s26 =	sadd.s32 $0xBF8, s24;
	s0 =	sadd.s32 s25, s30  }
0x359: {  	[hbm4b:s0+s3] =	stream.linear.scatter [tilespmem:s26], [sflag:$0x1], $0x80, $0x38;
	[tilespmem:$0x8080] =	vst v63  }
0x35a: {  	s28 =	sadd.s32 $0x1C08, s24;
	s29 =	sadd.s32 $0x10, s0  }
0x35b: {  	[hbm4b:s29+s3] =	stream.linear.scatter [tilespmem:s28], [sflag:$0x1], $0x80, $0x38;
	[tilespmem:$0x8080] =	vst v63  }
0x35c: {  	s30 =	sadd.s32 $0x2C18, s24;
	s31 =	sadd.s32 $0x20, s0  }
0x35d: {  	[hbm4b:s31+s3] =	stream.linear.scatter [tilespmem:s30], [sflag:$0x1], $0x80, $0x38;
	[tilespmem:$0x8080] =	vst v63  }
0x35e: {  	s28 =	sadd.s32 $0x3C28, s24;
	s29 =	sadd.s32 $0x30, s0  }
0x35f: {  	[hbm4b:s29+s3] =	stream.linear.scatter [tilespmem:s28], [sflag:$0x1], $0x80, $0x38;
	[tilespmem:$0x8080] =	vst v63  }
0x360: {  	s30 =	sadd.s32 $0x4C38, s24;
	s31 =	sadd.s32 $0x40, s0  }
0x361: {  	[hbm4b:s31+s3] =	stream.linear.scatter [tilespmem:s30], [sflag:$0x1], $0x80, $0x38;
	[tilespmem:$0x8080] =	vst v63  }
0x362: {  	s26 =	sadd.s32 $0x5C48, s24;
	s28 =	sadd.s32 $0x50, s0  }
0x363: {  	[hbm4b:s28+s3] =	stream.linear.scatter [tilespmem:s26], [sflag:$0x1], $0x80, $0x38;
	[tilespmem:$0x8080] =	vst v63  }
0x364: {  	s29 =	sadd.s32 $0x6C58, s24;
	s30 =	sadd.s32 $0x60, s0  }
0x365: {  	[hbm4b:s30+s3] =	stream.linear.scatter [tilespmem:s29], [sflag:$0x1], $0x80, $0x38;
	[tilespmem:$0x8080] =	vst v63  }
0x366: {  	s31 =	rddreg [dreg:$0xb];
	s0 =	sadd.s32 $0x70, s0;
	s26 =	sadd.s32 $0x7C68, s24  }
0x367: {  	[hbm4b:s0+s3] =	stream.linear.scatter [tilespmem:s26], [sflag:$0x1], $0x80, $0x38;
	[tilespmem:$0x8080] =	vst v63  }
0x368: {  	s29 =	sadd.s32 $0xC78, s24;
	s0 =	sadd.s32 s25, s31  }
0x369: {  	[hbm4b:s0+s3] =	stream.linear.scatter [tilespmem:s29], [sflag:$0x1], $0x80, $0x38;
	[tilespmem:$0x8080] =	vst v63  }
0x36a: {  	s30 =	sadd.s32 $0x1C88, s24;
	s31 =	sadd.s32 $0x10, s0  }
0x36b: {  	[hbm4b:s31+s3] =	stream.linear.scatter [tilespmem:s30], [sflag:$0x1], $0x80, $0x38;
	[tilespmem:$0x8080] =	vst v63  }
0x36c: {  	s28 =	sadd.s32 $0x2C98, s24;
	s29 =	sadd.s32 $0x20, s0  }
0x36d: {  	[hbm4b:s29+s3] =	stream.linear.scatter [tilespmem:s28], [sflag:$0x1], $0x80, $0x38;
	[tilespmem:$0x8080] =	vst v63  }
0x36e: {  	s30 =	sadd.s32 $0x3CA8, s24;
	s31 =	sadd.s32 $0x30, s0  }
0x36f: {  	[hbm4b:s31+s3] =	stream.linear.scatter [tilespmem:s30], [sflag:$0x1], $0x80, $0x38;
	[tilespmem:$0x8080] =	vst v63  }
0x370: {  	s28 =	sadd.s32 $0x4CB8, s24;
	s29 =	sadd.s32 $0x40, s0  }
0x371: {  	[hbm4b:s29+s3] =	stream.linear.scatter [tilespmem:s28], [sflag:$0x1], $0x80, $0x38;
	[tilespmem:$0x8080] =	vst v63  }
0x372: {  	s30 =	sadd.s32 $0x5CC8, s24;
	s31 =	sadd.s32 $0x50, s0  }
0x373: {  	[hbm4b:s31+s3] =	stream.linear.scatter [tilespmem:s30], [sflag:$0x1], $0x80, $0x38;
	[tilespmem:$0x8080] =	vst v63  }
0x374: {  	s26 =	sadd.s32 $0x6CD8, s24;
	s29 =	sadd.s32 $0x60, s0  }
0x375: {  	[hbm4b:s29+s3] =	stream.linear.scatter [tilespmem:s26], [sflag:$0x1], $0x80, $0x38;
	[tilespmem:$0x8080] =	vst v63  }
0x376: {  	s0 =	sadd.s32 $0x70, s0;
	s30 =	rddreg [dreg:$0xc];
	s31 =	sadd.s32 $0x7CE8, s24  }
0x377: {  	[hbm4b:s0+s3] =	stream.linear.scatter [tilespmem:s31], [sflag:$0x1], $0x80, $0x38;
	[tilespmem:$0x8080] =	vst v63  }
0x378: {  	s26 =	sadd.s32 $0xCF8, s24;
	s0 =	sadd.s32 s25, s30  }
0x379: {  	[hbm4b:s0+s3] =	stream.linear.scatter [tilespmem:s26], [sflag:$0x1], $0x80, $0x38;
	[tilespmem:$0x8080] =	vst v63  }
0x37a: {  	s28 =	sadd.s32 $0x1D08, s24;
	s29 =	sadd.s32 $0x10, s0  }
0x37b: {  	[hbm4b:s29+s3] =	stream.linear.scatter [tilespmem:s28], [sflag:$0x1], $0x80, $0x38;
	[tilespmem:$0x8080] =	vst v63  }
0x37c: {  	s30 =	sadd.s32 $0x2D18, s24;
	s31 =	sadd.s32 $0x20, s0  }
0x37d: {  	[hbm4b:s31+s3] =	stream.linear.scatter [tilespmem:s30], [sflag:$0x1], $0x80, $0x38;
	[tilespmem:$0x8080] =	vst v63  }
0x37e: {  	s28 =	sadd.s32 $0x3D28, s24;
	s29 =	sadd.s32 $0x30, s0  }
0x37f: {  	[hbm4b:s29+s3] =	stream.linear.scatter [tilespmem:s28], [sflag:$0x1], $0x80, $0x38;
	[tilespmem:$0x8080] =	vst v63  }
0x380: {  	s30 =	sadd.s32 $0x4D38, s24;
	s31 =	sadd.s32 $0x40, s0  }
0x381: {  	[hbm4b:s31+s3] =	stream.linear.scatter [tilespmem:s30], [sflag:$0x1], $0x80, $0x38;
	[tilespmem:$0x8080] =	vst v63  }
0x382: {  	s26 =	sadd.s32 $0x5D48, s24;
	s28 =	sadd.s32 $0x50, s0  }
0x383: {  	[hbm4b:s28+s3] =	stream.linear.scatter [tilespmem:s26], [sflag:$0x1], $0x80, $0x38;
	[tilespmem:$0x8080] =	vst v63  }
0x384: {  	s29 =	sadd.s32 $0x6D58, s24;
	s30 =	sadd.s32 $0x60, s0  }
0x385: {  	[hbm4b:s30+s3] =	stream.linear.scatter [tilespmem:s29], [sflag:$0x1], $0x80, $0x38;
	[tilespmem:$0x8080] =	vst v63  }
0x386: {  	s31 =	rddreg [dreg:$0xd];
	s0 =	sadd.s32 $0x70, s0;
	s26 =	sadd.s32 $0x7D68, s24  }
0x387: {  	[hbm4b:s0+s3] =	stream.linear.scatter [tilespmem:s26], [sflag:$0x1], $0x80, $0x38;
	[tilespmem:$0x8080] =	vst v63  }
0x388: {  	s29 =	sadd.s32 $0xD78, s24;
	s0 =	sadd.s32 s25, s31  }
0x389: {  	[hbm4b:s0+s3] =	stream.linear.scatter [tilespmem:s29], [sflag:$0x1], $0x80, $0x38;
	[tilespmem:$0x8080] =	vst v63  }
0x38a: {  	s30 =	sadd.s32 $0x1D88, s24;
	s31 =	sadd.s32 $0x10, s0  }
0x38b: {  	[hbm4b:s31+s3] =	stream.linear.scatter [tilespmem:s30], [sflag:$0x1], $0x80, $0x38;
	[tilespmem:$0x8080] =	vst v63  }
0x38c: {  	s28 =	sadd.s32 $0x2D98, s24;
	s29 =	sadd.s32 $0x20, s0  }
0x38d: {  	[hbm4b:s29+s3] =	stream.linear.scatter [tilespmem:s28], [sflag:$0x1], $0x80, $0x38;
	[tilespmem:$0x8080] =	vst v63  }
0x38e: {  	s30 =	sadd.s32 $0x3DA8, s24;
	s31 =	sadd.s32 $0x30, s0  }
0x38f: {  	[hbm4b:s31+s3] =	stream.linear.scatter [tilespmem:s30], [sflag:$0x1], $0x80, $0x38;
	[tilespmem:$0x8080] =	vst v63  }
0x390: {  	s28 =	sadd.s32 $0x4DB8, s24;
	s29 =	sadd.s32 $0x40, s0  }
0x391: {  	[hbm4b:s29+s3] =	stream.linear.scatter [tilespmem:s28], [sflag:$0x1], $0x80, $0x38;
	[tilespmem:$0x8080] =	vst v63  }
0x392: {  	s30 =	sadd.s32 $0x5DC8, s24;
	s31 =	sadd.s32 $0x50, s0  }
0x393: {  	[hbm4b:s31+s3] =	stream.linear.scatter [tilespmem:s30], [sflag:$0x1], $0x80, $0x38;
	[tilespmem:$0x8080] =	vst v63  }
0x394: {  	s26 =	sadd.s32 $0x6DD8, s24;
	s29 =	sadd.s32 $0x60, s0  }
0x395: {  	[hbm4b:s29+s3] =	stream.linear.scatter [tilespmem:s26], [sflag:$0x1], $0x80, $0x38;
	[tilespmem:$0x8080] =	vst v63  }
0x396: {  	s0 =	sadd.s32 $0x70, s0;
	s30 =	rddreg [dreg:$0xe];
	s31 =	sadd.s32 $0x7DE8, s24  }
0x397: {  	[hbm4b:s0+s3] =	stream.linear.scatter [tilespmem:s31], [sflag:$0x1], $0x80, $0x38;
	[tilespmem:$0x8080] =	vst v63  }
0x398: {  	s26 =	sadd.s32 $0xDF8, s24;
	s0 =	sadd.s32 s25, s30  }
0x399: {  	[hbm4b:s0+s3] =	stream.linear.scatter [tilespmem:s26], [sflag:$0x1], $0x80, $0x38;
	[tilespmem:$0x8080] =	vst v63  }
0x39a: {  	s28 =	sadd.s32 $0x1E08, s24;
	s29 =	sadd.s32 $0x10, s0  }
0x39b: {  	[hbm4b:s29+s3] =	stream.linear.scatter [tilespmem:s28], [sflag:$0x1], $0x80, $0x38;
	[tilespmem:$0x8080] =	vst v63  }
0x39c: {  	s30 =	sadd.s32 $0x2E18, s24;
	s31 =	sadd.s32 $0x20, s0  }
0x39d: {  	[hbm4b:s31+s3] =	stream.linear.scatter [tilespmem:s30], [sflag:$0x1], $0x80, $0x38;
	[tilespmem:$0x8080] =	vst v63  }
0x39e: {  	s28 =	sadd.s32 $0x3E28, s24;
	s29 =	sadd.s32 $0x30, s0  }
0x39f: {  	[hbm4b:s29+s3] =	stream.linear.scatter [tilespmem:s28], [sflag:$0x1], $0x80, $0x38;
	[tilespmem:$0x8080] =	vst v63  }
0x3a0: {  	s30 =	sadd.s32 $0x4E38, s24;
	s31 =	sadd.s32 $0x40, s0  }
0x3a1: {  	[hbm4b:s31+s3] =	stream.linear.scatter [tilespmem:s30], [sflag:$0x1], $0x80, $0x38;
	[tilespmem:$0x8080] =	vst v63  }
0x3a2: {  	s26 =	sadd.s32 $0x5E48, s24;
	s28 =	sadd.s32 $0x50, s0  }
0x3a3: {  	[hbm4b:s28+s3] =	stream.linear.scatter [tilespmem:s26], [sflag:$0x1], $0x80, $0x38;
	[tilespmem:$0x8080] =	vst v63  }
0x3a4: {  	s29 =	sadd.s32 $0x6E58, s24;
	s30 =	sadd.s32 $0x60, s0  }
0x3a5: {  	[hbm4b:s30+s3] =	stream.linear.scatter [tilespmem:s29], [sflag:$0x1], $0x80, $0x38;
	[tilespmem:$0x8080] =	vst v63  }
0x3a6: {  	s31 =	rddreg [dreg:$0xf];
	s0 =	sadd.s32 $0x70, s0;
	s26 =	sadd.s32 $0x7E68, s24  }
0x3a7: {  	[hbm4b:s0+s3] =	stream.linear.scatter [tilespmem:s26], [sflag:$0x1], $0x80, $0x38;
	[tilespmem:$0x8080] =	vst v63  }
0x3a8: {  	s29 =	sadd.s32 $0xE78, s24;
	s0 =	sadd.s32 s25, s31  }
0x3a9: {  	[hbm4b:s0+s3] =	stream.linear.scatter [tilespmem:s29], [sflag:$0x1], $0x80, $0x38;
	[tilespmem:$0x8080] =	vst v63  }
0x3aa: {  	s30 =	sadd.s32 $0x1E88, s24;
	s31 =	sadd.s32 $0x10, s0  }
0x3ab: {  	[hbm4b:s31+s3] =	stream.linear.scatter [tilespmem:s30], [sflag:$0x1], $0x80, $0x38;
	[tilespmem:$0x8080] =	vst v63  }
0x3ac: {  	s28 =	sadd.s32 $0x2E98, s24;
	s29 =	sadd.s32 $0x20, s0  }
0x3ad: {  	[hbm4b:s29+s3] =	stream.linear.scatter [tilespmem:s28], [sflag:$0x1], $0x80, $0x38;
	[tilespmem:$0x8080] =	vst v63  }
0x3ae: {  	s30 =	sadd.s32 $0x3EA8, s24;
	s31 =	sadd.s32 $0x30, s0  }
0x3af: {  	[hbm4b:s31+s3] =	stream.linear.scatter [tilespmem:s30], [sflag:$0x1], $0x80, $0x38;
	[tilespmem:$0x8080] =	vst v63  }
0x3b0: {  	s28 =	sadd.s32 $0x4EB8, s24;
	s29 =	sadd.s32 $0x40, s0  }
0x3b1: {  	[hbm4b:s29+s3] =	stream.linear.scatter [tilespmem:s28], [sflag:$0x1], $0x80, $0x38;
	[tilespmem:$0x8080] =	vst v63  }
0x3b2: {  	s30 =	sadd.s32 $0x5EC8, s24;
	s31 =	sadd.s32 $0x50, s0  }
0x3b3: {  	[hbm4b:s31+s3] =	stream.linear.scatter [tilespmem:s30], [sflag:$0x1], $0x80, $0x38;
	[tilespmem:$0x8080] =	vst v63  }
0x3b4: {  	s26 =	sadd.s32 $0x6ED8, s24;
	s29 =	sadd.s32 $0x60, s0  }
0x3b5: {  	[hbm4b:s29+s3] =	stream.linear.scatter [tilespmem:s26], [sflag:$0x1], $0x80, $0x38;
	[tilespmem:$0x8080] =	vst v63  }
0x3b6: {  	s0 =	sadd.s32 $0x70, s0;
	s30 =	rddreg [dreg:$0x10];
	s31 =	sadd.s32 $0x7EE8, s24  }
0x3b7: {  	[hbm4b:s0+s3] =	stream.linear.scatter [tilespmem:s31], [sflag:$0x1], $0x80, $0x38;
	[tilespmem:$0x8080] =	vst v63  }
0x3b8: {  	s26 =	sadd.s32 $0xEF8, s24;
	s0 =	sadd.s32 s25, s30  }
0x3b9: {  	[hbm4b:s0+s3] =	stream.linear.scatter [tilespmem:s26], [sflag:$0x1], $0x80, $0x38;
	[tilespmem:$0x8080] =	vst v63  }
0x3ba: {  	s28 =	sadd.s32 $0x1F08, s24;
	s29 =	sadd.s32 $0x10, s0  }
0x3bb: {  	[hbm4b:s29+s3] =	stream.linear.scatter [tilespmem:s28], [sflag:$0x1], $0x80, $0x38;
	[tilespmem:$0x8080] =	vst v63  }
0x3bc: {  	s30 =	sadd.s32 $0x2F18, s24;
	s31 =	sadd.s32 $0x20, s0  }
0x3bd: {  	[hbm4b:s31+s3] =	stream.linear.scatter [tilespmem:s30], [sflag:$0x1], $0x80, $0x38;
	[tilespmem:$0x8080] =	vst v63  }
0x3be: {  	s28 =	sadd.s32 $0x3F28, s24;
	s29 =	sadd.s32 $0x30, s0  }
0x3bf: {  	[hbm4b:s29+s3] =	stream.linear.scatter [tilespmem:s28], [sflag:$0x1], $0x80, $0x38;
	[tilespmem:$0x8080] =	vst v63  }
0x3c0: {  	s30 =	sadd.s32 $0x4F38, s24;
	s31 =	sadd.s32 $0x40, s0  }
0x3c1: {  	[hbm4b:s31+s3] =	stream.linear.scatter [tilespmem:s30], [sflag:$0x1], $0x80, $0x38;
	[tilespmem:$0x8080] =	vst v63  }
0x3c2: {  	s26 =	sadd.s32 $0x5F48, s24;
	s28 =	sadd.s32 $0x50, s0  }
0x3c3: {  	[hbm4b:s28+s3] =	stream.linear.scatter [tilespmem:s26], [sflag:$0x1], $0x80, $0x38;
	[tilespmem:$0x8080] =	vst v63  }
0x3c4: {  	s29 =	sadd.s32 $0x6F58, s24;
	s30 =	sadd.s32 $0x60, s0  }
0x3c5: {  	[hbm4b:s30+s3] =	stream.linear.scatter [tilespmem:s29], [sflag:$0x1], $0x80, $0x38;
	[tilespmem:$0x8080] =	vst v63  }
0x3c6: {  	s31 =	rddreg [dreg:$0x11];
	s0 =	sadd.s32 $0x70, s0;
	s29 =	sadd.s32 $0x7F68, s24  }
0x3c7: {  	[hbm4b:s0+s3] =	stream.linear.scatter [tilespmem:s29], [sflag:$0x1], $0x80, $0x38;
	[tilespmem:$0x8080] =	vst v63  }
0x3c8: {  	s30 =	sadd.s32 $0xF78, s24;
	s0 =	sadd.s32 s25, s31  }
0x3c9: {  	[hbm4b:s0+s3] =	stream.linear.scatter [tilespmem:s30], [sflag:$0x1], $0x80, $0x38;
	[tilespmem:$0x8080] =	vst v63  }
0x3ca: {  	s31 =	sadd.s32 $0x1F88, s24;
	s25 =	sadd.s32 $0x10, s0  }
0x3cb: {  	[hbm4b:s25+s3] =	stream.linear.scatter [tilespmem:s31], [sflag:$0x1], $0x80, $0x38;
	[tilespmem:$0x8080] =	vst v63  }
0x3cc: {  	s26 =	sadd.s32 $0x20, s0;
	s25 =	sadd.s32 $0x2F98, s24  }
0x3cd: {  	[hbm4b:s26+s3] =	stream.linear.scatter [tilespmem:s25], [sflag:$0x1], $0x80, $0x38;
	[tilespmem:$0x8080] =	vst v63  }
0x3ce: {  	s28 =	sadd.s32 $0x3FA8, s24;
	s29 =	sadd.s32 $0x30, s0  }
0x3cf: {  	[hbm4b:s29+s3] =	stream.linear.scatter [tilespmem:s28], [sflag:$0x1], $0x80, $0x38;
	[tilespmem:$0x8080] =	vst v63  }
0x3d0: {  	s30 =	sadd.s32 $0x4FB8, s24;
	s31 =	sadd.s32 $0x40, s0  }
0x3d1: {  	[hbm4b:s31+s3] =	stream.linear.scatter [tilespmem:s30], [sflag:$0x1], $0x80, $0x38;
	[tilespmem:$0x8080] =	vst v63  }
0x3d2: {  	s26 =	sadd.s32 $0x5FC8, s24;
	s28 =	sadd.s32 $0x50, s0  }
0x3d3: {  	[hbm4b:s28+s3] =	stream.linear.scatter [tilespmem:s26], [sflag:$0x1], $0x80, $0x38;
	[tilespmem:$0x8080] =	vst v63  }
0x3d4: {  	s29 =	sadd.s32 $0x6FD8, s24;
	s30 =	sadd.s32 $0x60, s0  }
0x3d5: {  	[hbm4b:s30+s3] =	stream.linear.scatter [tilespmem:s29], [sflag:$0x1], $0x80, $0x38;
	[tilespmem:$0x8080] =	vst v63  }
0x3d6: {  	s31 =	sadd.s32 $0x7FE8, s24;
	s0 =	sadd.s32 $0x70, s0  }
0x3d7: {  	[hbm4b:s0+s3] =	stream.linear.scatter [tilespmem:s31], [sflag:$0x1], $0x80, $0x38;
	[tilespmem:$0x8080] =	vst v63  }
0x3d8: {  	_ =	swait.ge [sflag:s4], $0x400  }
0x3d9: {  	[sflag:s4] =	ssyncset.done $0x0  }
0x3da: {  	[sflag:s4] =	ssyncadd.s32 $0xFFFFFC00  }
0x3db: {  	_ =	swait.ge [sflag:s4], $0x400  }
0x3dc: {  	[sflag:s4] =	ssyncset.done $0x0  }
0x3dd: {  	[sflag:s4] =	ssyncadd.s32 $0xFFFFFC00  }
0x3de: {  	_ =	swait.ge [sflag:s4], $0x400  }
0x3df: {  	[sflag:s4] =	ssyncset.done $0x0  }
0x3e0: {  	[sflag:s4] =	ssyncadd.s32 $0xFFFFFC00  }
0x3e1: {  	_ =	swait.ge [sflag:s4], $0x400  }
0x3e2: {  	[sflag:s4] =	ssyncset.done $0x0  }
0x3e3: {  	[sflag:s4] =	ssyncadd.s32 $0xFFFFFC00  }
0x3e4: {  	_ =	swait.ge [sflag:s4], $0x400  }
0x3e5: {  	[sflag:s4] =	ssyncset.done $0x0  }
0x3e6: {  	[sflag:s4] =	ssyncadd.s32 $0xFFFFFC00  }
0x3e7: {  	_ =	swait.ge [sflag:s4], $0x400  }
0x3e8: {  	[sflag:s4] =	ssyncset.done $0x0  }
0x3e9: {  	[sflag:s4] =	ssyncadd.s32 $0xFFFFFC00  }
0x3ea: {  	_ =	swait.ge [sflag:s4], $0x400  }
0x3eb: {  	[sflag:s4] =	ssyncset.done $0x0  }
0x3ec: {  	[sflag:s4] =	ssyncadd.s32 $0xFFFFFC00  }
0x3ed: {  	_ =	swait.ge [sflag:s4], $0x400  }
0x3ee: {  	[sflag:s4] =	ssyncset.done $0x0  }
0x3ef: {  	[sflag:s4] =	ssyncadd.s32 $0xFFFFFC00  }
0x3f0: {  	_ =	swait.ge [sflag:s4], $0x400  }
0x3f1: {  	[sflag:s4] =	ssyncset.done $0x0  }
0x3f2: {  	[sflag:s4] =	ssyncadd.s32 $0xFFFFFC00  }
0x3f3: {  	_ =	swait.ge [sflag:s4], $0x400  }
0x3f4: {  	[sflag:s4] =	ssyncset.done $0x0  }
0x3f5: {  	[sflag:s4] =	ssyncadd.s32 $0xFFFFFC00  }
0x3f6: {  	_ =	swait.ge [sflag:s4], $0x400  }
0x3f7: {  	[sflag:s4] =	ssyncset.done $0x0  }
0x3f8: {  	[sflag:s4] =	ssyncadd.s32 $0xFFFFFC00  }
0x3f9: {  	_ =	swait.ge [sflag:s4], $0x400  }
0x3fa: {  	[sflag:s4] =	ssyncset.done $0x0  }
0x3fb: {  	[sflag:s4] =	ssyncadd.s32 $0xFFFFFC00  }
0x3fc: {  	_ =	swait.ge [sflag:s4], $0x400  }
0x3fd: {  	[sflag:s4] =	ssyncset.done $0x0  }
0x3fe: {  	[sflag:s4] =	ssyncadd.s32 $0xFFFFFC00  }
0x3ff: {  	_ =	swait.ge [sflag:s4], $0x400  }
0x400: {  	[sflag:s4] =	ssyncset.done $0x0  }
0x401: {  	s23 =	sadd.s32 $0x1, s23;
	[sflag:s4] =	ssyncadd.s32 $0xFFFFFC00  }
0x402: {  	p0 =	sne.s32 s23, s13;
	_ =	swait.ge [sflag:s4], $0x400  }
.Ltmp2:
0x403: {  	[sflag:s4] =	ssyncset.done $0x0;
	(pc) =	sbr.rel @p0 .LBB2_1-.Ltmp2, $4  }
0x404: {  	[sflag:s4] =	ssyncadd.s32 $0xFFFFFC00  }
0x405: {  	_ =	swait.ge [sflag:s4], $0x400  }
0x406: {  	[sflag:s4] =	ssyncset.done $0x0  }
0x407: {  	[sflag:s4] =	ssyncadd.s32 $0xFFFFFC00  }
0x408: {  	_ =	sfence.sel $0x180000  }
0x409: {  	[bflag:$0x0] =	sbarrier.arrive $0xFFFF  }
0x40a: {  	_ =	strace $0x90000047  }
0x40b: {  	s0 =	stileid.u32;
	[bflag:$0x2] =	sbarrier.arrive $0xFFFF  }
0x40c: {  	p0 =	sne.s32 s0, $0x0;
	s0 =	rddreg [dreg:$0x2]  }
0x40d: {  	s0 =	sadd.s32 @!p0 $0x100000, s0  }
0x40e: {  	[sflag:s0] =	ssyncadd.tile.s32 @!p0 $0x1;
	_ =	shalt  }
.Lfunc_end2:
_tile_overlayer_lowered:
.L_overlay_start_2:
0x40f: {  	(tag) =	ssettag $0x2  }
0x410: {  	s0 =	rddreg [dreg:$0x0];
	s2 =	stileid.u32  }
0x411: {  	s1 =	rddreg [dreg:$0x1];
	p0 =	sne.s32 s2, $0x0  }
0x412: {  	s3 =	rddreg [dreg:$0x2];
	[bflag:$0x3] =	sbarrier.arrive $0xFFFF;
	s2 =	simm.s32 @!p0 $0x1C02  }
0x413: {  	[timem:s3], [sflag:s2] =	dma.local @!p0 [hbm:s0], s1  }
0x414: {  	s0 =	simm.s32 @!p0 $0x2  }
0x415: {  	_ =	swait.ge @!p0 [sflag:s0], s1  }
0x416: {  	s1 =	ssub.s32 @!p0 $0x0, s1;
	[sflag:s0] =	ssyncset.done @!p0 $0x0  }
0x417: {  	[sflag:s0] =	ssyncadd.s32 @!p0 s1  }
0x418: {  	[bflag:$0x3] =	sbarrier.arrive $0xFFFF  }
0x419: {  	_ =	shalt  }

</sc_bundles>
